<compile_context>
chip_gen: v7x
topology: tpu7x:2x2x1
jax: 0.10.2.dev20260603
libtpu: 0.0.44.dev20260713+nightly
codegen_flags: <defaults>
</compile_context>

<pallas_src>
import functools

import jax
import jax.numpy as jnp
from jax import lax
from jax.experimental import pallas as pl
from jax.experimental.pallas import tpu as pltpu
from jax.experimental.pallas import tpu_sc as plsc

NC = 2
NS = 16
NW = NC * NS
EMBED = 128
CB = 4
NBUF = 3


def kernel(x, table):
    batch, hist = x.shape
    idx = x.reshape(batch * hist).astype(jnp.int32)
    rows_per_worker = batch // NW
    n_chunks = rows_per_worker // CB
    chunk_idx = CB * hist
    worker_idx = rows_per_worker * hist
    n_loop = (n_chunks // 6) * 6

    mesh = plsc.VectorSubcoreMesh(core_axis_name="c", subcore_axis_name="s")

    @functools.partial(
        pl.kernel,
        mesh=mesh,
        out_type=jax.ShapeDtypeStruct((batch, hist, EMBED), table.dtype),
        scratch_types=[
            pltpu.VMEM((chunk_idx,), jnp.int32),
            pltpu.VMEM((chunk_idx,), jnp.int32),
            pltpu.VMEM((chunk_idx,), jnp.int32),
            pltpu.VMEM((chunk_idx, EMBED), table.dtype),
            pltpu.VMEM((chunk_idx, EMBED), table.dtype),
            pltpu.VMEM((chunk_idx, EMBED), table.dtype),
            pltpu.VMEM_SHARED((NS, chunk_idx, EMBED), table.dtype),
            pltpu.VMEM_SHARED((NS, chunk_idx, EMBED), table.dtype),
            pltpu.SemaphoreType.DMA,
            pltpu.SemaphoreType.DMA,
            pltpu.SemaphoreType.DMA,
            pltpu.SemaphoreType.DMA,
            pltpu.SemaphoreType.DMA,
            pltpu.SemaphoreType.DMA,
            pltpu.SemaphoreType.DMA,
            pltpu.SemaphoreType.DMA,
        ],
    )
    def embed_kernel(
        tab_hbm, idx_hbm, out_hbm, i0, i1, i2,
        r0, r1, r2, s0, s1,
        g0, g1, g2, c0_, c1_, c2_, o0, o1,
    ):
        idx_v = (i0, i1, i2)
        rows_v = (r0, r1, r2)
        spm = (s0, s1)
        gsem = (g0, g1, g2)
        csem = (c0_, c1_, c2_)
        osem = (o0, o1)
        sid = lax.axis_index("s")
        wid = lax.axis_index("c") * NS + sid
        base_row = wid * rows_per_worker

        def issue(c, b):
            off = (base_row + c * CB) * hist
            pltpu.sync_copy(idx_hbm.at[pl.ds(off, chunk_idx)], idx_v[b])
            pltpu.async_copy(tab_hbm.at[idx_v[b]], rows_v[b], gsem[b])

        def wait_gather(c, b):
            pltpu.make_async_copy(
                tab_hbm.at[idx_v[b]], rows_v[b], gsem[b]
            ).wait()

        def stage(b, s):
            pltpu.async_copy(rows_v[b], spm[s].at[sid], csem[b])

        def wait_stage(b, s):
            pltpu.make_async_copy(rows_v[b], spm[s].at[sid], csem[b]).wait()

        def fire_out(c, s):
            for j in range(CB):
                row = base_row + c * CB + j
                pltpu.async_copy(
                    spm[s].at[sid, pl.ds(j * hist, hist)],
                    out_hbm.at[row],
                    osem[s],
                )

        def drain_out(s):
            for j in range(CB):
                pltpu.make_async_copy(
                    spm[s].at[sid, pl.ds(j * hist, hist)],
                    out_hbm.at[base_row],
                    osem[s],
                ).wait()

        def chunk_step(c, b, s):
            bn = (b + 2) % NBUF
            sn = (s + 1) % 2
            wait_gather(c, b)

            @pl.when(c >= 2)
            def _():
                drain_out(s)

            stage(b, s)

            @pl.when(c >= 1)
            def _():
                wait_stage(bn, sn)
                fire_out(c - 1, sn)

            @pl.when(c + 2 < n_chunks)
            def _():
                issue(c + 2, bn)

        issue(0, 0)
        issue(1, 1)

        @pl.loop(0, n_loop, step=6)
        def _(c0):
            for k in range(6):
                chunk_step(c0 + k, k % NBUF, k % 2)

        for c_tail in range(n_loop, n_chunks):
            chunk_step(jnp.int32(c_tail), c_tail % NBUF, c_tail % 2)

        last = n_chunks - 1
        wait_stage(last % NBUF, last % 2)
        fire_out(jnp.int32(last), last % 2)
        drain_out((last + 1) % 2)
        drain_out(last % 2)

    return embed_kernel(table, idx)

# --- scband reference (transcript-rebuilt; emitter-appended) ---
"""Pipeline reference for scband-language-embedding-26645977104509 (READ-ONLY COPY).

The authoritative reference and input builder live on the scoring server;
editing this copy changes nothing except your own understanding.
"""

import jax, jax.numpy as jnp
import numpy as np

VOCAB = 100000
EMBED = 128
BATCH = 4096
HIST = 50

def setup_inputs(seed: int = 0) -> dict:
    key = jax.random.key(seed)
    k_idx, k_tab = jax.random.split(key)
    x = jax.random.randint(k_idx, (BATCH, HIST), 0, VOCAB, dtype=jnp.int64)
    # normal init with std=0.02 to match init_method='normal'
    table = jax.random.normal(k_tab, (VOCAB, EMBED), dtype=jnp.float32) * 0.02
    return {"x": x, "table": table}

def reference(x, table):
    # nn.Embedding forward: gather rows of the table by index
    return jnp.take(table, x, axis=0)

if __name__ == "__main__":
    import jax
    _d = setup_inputs()
    print(jax.jit(kernel)(*tuple(_d.values())))

</pallas_src>

<mosaic_0001>
#map = affine_map<(d0, d1) -> (0, 0)>
#map1 = affine_map<(d0, d1) -> (0)>
#map2 = affine_map<(d0, d1) -> (0, 0, 0)>
module attributes {stable_mosaic.version = 14 : i64} {
  func.func @embed_kernel(%arg0: i32, %arg1: i32, %arg2: memref<100000x128xf32, #tpu.memory_space<hbm>>, %arg3: memref<204800xi32, #tpu.memory_space<hbm>>, %arg4: memref<4096x50x128xf32, #tpu.memory_space<hbm>>, %arg5: memref<200xi32, #tpu.memory_space<vmem>>, %arg6: memref<200xi32, #tpu.memory_space<vmem>>, %arg7: memref<200xi32, #tpu.memory_space<vmem>>, %arg8: memref<200x128xf32, #tpu.memory_space<vmem>>, %arg9: memref<200x128xf32, #tpu.memory_space<vmem>>, %arg10: memref<200x128xf32, #tpu.memory_space<vmem>>, %arg11: memref<16x200x128xf32, #tpu.memory_space<vmem_shared>>, %arg12: memref<16x200x128xf32, #tpu.memory_space<vmem_shared>>, %arg13: memref<!tpu.dma_semaphore, #tpu.memory_space<semaphore_mem>>, %arg14: memref<!tpu.dma_semaphore, #tpu.memory_space<semaphore_mem>>, %arg15: memref<!tpu.dma_semaphore, #tpu.memory_space<semaphore_mem>>, %arg16: memref<!tpu.dma_semaphore, #tpu.memory_space<semaphore_mem>>, %arg17: memref<!tpu.dma_semaphore, #tpu.memory_space<semaphore_mem>>, %arg18: memref<!tpu.dma_semaphore, #tpu.memory_space<semaphore_mem>>, %arg19: memref<!tpu.dma_semaphore, #tpu.memory_space<semaphore_mem>>, %arg20: memref<!tpu.dma_semaphore, #tpu.memory_space<semaphore_mem>>) attributes {dimension_semantics = [#tpu.dimension_semantics<core_parallel>, #tpu.dimension_semantics<subcore_parallel>], iteration_bounds = array<i64: 2, 16>, scalar_prefetch = 0 : i64, scratch_operands = 16 : i64, tpu.core_type = #tpu.core_type<sc_vector_subcore>, window_params = [{transform_indices = #map}, {transform_indices = #map1}, {transform_indices = #map2}]} {
    %mul3A = arith.constant 16 : i32
    %mul3A_0 = arith.muli %arg0, %mul3A : i32
    %add3A = arith.addi %mul3A_0, %arg1 : i32
    %mul3A_1 = arith.constant 128 : i32
    %mul3A_2 = arith.muli %add3A, %mul3A_1 : i32
    %add3A_3 = arith.constant 0 : i32
    %add3A_4 = arith.addi %mul3A_2, %add3A_3 : i32
    %mul3A_5 = arith.constant 50 : i32
    %mul3A_6 = arith.muli %add3A_4, %mul3A_5 : i32
    "tpu.region"() ({
      %run_scoped3A = tpu.sem_alloc : memref<!tpu.dma_semaphore, #tpu.memory_space<semaphore_mem>>
      %dma_start3A_209 = tpu.memref_slice %arg3[%mul3A_6] : memref<204800xi32, #tpu.memory_space<hbm>> -> memref<200xi32, #tpu.memory_space<hbm>>
      %dma_start3A_210 = tpu.memref_slice %arg3[%mul3A_6] : memref<204800xi32, #tpu.memory_space<hbm>> -> memref<200xi32, #tpu.memory_space<hbm>>
      tpu.enqueue_dma source(%dma_start3A_210 : memref<200xi32, #tpu.memory_space<hbm>>) target(%arg5 : memref<200xi32, #tpu.memory_space<vmem>>) target_semaphore(%run_scoped3A : memref<!tpu.dma_semaphore, #tpu.memory_space<semaphore_mem>>)
      %dma_wait3A_211 = tpu.memref_slice %arg3[%mul3A_6] : memref<204800xi32, #tpu.memory_space<hbm>> -> memref<200xi32, #tpu.memory_space<hbm>>
      %dma_wait3A_212 = tpu.memref_slice %arg3[%mul3A_6] : memref<204800xi32, #tpu.memory_space<hbm>> -> memref<200xi32, #tpu.memory_space<hbm>>
      tpu.wait_dma2 semaphore(%run_scoped3A : memref<!tpu.dma_semaphore, #tpu.memory_space<semaphore_mem>>) src(%dma_wait3A_212 : memref<200xi32, #tpu.memory_space<hbm>>) dst(%arg5 : memref<200xi32, #tpu.memory_space<vmem>>)
      tpu.yield
    }) : () -> ()
    %dma_start3A = arith.constant 0 : i32
    %dma_start3A_7 = arith.constant 0 : i32
    %dma_start3A_8 = tpu.memref_slice %arg2[%dma_start3A, %dma_start3A_7] : memref<100000x128xf32, #tpu.memory_space<hbm>> -> memref<100000x128xf32, #tpu.memory_space<hbm>>
    tpu.enqueue_indirect_dma source(%dma_start3A_8 : memref<100000x128xf32, #tpu.memory_space<hbm>>) target(%arg8 : memref<200x128xf32, #tpu.memory_space<vmem>>) offsets(%arg5 : memref<200xi32, #tpu.memory_space<vmem>>) semaphore(%arg13 : memref<!tpu.dma_semaphore, #tpu.memory_space<semaphore_mem>>)
    %add3A_9 = arith.constant 4 : i32
    %add3A_10 = arith.addi %mul3A_2, %add3A_9 : i32
    %mul3A_11 = arith.constant 50 : i32
    %mul3A_12 = arith.muli %add3A_10, %mul3A_11 : i32
    "tpu.region"() ({
      %run_scoped3A = tpu.sem_alloc : memref<!tpu.dma_semaphore, #tpu.memory_space<semaphore_mem>>
      %dma_start3A_209 = tpu.memref_slice %arg3[%mul3A_12] : memref<204800xi32, #tpu.memory_space<hbm>> -> memref<200xi32, #tpu.memory_space<hbm>>
      %dma_start3A_210 = tpu.memref_slice %arg3[%mul3A_12] : memref<204800xi32, #tpu.memory_space<hbm>> -> memref<200xi32, #tpu.memory_space<hbm>>
      tpu.enqueue_dma source(%dma_start3A_210 : memref<200xi32, #tpu.memory_space<hbm>>) target(%arg6 : memref<200xi32, #tpu.memory_space<vmem>>) target_semaphore(%run_scoped3A : memref<!tpu.dma_semaphore, #tpu.memory_space<semaphore_mem>>)
      %dma_wait3A_211 = tpu.memref_slice %arg3[%mul3A_12] : memref<204800xi32, #tpu.memory_space<hbm>> -> memref<200xi32, #tpu.memory_space<hbm>>
      %dma_wait3A_212 = tpu.memref_slice %arg3[%mul3A_12] : memref<204800xi32, #tpu.memory_space<hbm>> -> memref<200xi32, #tpu.memory_space<hbm>>
      tpu.wait_dma2 semaphore(%run_scoped3A : memref<!tpu.dma_semaphore, #tpu.memory_space<semaphore_mem>>) src(%dma_wait3A_212 : memref<200xi32, #tpu.memory_space<hbm>>) dst(%arg6 : memref<200xi32, #tpu.memory_space<vmem>>)
      tpu.yield
    }) : () -> ()
    %dma_start3A_13 = arith.constant 0 : i32
    %dma_start3A_14 = arith.constant 0 : i32
    %dma_start3A_15 = tpu.memref_slice %arg2[%dma_start3A_13, %dma_start3A_14] : memref<100000x128xf32, #tpu.memory_space<hbm>> -> memref<100000x128xf32, #tpu.memory_space<hbm>>
    tpu.enqueue_indirect_dma source(%dma_start3A_15 : memref<100000x128xf32, #tpu.memory_space<hbm>>) target(%arg9 : memref<200x128xf32, #tpu.memory_space<vmem>>) offsets(%arg6 : memref<200xi32, #tpu.memory_space<vmem>>) semaphore(%arg14 : memref<!tpu.dma_semaphore, #tpu.memory_space<semaphore_mem>>)
    %scan3A = arith.constant 0 : i32
    %scan3A_16 = arith.constant 5 : i32
    %scan3A_17 = arith.addi %scan3A, %scan3A_16 : i32
    %scan3A_18 = arith.constant 1 : i32
    scf.for %scan3A_209 = %scan3A to %scan3A_17 step %scan3A_18  : i32 {
      %mul3A_210 = arith.constant 6 : i32
      %mul3A_211 = arith.muli %scan3A_209, %mul3A_210 : i32
      %add3A_212 = arith.constant 0 : i32
      %add3A_213 = arith.addi %add3A_212, %mul3A_211 : i32
      %add3A_214 = arith.constant 0 : i32
      %add3A_215 = arith.addi %add3A_213, %add3A_214 : i32
      %dma_wait3A_216 = arith.constant 0 : i32
      %dma_wait3A_217 = arith.constant 0 : i32
      %dma_wait3A_218 = tpu.memref_slice %arg2[%dma_wait3A_216, %dma_wait3A_217] : memref<100000x128xf32, #tpu.memory_space<hbm>> -> memref<100000x128xf32, #tpu.memory_space<hbm>>
      tpu.wait_indirect_dma semaphore(%arg13 : memref<!tpu.dma_semaphore, #tpu.memory_space<semaphore_mem>>) src(%dma_wait3A_218 : memref<100000x128xf32, #tpu.memory_space<hbm>>) dst(%arg8 : memref<200x128xf32, #tpu.memory_space<vmem>>)
      %ge3A_219 = arith.constant 2 : i32
      %ge3A_220 = arith.cmpi sge, %add3A_215, %ge3A_219 : i32
      %convert_element_type3A_221 = arith.extui %ge3A_220 : i1 to i32
      %cond3A_222 = arith.constant 0 : i32
      %cond3A_223 = arith.cmpi ne, %convert_element_type3A_221, %cond3A_222 : i32
      scf.if %cond3A_223 {
        %dma_wait3A_394 = arith.constant 0 : i32
        %dma_wait3A_395 = arith.constant 0 : i32
        %dma_wait3A_396 = tpu.memref_slice %arg4[%mul3A_2, %dma_wait3A_394, %dma_wait3A_395] : memref<4096x50x128xf32, #tpu.memory_space<hbm>> -> memref<1x50x128xf32, #tpu.memory_space<hbm>>
        %dma_wait3A_397 = tpu.memref_squeeze %dma_wait3A_396 : memref<1x50x128xf32, #tpu.memory_space<hbm>> -> memref<50x128xf32, #tpu.memory_space<hbm>>
        %dma_wait3A_398 = arith.constant 0 : i32
        %dma_wait3A_399 = arith.constant 0 : i32
        %dma_wait3A_400 = tpu.memref_slice %arg11[%arg1, %dma_wait3A_398, %dma_wait3A_399] : memref<16x200x128xf32, #tpu.memory_space<vmem_shared>> -> memref<1x50x128xf32, #tpu.memory_space<vmem_shared>>
        %dma_wait3A_401 = tpu.memref_squeeze %dma_wait3A_400 : memref<1x50x128xf32, #tpu.memory_space<vmem_shared>> -> memref<50x128xf32, #tpu.memory_space<vmem_shared>>
        tpu.wait_dma2 semaphore(%arg19 : memref<!tpu.dma_semaphore, #tpu.memory_space<semaphore_mem>>) src(%dma_wait3A_401 : memref<50x128xf32, #tpu.memory_space<vmem_shared>>) dst(%dma_wait3A_397 : memref<50x128xf32, #tpu.memory_space<hbm>>)
        %dma_wait3A_402 = arith.constant 0 : i32
        %dma_wait3A_403 = arith.constant 0 : i32
        %dma_wait3A_404 = tpu.memref_slice %arg4[%mul3A_2, %dma_wait3A_402, %dma_wait3A_403] : memref<4096x50x128xf32, #tpu.memory_space<hbm>> -> memref<1x50x128xf32, #tpu.memory_space<hbm>>
        %dma_wait3A_405 = tpu.memref_squeeze %dma_wait3A_404 : memref<1x50x128xf32, #tpu.memory_space<hbm>> -> memref<50x128xf32, #tpu.memory_space<hbm>>
        %dma_wait3A_406 = arith.constant 50 : i32
        %dma_wait3A_407 = arith.constant 0 : i32
        %dma_wait3A_408 = tpu.memref_slice %arg11[%arg1, %dma_wait3A_406, %dma_wait3A_407] : memref<16x200x128xf32, #tpu.memory_space<vmem_shared>> -> memref<1x50x128xf32, #tpu.memory_space<vmem_shared>>
        %dma_wait3A_409 = tpu.memref_squeeze %dma_wait3A_408 : memref<1x50x128xf32, #tpu.memory_space<vmem_shared>> -> memref<50x128xf32, #tpu.memory_space<vmem_shared>>
        tpu.wait_dma2 semaphore(%arg19 : memref<!tpu.dma_semaphore, #tpu.memory_space<semaphore_mem>>) src(%dma_wait3A_409 : memref<50x128xf32, #tpu.memory_space<vmem_shared>>) dst(%dma_wait3A_405 : memref<50x128xf32, #tpu.memory_space<hbm>>)
        %dma_wait3A_410 = arith.constant 0 : i32
        %dma_wait3A_411 = arith.constant 0 : i32
        %dma_wait3A_412 = tpu.memref_slice %arg4[%mul3A_2, %dma_wait3A_410, %dma_wait3A_411] : memref<4096x50x128xf32, #tpu.memory_space<hbm>> -> memref<1x50x128xf32, #tpu.memory_space<hbm>>
        %dma_wait3A_413 = tpu.memref_squeeze %dma_wait3A_412 : memref<1x50x128xf32, #tpu.memory_space<hbm>> -> memref<50x128xf32, #tpu.memory_space<hbm>>
        %dma_wait3A_414 = arith.constant 100 : i32
        %dma_wait3A_415 = arith.constant 0 : i32
        %dma_wait3A_416 = tpu.memref_slice %arg11[%arg1, %dma_wait3A_414, %dma_wait3A_415] : memref<16x200x128xf32, #tpu.memory_space<vmem_shared>> -> memref<1x50x128xf32, #tpu.memory_space<vmem_shared>>
        %dma_wait3A_417 = tpu.memref_squeeze %dma_wait3A_416 : memref<1x50x128xf32, #tpu.memory_space<vmem_shared>> -> memref<50x128xf32, #tpu.memory_space<vmem_shared>>
        tpu.wait_dma2 semaphore(%arg19 : memref<!tpu.dma_semaphore, #tpu.memory_space<semaphore_mem>>) src(%dma_wait3A_417 : memref<50x128xf32, #tpu.memory_space<vmem_shared>>) dst(%dma_wait3A_413 : memref<50x128xf32, #tpu.memory_space<hbm>>)
        %dma_wait3A_418 = arith.constant 0 : i32
        %dma_wait3A_419 = arith.constant 0 : i32
        %dma_wait3A_420 = tpu.memref_slice %arg4[%mul3A_2, %dma_wait3A_418, %dma_wait3A_419] : memref<4096x50x128xf32, #tpu.memory_space<hbm>> -> memref<1x50x128xf32, #tpu.memory_space<hbm>>
        %dma_wait3A_421 = tpu.memref_squeeze %dma_wait3A_420 : memref<1x50x128xf32, #tpu.memory_space<hbm>> -> memref<50x128xf32, #tpu.memory_space<hbm>>
        %dma_wait3A_422 = arith.constant 150 : i32
        %dma_wait3A_423 = arith.constant 0 : i32
        %dma_wait3A_424 = tpu.memref_slice %arg11[%arg1, %dma_wait3A_422, %dma_wait3A_423] : memref<16x200x128xf32, #tpu.memory_space<vmem_shared>> -> memref<1x50x128xf32, #tpu.memory_space<vmem_shared>>
        %dma_wait3A_425 = tpu.memref_squeeze %dma_wait3A_424 : memref<1x50x128xf32, #tpu.memory_space<vmem_shared>> -> memref<50x128xf32, #tpu.memory_space<vmem_shared>>
        tpu.wait_dma2 semaphore(%arg19 : memref<!tpu.dma_semaphore, #tpu.memory_space<semaphore_mem>>) src(%dma_wait3A_425 : memref<50x128xf32, #tpu.memory_space<vmem_shared>>) dst(%dma_wait3A_421 : memref<50x128xf32, #tpu.memory_space<hbm>>)
      } else {
      }
      %dma_start3A_224 = arith.constant 0 : i32
      %dma_start3A_225 = arith.constant 0 : i32
      %dma_start3A_226 = tpu.memref_slice %arg11[%arg1, %dma_start3A_224, %dma_start3A_225] : memref<16x200x128xf32, #tpu.memory_space<vmem_shared>> -> memref<1x200x128xf32, #tpu.memory_space<vmem_shared>>
      %dma_start3A_227 = tpu.memref_squeeze %dma_start3A_226 : memref<1x200x128xf32, #tpu.memory_space<vmem_shared>> -> memref<200x128xf32, #tpu.memory_space<vmem_shared>>
      %dma_start3A_228 = arith.constant 0 : i32
      %dma_start3A_229 = arith.constant 0 : i32
      %dma_start3A_230 = tpu.memref_slice %arg11[%arg1, %dma_start3A_228, %dma_start3A_229] : memref<16x200x128xf32, #tpu.memory_space<vmem_shared>> -> memref<1x200x128xf32, #tpu.memory_space<vmem_shared>>
      %dma_start3A_231 = tpu.memref_squeeze %dma_start3A_230 : memref<1x200x128xf32, #tpu.memory_space<vmem_shared>> -> memref<200x128xf32, #tpu.memory_space<vmem_shared>>
      tpu.enqueue_dma source(%arg8 : memref<200x128xf32, #tpu.memory_space<vmem>>) target(%dma_start3A_231 : memref<200x128xf32, #tpu.memory_space<vmem_shared>>) target_semaphore(%arg16 : memref<!tpu.dma_semaphore, #tpu.memory_space<semaphore_mem>>)
      %ge3A_232 = arith.constant 1 : i32
      %ge3A_233 = arith.cmpi sge, %add3A_215, %ge3A_232 : i32
      %convert_element_type3A_234 = arith.extui %ge3A_233 : i1 to i32
      %cond3A_235 = arith.constant 0 : i32
      %cond3A_236 = arith.cmpi ne, %convert_element_type3A_234, %cond3A_235 : i32
      scf.if %cond3A_236 {
        %dma_wait3A_394 = arith.constant 0 : i32
        %dma_wait3A_395 = arith.constant 0 : i32
        %dma_wait3A_396 = tpu.memref_slice %arg12[%arg1, %dma_wait3A_394, %dma_wait3A_395] : memref<16x200x128xf32, #tpu.memory_space<vmem_shared>> -> memref<1x200x128xf32, #tpu.memory_space<vmem_shared>>
        %dma_wait3A_397 = tpu.memref_squeeze %dma_wait3A_396 : memref<1x200x128xf32, #tpu.memory_space<vmem_shared>> -> memref<200x128xf32, #tpu.memory_space<vmem_shared>>
        %dma_wait3A_398 = arith.constant 0 : i32
        %dma_wait3A_399 = arith.constant 0 : i32
        %dma_wait3A_400 = tpu.memref_slice %arg12[%arg1, %dma_wait3A_398, %dma_wait3A_399] : memref<16x200x128xf32, #tpu.memory_space<vmem_shared>> -> memref<1x200x128xf32, #tpu.memory_space<vmem_shared>>
        %dma_wait3A_401 = tpu.memref_squeeze %dma_wait3A_400 : memref<1x200x128xf32, #tpu.memory_space<vmem_shared>> -> memref<200x128xf32, #tpu.memory_space<vmem_shared>>
        tpu.wait_dma2 semaphore(%arg18 : memref<!tpu.dma_semaphore, #tpu.memory_space<semaphore_mem>>) src(%arg10 : memref<200x128xf32, #tpu.memory_space<vmem>>) dst(%dma_wait3A_401 : memref<200x128xf32, #tpu.memory_space<vmem_shared>>)
        %sub3A = arith.constant 1 : i32
        %sub3A_402 = arith.subi %add3A_215, %sub3A : i32
        %mul3A_403 = arith.constant 4 : i32
        %mul3A_404 = arith.muli %sub3A_402, %mul3A_403 : i32
        %add3A_405 = arith.addi %mul3A_2, %mul3A_404 : i32
        %add3A_406 = arith.constant 0 : i32
        %add3A_407 = arith.addi %add3A_405, %add3A_406 : i32
        %dma_start3A_408 = arith.constant 0 : i32
        %dma_start3A_409 = arith.constant 0 : i32
        %dma_start3A_410 = tpu.memref_slice %arg4[%add3A_407, %dma_start3A_408, %dma_start3A_409] : memref<4096x50x128xf32, #tpu.memory_space<hbm>> -> memref<1x50x128xf32, #tpu.memory_space<hbm>>
        %dma_start3A_411 = tpu.memref_squeeze %dma_start3A_410 : memref<1x50x128xf32, #tpu.memory_space<hbm>> -> memref<50x128xf32, #tpu.memory_space<hbm>>
        %dma_start3A_412 = arith.constant 0 : i32
        %dma_start3A_413 = arith.constant 0 : i32
        %dma_start3A_414 = tpu.memref_slice %arg12[%arg1, %dma_start3A_412, %dma_start3A_413] : memref<16x200x128xf32, #tpu.memory_space<vmem_shared>> -> memref<1x50x128xf32, #tpu.memory_space<vmem_shared>>
        %dma_start3A_415 = tpu.memref_squeeze %dma_start3A_414 : memref<1x50x128xf32, #tpu.memory_space<vmem_shared>> -> memref<50x128xf32, #tpu.memory_space<vmem_shared>>
        tpu.enqueue_dma source(%dma_start3A_415 : memref<50x128xf32, #tpu.memory_space<vmem_shared>>) target(%dma_start3A_411 : memref<50x128xf32, #tpu.memory_space<hbm>>) target_semaphore(%arg20 : memref<!tpu.dma_semaphore, #tpu.memory_space<semaphore_mem>>)
        %mul3A_416 = arith.constant 4 : i32
        %mul3A_417 = arith.muli %sub3A_402, %mul3A_416 : i32
        %add3A_418 = arith.addi %mul3A_2, %mul3A_417 : i32
        %add3A_419 = arith.constant 1 : i32
        %add3A_420 = arith.addi %add3A_418, %add3A_419 : i32
        %dma_start3A_421 = arith.constant 0 : i32
        %dma_start3A_422 = arith.constant 0 : i32
        %dma_start3A_423 = tpu.memref_slice %arg4[%add3A_420, %dma_start3A_421, %dma_start3A_422] : memref<4096x50x128xf32, #tpu.memory_space<hbm>> -> memref<1x50x128xf32, #tpu.memory_space<hbm>>
        %dma_start3A_424 = tpu.memref_squeeze %dma_start3A_423 : memref<1x50x128xf32, #tpu.memory_space<hbm>> -> memref<50x128xf32, #tpu.memory_space<hbm>>
        %dma_start3A_425 = arith.constant 50 : i32
        %dma_start3A_426 = arith.constant 0 : i32
        %dma_start3A_427 = tpu.memref_slice %arg12[%arg1, %dma_start3A_425, %dma_start3A_426] : memref<16x200x128xf32, #tpu.memory_space<vmem_shared>> -> memref<1x50x128xf32, #tpu.memory_space<vmem_shared>>
        %dma_start3A_428 = tpu.memref_squeeze %dma_start3A_427 : memref<1x50x128xf32, #tpu.memory_space<vmem_shared>> -> memref<50x128xf32, #tpu.memory_space<vmem_shared>>
        tpu.enqueue_dma source(%dma_start3A_428 : memref<50x128xf32, #tpu.memory_space<vmem_shared>>) target(%dma_start3A_424 : memref<50x128xf32, #tpu.memory_space<hbm>>) target_semaphore(%arg20 : memref<!tpu.dma_semaphore, #tpu.memory_space<semaphore_mem>>)
        %mul3A_429 = arith.constant 4 : i32
        %mul3A_430 = arith.muli %sub3A_402, %mul3A_429 : i32
        %add3A_431 = arith.addi %mul3A_2, %mul3A_430 : i32
        %add3A_432 = arith.constant 2 : i32
        %add3A_433 = arith.addi %add3A_431, %add3A_432 : i32
        %dma_start3A_434 = arith.constant 0 : i32
        %dma_start3A_435 = arith.constant 0 : i32
        %dma_start3A_436 = tpu.memref_slice %arg4[%add3A_433, %dma_start3A_434, %dma_start3A_435] : memref<4096x50x128xf32, #tpu.memory_space<hbm>> -> memref<1x50x128xf32, #tpu.memory_space<hbm>>
        %dma_start3A_437 = tpu.memref_squeeze %dma_start3A_436 : memref<1x50x128xf32, #tpu.memory_space<hbm>> -> memref<50x128xf32, #tpu.memory_space<hbm>>
        %dma_start3A_438 = arith.constant 100 : i32
        %dma_start3A_439 = arith.constant 0 : i32
        %dma_start3A_440 = tpu.memref_slice %arg12[%arg1, %dma_start3A_438, %dma_start3A_439] : memref<16x200x128xf32, #tpu.memory_space<vmem_shared>> -> memref<1x50x128xf32, #tpu.memory_space<vmem_shared>>
        %dma_start3A_441 = tpu.memref_squeeze %dma_start3A_440 : memref<1x50x128xf32, #tpu.memory_space<vmem_shared>> -> memref<50x128xf32, #tpu.memory_space<vmem_shared>>
        tpu.enqueue_dma source(%dma_start3A_441 : memref<50x128xf32, #tpu.memory_space<vmem_shared>>) target(%dma_start3A_437 : memref<50x128xf32, #tpu.memory_space<hbm>>) target_semaphore(%arg20 : memref<!tpu.dma_semaphore, #tpu.memory_space<semaphore_mem>>)
        %mul3A_442 = arith.constant 4 : i32
        %mul3A_443 = arith.muli %sub3A_402, %mul3A_442 : i32
        %add3A_444 = arith.addi %mul3A_2, %mul3A_443 : i32
        %add3A_445 = arith.constant 3 : i32
        %add3A_446 = arith.addi %add3A_444, %add3A_445 : i32
        %dma_start3A_447 = arith.constant 0 : i32
        %dma_start3A_448 = arith.constant 0 : i32
        %dma_start3A_449 = tpu.memref_slice %arg4[%add3A_446, %dma_start3A_447, %dma_start3A_448] : memref<4096x50x128xf32, #tpu.memory_space<hbm>> -> memref<1x50x128xf32, #tpu.memory_space<hbm>>
        %dma_start3A_450 = tpu.memref_squeeze %dma_start3A_449 : memref<1x50x128xf32, #tpu.memory_space<hbm>> -> memref<50x128xf32, #tpu.memory_space<hbm>>
        %dma_start3A_451 = arith.constant 150 : i32
        %dma_start3A_452 = arith.constant 0 : i32
        %dma_start3A_453 = tpu.memref_slice %arg12[%arg1, %dma_start3A_451, %dma_start3A_452] : memref<16x200x128xf32, #tpu.memory_space<vmem_shared>> -> memref<1x50x128xf32, #tpu.memory_space<vmem_shared>>
        %dma_start3A_454 = tpu.memref_squeeze %dma_start3A_453 : memref<1x50x128xf32, #tpu.memory_space<vmem_shared>> -> memref<50x128xf32, #tpu.memory_space<vmem_shared>>
        tpu.enqueue_dma source(%dma_start3A_454 : memref<50x128xf32, #tpu.memory_space<vmem_shared>>) target(%dma_start3A_450 : memref<50x128xf32, #tpu.memory_space<hbm>>) target_semaphore(%arg20 : memref<!tpu.dma_semaphore, #tpu.memory_space<semaphore_mem>>)
      } else {
      }
      %add3A_237 = arith.constant 2 : i32
      %add3A_238 = arith.addi %add3A_215, %add3A_237 : i32
      %lt3A_239 = arith.constant 32 : i32
      %lt3A_240 = arith.cmpi slt, %add3A_238, %lt3A_239 : i32
      %convert_element_type3A_241 = arith.extui %lt3A_240 : i1 to i32
      %cond3A_242 = arith.constant 0 : i32
      %cond3A_243 = arith.cmpi ne, %convert_element_type3A_241, %cond3A_242 : i32
      scf.if %cond3A_243 {
        %add3A_394 = arith.constant 2 : i32
        %add3A_395 = arith.addi %add3A_215, %add3A_394 : i32
        %mul3A_396 = arith.constant 4 : i32
        %mul3A_397 = arith.muli %add3A_395, %mul3A_396 : i32
        %add3A_398 = arith.addi %mul3A_2, %mul3A_397 : i32
        %mul3A_399 = arith.constant 50 : i32
        %mul3A_400 = arith.muli %add3A_398, %mul3A_399 : i32
        "tpu.region"() ({
          %run_scoped3A = tpu.sem_alloc : memref<!tpu.dma_semaphore, #tpu.memory_space<semaphore_mem>>
          %dma_start3A_404 = tpu.memref_slice %arg3[%mul3A_400] : memref<204800xi32, #tpu.memory_space<hbm>> -> memref<200xi32, #tpu.memory_space<hbm>>
          %dma_start3A_405 = tpu.memref_slice %arg3[%mul3A_400] : memref<204800xi32, #tpu.memory_space<hbm>> -> memref<200xi32, #tpu.memory_space<hbm>>
          tpu.enqueue_dma source(%dma_start3A_405 : memref<200xi32, #tpu.memory_space<hbm>>) target(%arg7 : memref<200xi32, #tpu.memory_space<vmem>>) target_semaphore(%run_scoped3A : memref<!tpu.dma_semaphore, #tpu.memory_space<semaphore_mem>>)
          %dma_wait3A_406 = tpu.memref_slice %arg3[%mul3A_400] : memref<204800xi32, #tpu.memory_space<hbm>> -> memref<200xi32, #tpu.memory_space<hbm>>
          %dma_wait3A_407 = tpu.memref_slice %arg3[%mul3A_400] : memref<204800xi32, #tpu.memory_space<hbm>> -> memref<200xi32, #tpu.memory_space<hbm>>
          tpu.wait_dma2 semaphore(%run_scoped3A : memref<!tpu.dma_semaphore, #tpu.memory_space<semaphore_mem>>) src(%dma_wait3A_407 : memref<200xi32, #tpu.memory_space<hbm>>) dst(%arg7 : memref<200xi32, #tpu.memory_space<vmem>>)
          tpu.yield
        }) : () -> ()
        %dma_start3A_401 = arith.constant 0 : i32
        %dma_start3A_402 = arith.constant 0 : i32
        %dma_start3A_403 = tpu.memref_slice %arg2[%dma_start3A_401, %dma_start3A_402] : memref<100000x128xf32, #tpu.memory_space<hbm>> -> memref<100000x128xf32, #tpu.memory_space<hbm>>
        tpu.enqueue_indirect_dma source(%dma_start3A_403 : memref<100000x128xf32, #tpu.memory_space<hbm>>) target(%arg10 : memref<200x128xf32, #tpu.memory_space<vmem>>) offsets(%arg7 : memref<200xi32, #tpu.memory_space<vmem>>) semaphore(%arg15 : memref<!tpu.dma_semaphore, #tpu.memory_space<semaphore_mem>>)
      } else {
      }
      %add3A_244 = arith.constant 1 : i32
      %add3A_245 = arith.addi %add3A_213, %add3A_244 : i32
      %dma_wait3A_246 = arith.constant 0 : i32
      %dma_wait3A_247 = arith.constant 0 : i32
      %dma_wait3A_248 = tpu.memref_slice %arg2[%dma_wait3A_246, %dma_wait3A_247] : memref<100000x128xf32, #tpu.memory_space<hbm>> -> memref<100000x128xf32, #tpu.memory_space<hbm>>
      tpu.wait_indirect_dma semaphore(%arg14 : memref<!tpu.dma_semaphore, #tpu.memory_space<semaphore_mem>>) src(%dma_wait3A_248 : memref<100000x128xf32, #tpu.memory_space<hbm>>) dst(%arg9 : memref<200x128xf32, #tpu.memory_space<vmem>>)
      %ge3A_249 = arith.constant 2 : i32
      %ge3A_250 = arith.cmpi sge, %add3A_245, %ge3A_249 : i32
      %convert_element_type3A_251 = arith.extui %ge3A_250 : i1 to i32
      %cond3A_252 = arith.constant 0 : i32
      %cond3A_253 = arith.cmpi ne, %convert_element_type3A_251, %cond3A_252 : i32
      scf.if %cond3A_253 {
        %dma_wait3A_394 = arith.constant 0 : i32
        %dma_wait3A_395 = arith.constant 0 : i32
        %dma_wait3A_396 = tpu.memref_slice %arg4[%mul3A_2, %dma_wait3A_394, %dma_wait3A_395] : memref<4096x50x128xf32, #tpu.memory_space<hbm>> -> memref<1x50x128xf32, #tpu.memory_space<hbm>>
        %dma_wait3A_397 = tpu.memref_squeeze %dma_wait3A_396 : memref<1x50x128xf32, #tpu.memory_space<hbm>> -> memref<50x128xf32, #tpu.memory_space<hbm>>
        %dma_wait3A_398 = arith.constant 0 : i32
        %dma_wait3A_399 = arith.constant 0 : i32
        %dma_wait3A_400 = tpu.memref_slice %arg12[%arg1, %dma_wait3A_398, %dma_wait3A_399] : memref<16x200x128xf32, #tpu.memory_space<vmem_shared>> -> memref<1x50x128xf32, #tpu.memory_space<vmem_shared>>
        %dma_wait3A_401 = tpu.memref_squeeze %dma_wait3A_400 : memref<1x50x128xf32, #tpu.memory_space<vmem_shared>> -> memref<50x128xf32, #tpu.memory_space<vmem_shared>>
        tpu.wait_dma2 semaphore(%arg20 : memref<!tpu.dma_semaphore, #tpu.memory_space<semaphore_mem>>) src(%dma_wait3A_401 : memref<50x128xf32, #tpu.memory_space<vmem_shared>>) dst(%dma_wait3A_397 : memref<50x128xf32, #tpu.memory_space<hbm>>)
        %dma_wait3A_402 = arith.constant 0 : i32
        %dma_wait3A_403 = arith.constant 0 : i32
        %dma_wait3A_404 = tpu.memref_slice %arg4[%mul3A_2, %dma_wait3A_402, %dma_wait3A_403] : memref<4096x50x128xf32, #tpu.memory_space<hbm>> -> memref<1x50x128xf32, #tpu.memory_space<hbm>>
        %dma_wait3A_405 = tpu.memref_squeeze %dma_wait3A_404 : memref<1x50x128xf32, #tpu.memory_space<hbm>> -> memref<50x128xf32, #tpu.memory_space<hbm>>
        %dma_wait3A_406 = arith.constant 50 : i32
        %dma_wait3A_407 = arith.constant 0 : i32
        %dma_wait3A_408 = tpu.memref_slice %arg12[%arg1, %dma_wait3A_406, %dma_wait3A_407] : memref<16x200x128xf32, #tpu.memory_space<vmem_shared>> -> memref<1x50x128xf32, #tpu.memory_space<vmem_shared>>
        %dma_wait3A_409 = tpu.memref_squeeze %dma_wait3A_408 : memref<1x50x128xf32, #tpu.memory_space<vmem_shared>> -> memref<50x128xf32, #tpu.memory_space<vmem_shared>>
        tpu.wait_dma2 semaphore(%arg20 : memref<!tpu.dma_semaphore, #tpu.memory_space<semaphore_mem>>) src(%dma_wait3A_409 : memref<50x128xf32, #tpu.memory_space<vmem_shared>>) dst(%dma_wait3A_405 : memref<50x128xf32, #tpu.memory_space<hbm>>)
        %dma_wait3A_410 = arith.constant 0 : i32
        %dma_wait3A_411 = arith.constant 0 : i32
        %dma_wait3A_412 = tpu.memref_slice %arg4[%mul3A_2, %dma_wait3A_410, %dma_wait3A_411] : memref<4096x50x128xf32, #tpu.memory_space<hbm>> -> memref<1x50x128xf32, #tpu.memory_space<hbm>>
        %dma_wait3A_413 = tpu.memref_squeeze %dma_wait3A_412 : memref<1x50x128xf32, #tpu.memory_space<hbm>> -> memref<50x128xf32, #tpu.memory_space<hbm>>
        %dma_wait3A_414 = arith.constant 100 : i32
        %dma_wait3A_415 = arith.constant 0 : i32
        %dma_wait3A_416 = tpu.memref_slice %arg12[%arg1, %dma_wait3A_414, %dma_wait3A_415] : memref<16x200x128xf32, #tpu.memory_space<vmem_shared>> -> memref<1x50x128xf32, #tpu.memory_space<vmem_shared>>
        %dma_wait3A_417 = tpu.memref_squeeze %dma_wait3A_416 : memref<1x50x128xf32, #tpu.memory_space<vmem_shared>> -> memref<50x128xf32, #tpu.memory_space<vmem_shared>>
        tpu.wait_dma2 semaphore(%arg20 : memref<!tpu.dma_semaphore, #tpu.memory_space<semaphore_mem>>) src(%dma_wait3A_417 : memref<50x128xf32, #tpu.memory_space<vmem_shared>>) dst(%dma_wait3A_413 : memref<50x128xf32, #tpu.memory_space<hbm>>)
        %dma_wait3A_418 = arith.constant 0 : i32
        %dma_wait3A_419 = arith.constant 0 : i32
        %dma_wait3A_420 = tpu.memref_slice %arg4[%mul3A_2, %dma_wait3A_418, %dma_wait3A_419] : memref<4096x50x128xf32, #tpu.memory_space<hbm>> -> memref<1x50x128xf32, #tpu.memory_space<hbm>>
        %dma_wait3A_421 = tpu.memref_squeeze %dma_wait3A_420 : memref<1x50x128xf32, #tpu.memory_space<hbm>> -> memref<50x128xf32, #tpu.memory_space<hbm>>
        %dma_wait3A_422 = arith.constant 150 : i32
        %dma_wait3A_423 = arith.constant 0 : i32
        %dma_wait3A_424 = tpu.memref_slice %arg12[%arg1, %dma_wait3A_422, %dma_wait3A_423] : memref<16x200x128xf32, #tpu.memory_space<vmem_shared>> -> memref<1x50x128xf32, #tpu.memory_space<vmem_shared>>
        %dma_wait3A_425 = tpu.memref_squeeze %dma_wait3A_424 : memref<1x50x128xf32, #tpu.memory_space<vmem_shared>> -> memref<50x128xf32, #tpu.memory_space<vmem_shared>>
        tpu.wait_dma2 semaphore(%arg20 : memref<!tpu.dma_semaphore, #tpu.memory_space<semaphore_mem>>) src(%dma_wait3A_425 : memref<50x128xf32, #tpu.memory_space<vmem_shared>>) dst(%dma_wait3A_421 : memref<50x128xf32, #tpu.memory_space<hbm>>)
      } else {
      }
      %dma_start3A_254 = arith.constant 0 : i32
      %dma_start3A_255 = arith.constant 0 : i32
      %dma_start3A_256 = tpu.memref_slice %arg12[%arg1, %dma_start3A_254, %dma_start3A_255] : memref<16x200x128xf32, #tpu.memory_space<vmem_shared>> -> memref<1x200x128xf32, #tpu.memory_space<vmem_shared>>
      %dma_start3A_257 = tpu.memref_squeeze %dma_start3A_256 : memref<1x200x128xf32, #tpu.memory_space<vmem_shared>> -> memref<200x128xf32, #tpu.memory_space<vmem_shared>>
      %dma_start3A_258 = arith.constant 0 : i32
      %dma_start3A_259 = arith.constant 0 : i32
      %dma_start3A_260 = tpu.memref_slice %arg12[%arg1, %dma_start3A_258, %dma_start3A_259] : memref<16x200x128xf32, #tpu.memory_space<vmem_shared>> -> memref<1x200x128xf32, #tpu.memory_space<vmem_shared>>
      %dma_start3A_261 = tpu.memref_squeeze %dma_start3A_260 : memref<1x200x128xf32, #tpu.memory_space<vmem_shared>> -> memref<200x128xf32, #tpu.memory_space<vmem_shared>>
      tpu.enqueue_dma source(%arg9 : memref<200x128xf32, #tpu.memory_space<vmem>>) target(%dma_start3A_261 : memref<200x128xf32, #tpu.memory_space<vmem_shared>>) target_semaphore(%arg17 : memref<!tpu.dma_semaphore, #tpu.memory_space<semaphore_mem>>)
      %ge3A_262 = arith.constant 1 : i32
      %ge3A_263 = arith.cmpi sge, %add3A_245, %ge3A_262 : i32
      %convert_element_type3A_264 = arith.extui %ge3A_263 : i1 to i32
      %cond3A_265 = arith.constant 0 : i32
      %cond3A_266 = arith.cmpi ne, %convert_element_type3A_264, %cond3A_265 : i32
      scf.if %cond3A_266 {
        %dma_wait3A_394 = arith.constant 0 : i32
        %dma_wait3A_395 = arith.constant 0 : i32
        %dma_wait3A_396 = tpu.memref_slice %arg11[%arg1, %dma_wait3A_394, %dma_wait3A_395] : memref<16x200x128xf32, #tpu.memory_space<vmem_shared>> -> memref<1x200x128xf32, #tpu.memory_space<vmem_shared>>
        %dma_wait3A_397 = tpu.memref_squeeze %dma_wait3A_396 : memref<1x200x128xf32, #tpu.memory_space<vmem_shared>> -> memref<200x128xf32, #tpu.memory_space<vmem_shared>>
        %dma_wait3A_398 = arith.constant 0 : i32
        %dma_wait3A_399 = arith.constant 0 : i32
        %dma_wait3A_400 = tpu.memref_slice %arg11[%arg1, %dma_wait3A_398, %dma_wait3A_399] : memref<16x200x128xf32, #tpu.memory_space<vmem_shared>> -> memref<1x200x128xf32, #tpu.memory_space<vmem_shared>>
        %dma_wait3A_401 = tpu.memref_squeeze %dma_wait3A_400 : memref<1x200x128xf32, #tpu.memory_space<vmem_shared>> -> memref<200x128xf32, #tpu.memory_space<vmem_shared>>
        tpu.wait_dma2 semaphore(%arg16 : memref<!tpu.dma_semaphore, #tpu.memory_space<semaphore_mem>>) src(%arg8 : memref<200x128xf32, #tpu.memory_space<vmem>>) dst(%dma_wait3A_401 : memref<200x128xf32, #tpu.memory_space<vmem_shared>>)
        %sub3A = arith.constant 1 : i32
        %sub3A_402 = arith.subi %add3A_245, %sub3A : i32
        %mul3A_403 = arith.constant 4 : i32
        %mul3A_404 = arith.muli %sub3A_402, %mul3A_403 : i32
        %add3A_405 = arith.addi %mul3A_2, %mul3A_404 : i32
        %add3A_406 = arith.constant 0 : i32
        %add3A_407 = arith.addi %add3A_405, %add3A_406 : i32
        %dma_start3A_408 = arith.constant 0 : i32
        %dma_start3A_409 = arith.constant 0 : i32
        %dma_start3A_410 = tpu.memref_slice %arg4[%add3A_407, %dma_start3A_408, %dma_start3A_409] : memref<4096x50x128xf32, #tpu.memory_space<hbm>> -> memref<1x50x128xf32, #tpu.memory_space<hbm>>
        %dma_start3A_411 = tpu.memref_squeeze %dma_start3A_410 : memref<1x50x128xf32, #tpu.memory_space<hbm>> -> memref<50x128xf32, #tpu.memory_space<hbm>>
        %dma_start3A_412 = arith.constant 0 : i32
        %dma_start3A_413 = arith.constant 0 : i32
        %dma_start3A_414 = tpu.memref_slice %arg11[%arg1, %dma_start3A_412, %dma_start3A_413] : memref<16x200x128xf32, #tpu.memory_space<vmem_shared>> -> memref<1x50x128xf32, #tpu.memory_space<vmem_shared>>
        %dma_start3A_415 = tpu.memref_squeeze %dma_start3A_414 : memref<1x50x128xf32, #tpu.memory_space<vmem_shared>> -> memref<50x128xf32, #tpu.memory_space<vmem_shared>>
        tpu.enqueue_dma source(%dma_start3A_415 : memref<50x128xf32, #tpu.memory_space<vmem_shared>>) target(%dma_start3A_411 : memref<50x128xf32, #tpu.memory_space<hbm>>) target_semaphore(%arg19 : memref<!tpu.dma_semaphore, #tpu.memory_space<semaphore_mem>>)
        %mul3A_416 = arith.constant 4 : i32
        %mul3A_417 = arith.muli %sub3A_402, %mul3A_416 : i32
        %add3A_418 = arith.addi %mul3A_2, %mul3A_417 : i32
        %add3A_419 = arith.constant 1 : i32
        %add3A_420 = arith.addi %add3A_418, %add3A_419 : i32
        %dma_start3A_421 = arith.constant 0 : i32
        %dma_start3A_422 = arith.constant 0 : i32
        %dma_start3A_423 = tpu.memref_slice %arg4[%add3A_420, %dma_start3A_421, %dma_start3A_422] : memref<4096x50x128xf32, #tpu.memory_space<hbm>> -> memref<1x50x128xf32, #tpu.memory_space<hbm>>
        %dma_start3A_424 = tpu.memref_squeeze %dma_start3A_423 : memref<1x50x128xf32, #tpu.memory_space<hbm>> -> memref<50x128xf32, #tpu.memory_space<hbm>>
        %dma_start3A_425 = arith.constant 50 : i32
        %dma_start3A_426 = arith.constant 0 : i32
        %dma_start3A_427 = tpu.memref_slice %arg11[%arg1, %dma_start3A_425, %dma_start3A_426] : memref<16x200x128xf32, #tpu.memory_space<vmem_shared>> -> memref<1x50x128xf32, #tpu.memory_space<vmem_shared>>
        %dma_start3A_428 = tpu.memref_squeeze %dma_start3A_427 : memref<1x50x128xf32, #tpu.memory_space<vmem_shared>> -> memref<50x128xf32, #tpu.memory_space<vmem_shared>>
        tpu.enqueue_dma source(%dma_start3A_428 : memref<50x128xf32, #tpu.memory_space<vmem_shared>>) target(%dma_start3A_424 : memref<50x128xf32, #tpu.memory_space<hbm>>) target_semaphore(%arg19 : memref<!tpu.dma_semaphore, #tpu.memory_space<semaphore_mem>>)
        %mul3A_429 = arith.constant 4 : i32
        %mul3A_430 = arith.muli %sub3A_402, %mul3A_429 : i32
        %add3A_431 = arith.addi %mul3A_2, %mul3A_430 : i32
        %add3A_432 = arith.constant 2 : i32
        %add3A_433 = arith.addi %add3A_431, %add3A_432 : i32
        %dma_start3A_434 = arith.constant 0 : i32
        %dma_start3A_435 = arith.constant 0 : i32
        %dma_start3A_436 = tpu.memref_slice %arg4[%add3A_433, %dma_start3A_434, %dma_start3A_435] : memref<4096x50x128xf32, #tpu.memory_space<hbm>> -> memref<1x50x128xf32, #tpu.memory_space<hbm>>
        %dma_start3A_437 = tpu.memref_squeeze %dma_start3A_436 : memref<1x50x128xf32, #tpu.memory_space<hbm>> -> memref<50x128xf32, #tpu.memory_space<hbm>>
        %dma_start3A_438 = arith.constant 100 : i32
        %dma_start3A_439 = arith.constant 0 : i32
        %dma_start3A_440 = tpu.memref_slice %arg11[%arg1, %dma_start3A_438, %dma_start3A_439] : memref<16x200x128xf32, #tpu.memory_space<vmem_shared>> -> memref<1x50x128xf32, #tpu.memory_space<vmem_shared>>
        %dma_start3A_441 = tpu.memref_squeeze %dma_start3A_440 : memref<1x50x128xf32, #tpu.memory_space<vmem_shared>> -> memref<50x128xf32, #tpu.memory_space<vmem_shared>>
        tpu.enqueue_dma source(%dma_start3A_441 : memref<50x128xf32, #tpu.memory_space<vmem_shared>>) target(%dma_start3A_437 : memref<50x128xf32, #tpu.memory_space<hbm>>) target_semaphore(%arg19 : memref<!tpu.dma_semaphore, #tpu.memory_space<semaphore_mem>>)
        %mul3A_442 = arith.constant 4 : i32
        %mul3A_443 = arith.muli %sub3A_402, %mul3A_442 : i32
        %add3A_444 = arith.addi %mul3A_2, %mul3A_443 : i32
        %add3A_445 = arith.constant 3 : i32
        %add3A_446 = arith.addi %add3A_444, %add3A_445 : i32
        %dma_start3A_447 = arith.constant 0 : i32
        %dma_start3A_448 = arith.constant 0 : i32
        %dma_start3A_449 = tpu.memref_slice %arg4[%add3A_446, %dma_start3A_447, %dma_start3A_448] : memref<4096x50x128xf32, #tpu.memory_space<hbm>> -> memref<1x50x128xf32, #tpu.memory_space<hbm>>
        %dma_start3A_450 = tpu.memref_squeeze %dma_start3A_449 : memref<1x50x128xf32, #tpu.memory_space<hbm>> -> memref<50x128xf32, #tpu.memory_space<hbm>>
        %dma_start3A_451 = arith.constant 150 : i32
        %dma_start3A_452 = arith.constant 0 : i32
        %dma_start3A_453 = tpu.memref_slice %arg11[%arg1, %dma_start3A_451, %dma_start3A_452] : memref<16x200x128xf32, #tpu.memory_space<vmem_shared>> -> memref<1x50x128xf32, #tpu.memory_space<vmem_shared>>
        %dma_start3A_454 = tpu.memref_squeeze %dma_start3A_453 : memref<1x50x128xf32, #tpu.memory_space<vmem_shared>> -> memref<50x128xf32, #tpu.memory_space<vmem_shared>>
        tpu.enqueue_dma source(%dma_start3A_454 : memref<50x128xf32, #tpu.memory_space<vmem_shared>>) target(%dma_start3A_450 : memref<50x128xf32, #tpu.memory_space<hbm>>) target_semaphore(%arg19 : memref<!tpu.dma_semaphore, #tpu.memory_space<semaphore_mem>>)
      } else {
      }
      %add3A_267 = arith.constant 2 : i32
      %add3A_268 = arith.addi %add3A_245, %add3A_267 : i32
      %lt3A_269 = arith.constant 32 : i32
      %lt3A_270 = arith.cmpi slt, %add3A_268, %lt3A_269 : i32
      %convert_element_type3A_271 = arith.extui %lt3A_270 : i1 to i32
      %cond3A_272 = arith.constant 0 : i32
      %cond3A_273 = arith.cmpi ne, %convert_element_type3A_271, %cond3A_272 : i32
      scf.if %cond3A_273 {
        %add3A_394 = arith.constant 2 : i32
        %add3A_395 = arith.addi %add3A_245, %add3A_394 : i32
        %mul3A_396 = arith.constant 4 : i32
        %mul3A_397 = arith.muli %add3A_395, %mul3A_396 : i32
        %add3A_398 = arith.addi %mul3A_2, %mul3A_397 : i32
        %mul3A_399 = arith.constant 50 : i32
        %mul3A_400 = arith.muli %add3A_398, %mul3A_399 : i32
        "tpu.region"() ({
          %run_scoped3A = tpu.sem_alloc : memref<!tpu.dma_semaphore, #tpu.memory_space<semaphore_mem>>
          %dma_start3A_404 = tpu.memref_slice %arg3[%mul3A_400] : memref<204800xi32, #tpu.memory_space<hbm>> -> memref<200xi32, #tpu.memory_space<hbm>>
          %dma_start3A_405 = tpu.memref_slice %arg3[%mul3A_400] : memref<204800xi32, #tpu.memory_space<hbm>> -> memref<200xi32, #tpu.memory_space<hbm>>
          tpu.enqueue_dma source(%dma_start3A_405 : memref<200xi32, #tpu.memory_space<hbm>>) target(%arg5 : memref<200xi32, #tpu.memory_space<vmem>>) target_semaphore(%run_scoped3A : memref<!tpu.dma_semaphore, #tpu.memory_space<semaphore_mem>>)
          %dma_wait3A_406 = tpu.memref_slice %arg3[%mul3A_400] : memref<204800xi32, #tpu.memory_space<hbm>> -> memref<200xi32, #tpu.memory_space<hbm>>
          %dma_wait3A_407 = tpu.memref_slice %arg3[%mul3A_400] : memref<204800xi32, #tpu.memory_space<hbm>> -> memref<200xi32, #tpu.memory_space<hbm>>
          tpu.wait_dma2 semaphore(%run_scoped3A : memref<!tpu.dma_semaphore, #tpu.memory_space<semaphore_mem>>) src(%dma_wait3A_407 : memref<200xi32, #tpu.memory_space<hbm>>) dst(%arg5 : memref<200xi32, #tpu.memory_space<vmem>>)
          tpu.yield
        }) : () -> ()
        %dma_start3A_401 = arith.constant 0 : i32
        %dma_start3A_402 = arith.constant 0 : i32
        %dma_start3A_403 = tpu.memref_slice %arg2[%dma_start3A_401, %dma_start3A_402] : memref<100000x128xf32, #tpu.memory_space<hbm>> -> memref<100000x128xf32, #tpu.memory_space<hbm>>
        tpu.enqueue_indirect_dma source(%dma_start3A_403 : memref<100000x128xf32, #tpu.memory_space<hbm>>) target(%arg8 : memref<200x128xf32, #tpu.memory_space<vmem>>) offsets(%arg5 : memref<200xi32, #tpu.memory_space<vmem>>) semaphore(%arg13 : memref<!tpu.dma_semaphore, #tpu.memory_space<semaphore_mem>>)
      } else {
      }
      %add3A_274 = arith.constant 2 : i32
      %add3A_275 = arith.addi %add3A_213, %add3A_274 : i32
      %dma_wait3A_276 = arith.constant 0 : i32
      %dma_wait3A_277 = arith.constant 0 : i32
      %dma_wait3A_278 = tpu.memref_slice %arg2[%dma_wait3A_276, %dma_wait3A_277] : memref<100000x128xf32, #tpu.memory_space<hbm>> -> memref<100000x128xf32, #tpu.memory_space<hbm>>
      tpu.wait_indirect_dma semaphore(%arg15 : memref<!tpu.dma_semaphore, #tpu.memory_space<semaphore_mem>>) src(%dma_wait3A_278 : memref<100000x128xf32, #tpu.memory_space<hbm>>) dst(%arg10 : memref<200x128xf32, #tpu.memory_space<vmem>>)
      %ge3A_279 = arith.constant 2 : i32
      %ge3A_280 = arith.cmpi sge, %add3A_275, %ge3A_279 : i32
      %convert_element_type3A_281 = arith.extui %ge3A_280 : i1 to i32
      %cond3A_282 = arith.constant 0 : i32
      %cond3A_283 = arith.cmpi ne, %convert_element_type3A_281, %cond3A_282 : i32
      scf.if %cond3A_283 {
        %dma_wait3A_394 = arith.constant 0 : i32
        %dma_wait3A_395 = arith.constant 0 : i32
        %dma_wait3A_396 = tpu.memref_slice %arg4[%mul3A_2, %dma_wait3A_394, %dma_wait3A_395] : memref<4096x50x128xf32, #tpu.memory_space<hbm>> -> memref<1x50x128xf32, #tpu.memory_space<hbm>>
        %dma_wait3A_397 = tpu.memref_squeeze %dma_wait3A_396 : memref<1x50x128xf32, #tpu.memory_space<hbm>> -> memref<50x128xf32, #tpu.memory_space<hbm>>
        %dma_wait3A_398 = arith.constant 0 : i32
        %dma_wait3A_399 = arith.constant 0 : i32
        %dma_wait3A_400 = tpu.memref_slice %arg11[%arg1, %dma_wait3A_398, %dma_wait3A_399] : memref<16x200x128xf32, #tpu.memory_space<vmem_shared>> -> memref<1x50x128xf32, #tpu.memory_space<vmem_shared>>
        %dma_wait3A_401 = tpu.memref_squeeze %dma_wait3A_400 : memref<1x50x128xf32, #tpu.memory_space<vmem_shared>> -> memref<50x128xf32, #tpu.memory_space<vmem_shared>>
        tpu.wait_dma2 semaphore(%arg19 : memref<!tpu.dma_semaphore, #tpu.memory_space<semaphore_mem>>) src(%dma_wait3A_401 : memref<50x128xf32, #tpu.memory_space<vmem_shared>>) dst(%dma_wait3A_397 : memref<50x128xf32, #tpu.memory_space<hbm>>)
        %dma_wait3A_402 = arith.constant 0 : i32
        %dma_wait3A_403 = arith.constant 0 : i32
        %dma_wait3A_404 = tpu.memref_slice %arg4[%mul3A_2, %dma_wait3A_402, %dma_wait3A_403] : memref<4096x50x128xf32, #tpu.memory_space<hbm>> -> memref<1x50x128xf32, #tpu.memory_space<hbm>>
        %dma_wait3A_405 = tpu.memref_squeeze %dma_wait3A_404 : memref<1x50x128xf32, #tpu.memory_space<hbm>> -> memref<50x128xf32, #tpu.memory_space<hbm>>
        %dma_wait3A_406 = arith.constant 50 : i32
        %dma_wait3A_407 = arith.constant 0 : i32
        %dma_wait3A_408 = tpu.memref_slice %arg11[%arg1, %dma_wait3A_406, %dma_wait3A_407] : memref<16x200x128xf32, #tpu.memory_space<vmem_shared>> -> memref<1x50x128xf32, #tpu.memory_space<vmem_shared>>
        %dma_wait3A_409 = tpu.memref_squeeze %dma_wait3A_408 : memref<1x50x128xf32, #tpu.memory_space<vmem_shared>> -> memref<50x128xf32, #tpu.memory_space<vmem_shared>>
        tpu.wait_dma2 semaphore(%arg19 : memref<!tpu.dma_semaphore, #tpu.memory_space<semaphore_mem>>) src(%dma_wait3A_409 : memref<50x128xf32, #tpu.memory_space<vmem_shared>>) dst(%dma_wait3A_405 : memref<50x128xf32, #tpu.memory_space<hbm>>)
        %dma_wait3A_410 = arith.constant 0 : i32
        %dma_wait3A_411 = arith.constant 0 : i32
        %dma_wait3A_412 = tpu.memref_slice %arg4[%mul3A_2, %dma_wait3A_410, %dma_wait3A_411] : memref<4096x50x128xf32, #tpu.memory_space<hbm>> -> memref<1x50x128xf32, #tpu.memory_space<hbm>>
        %dma_wait3A_413 = tpu.memref_squeeze %dma_wait3A_412 : memref<1x50x128xf32, #tpu.memory_space<hbm>> -> memref<50x128xf32, #tpu.memory_space<hbm>>
        %dma_wait3A_414 = arith.constant 100 : i32
        %dma_wait3A_415 = arith.constant 0 : i32
        %dma_wait3A_416 = tpu.memref_slice %arg11[%arg1, %dma_wait3A_414, %dma_wait3A_415] : memref<16x200x128xf32, #tpu.memory_space<vmem_shared>> -> memref<1x50x128xf32, #tpu.memory_space<vmem_shared>>
        %dma_wait3A_417 = tpu.memref_squeeze %dma_wait3A_416 : memref<1x50x128xf32, #tpu.memory_space<vmem_shared>> -> memref<50x128xf32, #tpu.memory_space<vmem_shared>>
        tpu.wait_dma2 semaphore(%arg19 : memref<!tpu.dma_semaphore, #tpu.memory_space<semaphore_mem>>) src(%dma_wait3A_417 : memref<50x128xf32, #tpu.memory_space<vmem_shared>>) dst(%dma_wait3A_413 : memref<50x128xf32, #tpu.memory_space<hbm>>)
        %dma_wait3A_418 = arith.constant 0 : i32
        %dma_wait3A_419 = arith.constant 0 : i32
        %dma_wait3A_420 = tpu.memref_slice %arg4[%mul3A_2, %dma_wait3A_418, %dma_wait3A_419] : memref<4096x50x128xf32, #tpu.memory_space<hbm>> -> memref<1x50x128xf32, #tpu.memory_space<hbm>>
        %dma_wait3A_421 = tpu.memref_squeeze %dma_wait3A_420 : memref<1x50x128xf32, #tpu.memory_space<hbm>> -> memref<50x128xf32, #tpu.memory_space<hbm>>
        %dma_wait3A_422 = arith.constant 150 : i32
        %dma_wait3A_423 = arith.constant 0 : i32
        %dma_wait3A_424 = tpu.memref_slice %arg11[%arg1, %dma_wait3A_422, %dma_wait3A_423] : memref<16x200x128xf32, #tpu.memory_space<vmem_shared>> -> memref<1x50x128xf32, #tpu.memory_space<vmem_shared>>
        %dma_wait3A_425 = tpu.memref_squeeze %dma_wait3A_424 : memref<1x50x128xf32, #tpu.memory_space<vmem_shared>> -> memref<50x128xf32, #tpu.memory_space<vmem_shared>>
        tpu.wait_dma2 semaphore(%arg19 : memref<!tpu.dma_semaphore, #tpu.memory_space<semaphore_mem>>) src(%dma_wait3A_425 : memref<50x128xf32, #tpu.memory_space<vmem_shared>>) dst(%dma_wait3A_421 : memref<50x128xf32, #tpu.memory_space<hbm>>)
      } else {
      }
      %dma_start3A_284 = arith.constant 0 : i32
      %dma_start3A_285 = arith.constant 0 : i32
      %dma_start3A_286 = tpu.memref_slice %arg11[%arg1, %dma_start3A_284, %dma_start3A_285] : memref<16x200x128xf32, #tpu.memory_space<vmem_shared>> -> memref<1x200x128xf32, #tpu.memory_space<vmem_shared>>
      %dma_start3A_287 = tpu.memref_squeeze %dma_start3A_286 : memref<1x200x128xf32, #tpu.memory_space<vmem_shared>> -> memref<200x128xf32, #tpu.memory_space<vmem_shared>>
      %dma_start3A_288 = arith.constant 0 : i32
      %dma_start3A_289 = arith.constant 0 : i32
      %dma_start3A_290 = tpu.memref_slice %arg11[%arg1, %dma_start3A_288, %dma_start3A_289] : memref<16x200x128xf32, #tpu.memory_space<vmem_shared>> -> memref<1x200x128xf32, #tpu.memory_space<vmem_shared>>
      %dma_start3A_291 = tpu.memref_squeeze %dma_start3A_290 : memref<1x200x128xf32, #tpu.memory_space<vmem_shared>> -> memref<200x128xf32, #tpu.memory_space<vmem_shared>>
      tpu.enqueue_dma source(%arg10 : memref<200x128xf32, #tpu.memory_space<vmem>>) target(%dma_start3A_291 : memref<200x128xf32, #tpu.memory_space<vmem_shared>>) target_semaphore(%arg18 : memref<!tpu.dma_semaphore, #tpu.memory_space<semaphore_mem>>)
      %ge3A_292 = arith.constant 1 : i32
      %ge3A_293 = arith.cmpi sge, %add3A_275, %ge3A_292 : i32
      %convert_element_type3A_294 = arith.extui %ge3A_293 : i1 to i32
      %cond3A_295 = arith.constant 0 : i32
      %cond3A_296 = arith.cmpi ne, %convert_element_type3A_294, %cond3A_295 : i32
      scf.if %cond3A_296 {
        %dma_wait3A_394 = arith.constant 0 : i32
        %dma_wait3A_395 = arith.constant 0 : i32
        %dma_wait3A_396 = tpu.memref_slice %arg12[%arg1, %dma_wait3A_394, %dma_wait3A_395] : memref<16x200x128xf32, #tpu.memory_space<vmem_shared>> -> memref<1x200x128xf32, #tpu.memory_space<vmem_shared>>
        %dma_wait3A_397 = tpu.memref_squeeze %dma_wait3A_396 : memref<1x200x128xf32, #tpu.memory_space<vmem_shared>> -> memref<200x128xf32, #tpu.memory_space<vmem_shared>>
        %dma_wait3A_398 = arith.constant 0 : i32
        %dma_wait3A_399 = arith.constant 0 : i32
        %dma_wait3A_400 = tpu.memref_slice %arg12[%arg1, %dma_wait3A_398, %dma_wait3A_399] : memref<16x200x128xf32, #tpu.memory_space<vmem_shared>> -> memref<1x200x128xf32, #tpu.memory_space<vmem_shared>>
        %dma_wait3A_401 = tpu.memref_squeeze %dma_wait3A_400 : memref<1x200x128xf32, #tpu.memory_space<vmem_shared>> -> memref<200x128xf32, #tpu.memory_space<vmem_shared>>
        tpu.wait_dma2 semaphore(%arg17 : memref<!tpu.dma_semaphore, #tpu.memory_space<semaphore_mem>>) src(%arg9 : memref<200x128xf32, #tpu.memory_space<vmem>>) dst(%dma_wait3A_401 : memref<200x128xf32, #tpu.memory_space<vmem_shared>>)
        %sub3A = arith.constant 1 : i32
        %sub3A_402 = arith.subi %add3A_275, %sub3A : i32
        %mul3A_403 = arith.constant 4 : i32
        %mul3A_404 = arith.muli %sub3A_402, %mul3A_403 : i32
        %add3A_405 = arith.addi %mul3A_2, %mul3A_404 : i32
        %add3A_406 = arith.constant 0 : i32
        %add3A_407 = arith.addi %add3A_405, %add3A_406 : i32
        %dma_start3A_408 = arith.constant 0 : i32
        %dma_start3A_409 = arith.constant 0 : i32
        %dma_start3A_410 = tpu.memref_slice %arg4[%add3A_407, %dma_start3A_408, %dma_start3A_409] : memref<4096x50x128xf32, #tpu.memory_space<hbm>> -> memref<1x50x128xf32, #tpu.memory_space<hbm>>
        %dma_start3A_411 = tpu.memref_squeeze %dma_start3A_410 : memref<1x50x128xf32, #tpu.memory_space<hbm>> -> memref<50x128xf32, #tpu.memory_space<hbm>>
        %dma_start3A_412 = arith.constant 0 : i32
        %dma_start3A_413 = arith.constant 0 : i32
        %dma_start3A_414 = tpu.memref_slice %arg12[%arg1, %dma_start3A_412, %dma_start3A_413] : memref<16x200x128xf32, #tpu.memory_space<vmem_shared>> -> memref<1x50x128xf32, #tpu.memory_space<vmem_shared>>
        %dma_start3A_415 = tpu.memref_squeeze %dma_start3A_414 : memref<1x50x128xf32, #tpu.memory_space<vmem_shared>> -> memref<50x128xf32, #tpu.memory_space<vmem_shared>>
        tpu.enqueue_dma source(%dma_start3A_415 : memref<50x128xf32, #tpu.memory_space<vmem_shared>>) target(%dma_start3A_411 : memref<50x128xf32, #tpu.memory_space<hbm>>) target_semaphore(%arg20 : memref<!tpu.dma_semaphore, #tpu.memory_space<semaphore_mem>>)
        %mul3A_416 = arith.constant 4 : i32
        %mul3A_417 = arith.muli %sub3A_402, %mul3A_416 : i32
        %add3A_418 = arith.addi %mul3A_2, %mul3A_417 : i32
        %add3A_419 = arith.constant 1 : i32
        %add3A_420 = arith.addi %add3A_418, %add3A_419 : i32
        %dma_start3A_421 = arith.constant 0 : i32
        %dma_start3A_422 = arith.constant 0 : i32
        %dma_start3A_423 = tpu.memref_slice %arg4[%add3A_420, %dma_start3A_421, %dma_start3A_422] : memref<4096x50x128xf32, #tpu.memory_space<hbm>> -> memref<1x50x128xf32, #tpu.memory_space<hbm>>
        %dma_start3A_424 = tpu.memref_squeeze %dma_start3A_423 : memref<1x50x128xf32, #tpu.memory_space<hbm>> -> memref<50x128xf32, #tpu.memory_space<hbm>>
        %dma_start3A_425 = arith.constant 50 : i32
        %dma_start3A_426 = arith.constant 0 : i32
        %dma_start3A_427 = tpu.memref_slice %arg12[%arg1, %dma_start3A_425, %dma_start3A_426] : memref<16x200x128xf32, #tpu.memory_space<vmem_shared>> -> memref<1x50x128xf32, #tpu.memory_space<vmem_shared>>
        %dma_start3A_428 = tpu.memref_squeeze %dma_start3A_427 : memref<1x50x128xf32, #tpu.memory_space<vmem_shared>> -> memref<50x128xf32, #tpu.memory_space<vmem_shared>>
        tpu.enqueue_dma source(%dma_start3A_428 : memref<50x128xf32, #tpu.memory_space<vmem_shared>>) target(%dma_start3A_424 : memref<50x128xf32, #tpu.memory_space<hbm>>) target_semaphore(%arg20 : memref<!tpu.dma_semaphore, #tpu.memory_space<semaphore_mem>>)
        %mul3A_429 = arith.constant 4 : i32
        %mul3A_430 = arith.muli %sub3A_402, %mul3A_429 : i32
        %add3A_431 = arith.addi %mul3A_2, %mul3A_430 : i32
        %add3A_432 = arith.constant 2 : i32
        %add3A_433 = arith.addi %add3A_431, %add3A_432 : i32
        %dma_start3A_434 = arith.constant 0 : i32
        %dma_start3A_435 = arith.constant 0 : i32
        %dma_start3A_436 = tpu.memref_slice %arg4[%add3A_433, %dma_start3A_434, %dma_start3A_435] : memref<4096x50x128xf32, #tpu.memory_space<hbm>> -> memref<1x50x128xf32, #tpu.memory_space<hbm>>
        %dma_start3A_437 = tpu.memref_squeeze %dma_start3A_436 : memref<1x50x128xf32, #tpu.memory_space<hbm>> -> memref<50x128xf32, #tpu.memory_space<hbm>>
        %dma_start3A_438 = arith.constant 100 : i32
        %dma_start3A_439 = arith.constant 0 : i32
        %dma_start3A_440 = tpu.memref_slice %arg12[%arg1, %dma_start3A_438, %dma_start3A_439] : memref<16x200x128xf32, #tpu.memory_space<vmem_shared>> -> memref<1x50x128xf32, #tpu.memory_space<vmem_shared>>
        %dma_start3A_441 = tpu.memref_squeeze %dma_start3A_440 : memref<1x50x128xf32, #tpu.memory_space<vmem_shared>> -> memref<50x128xf32, #tpu.memory_space<vmem_shared>>
        tpu.enqueue_dma source(%dma_start3A_441 : memref<50x128xf32, #tpu.memory_space<vmem_shared>>) target(%dma_start3A_437 : memref<50x128xf32, #tpu.memory_space<hbm>>) target_semaphore(%arg20 : memref<!tpu.dma_semaphore, #tpu.memory_space<semaphore_mem>>)
        %mul3A_442 = arith.constant 4 : i32
        %mul3A_443 = arith.muli %sub3A_402, %mul3A_442 : i32
        %add3A_444 = arith.addi %mul3A_2, %mul3A_443 : i32
        %add3A_445 = arith.constant 3 : i32
        %add3A_446 = arith.addi %add3A_444, %add3A_445 : i32
        %dma_start3A_447 = arith.constant 0 : i32
        %dma_start3A_448 = arith.constant 0 : i32
        %dma_start3A_449 = tpu.memref_slice %arg4[%add3A_446, %dma_start3A_447, %dma_start3A_448] : memref<4096x50x128xf32, #tpu.memory_space<hbm>> -> memref<1x50x128xf32, #tpu.memory_space<hbm>>
        %dma_start3A_450 = tpu.memref_squeeze %dma_start3A_449 : memref<1x50x128xf32, #tpu.memory_space<hbm>> -> memref<50x128xf32, #tpu.memory_space<hbm>>
        %dma_start3A_451 = arith.constant 150 : i32
        %dma_start3A_452 = arith.constant 0 : i32
        %dma_start3A_453 = tpu.memref_slice %arg12[%arg1, %dma_start3A_451, %dma_start3A_452] : memref<16x200x128xf32, #tpu.memory_space<vmem_shared>> -> memref<1x50x128xf32, #tpu.memory_space<vmem_shared>>
        %dma_start3A_454 = tpu.memref_squeeze %dma_start3A_453 : memref<1x50x128xf32, #tpu.memory_space<vmem_shared>> -> memref<50x128xf32, #tpu.memory_space<vmem_shared>>
        tpu.enqueue_dma source(%dma_start3A_454 : memref<50x128xf32, #tpu.memory_space<vmem_shared>>) target(%dma_start3A_450 : memref<50x128xf32, #tpu.memory_space<hbm>>) target_semaphore(%arg20 : memref<!tpu.dma_semaphore, #tpu.memory_space<semaphore_mem>>)
      } else {
      }
      %add3A_297 = arith.constant 2 : i32
      %add3A_298 = arith.addi %add3A_275, %add3A_297 : i32
      %lt3A_299 = arith.constant 32 : i32
      %lt3A_300 = arith.cmpi slt, %add3A_298, %lt3A_299 : i32
      %convert_element_type3A_301 = arith.extui %lt3A_300 : i1 to i32
      %cond3A_302 = arith.constant 0 : i32
      %cond3A_303 = arith.cmpi ne, %convert_element_type3A_301, %cond3A_302 : i32
      scf.if %cond3A_303 {
        %add3A_394 = arith.constant 2 : i32
        %add3A_395 = arith.addi %add3A_275, %add3A_394 : i32
        %mul3A_396 = arith.constant 4 : i32
        %mul3A_397 = arith.muli %add3A_395, %mul3A_396 : i32
        %add3A_398 = arith.addi %mul3A_2, %mul3A_397 : i32
        %mul3A_399 = arith.constant 50 : i32
        %mul3A_400 = arith.muli %add3A_398, %mul3A_399 : i32
        "tpu.region"() ({
          %run_scoped3A = tpu.sem_alloc : memref<!tpu.dma_semaphore, #tpu.memory_space<semaphore_mem>>
          %dma_start3A_404 = tpu.memref_slice %arg3[%mul3A_400] : memref<204800xi32, #tpu.memory_space<hbm>> -> memref<200xi32, #tpu.memory_space<hbm>>
          %dma_start3A_405 = tpu.memref_slice %arg3[%mul3A_400] : memref<204800xi32, #tpu.memory_space<hbm>> -> memref<200xi32, #tpu.memory_space<hbm>>
          tpu.enqueue_dma source(%dma_start3A_405 : memref<200xi32, #tpu.memory_space<hbm>>) target(%arg6 : memref<200xi32, #tpu.memory_space<vmem>>) target_semaphore(%run_scoped3A : memref<!tpu.dma_semaphore, #tpu.memory_space<semaphore_mem>>)
          %dma_wait3A_406 = tpu.memref_slice %arg3[%mul3A_400] : memref<204800xi32, #tpu.memory_space<hbm>> -> memref<200xi32, #tpu.memory_space<hbm>>
          %dma_wait3A_407 = tpu.memref_slice %arg3[%mul3A_400] : memref<204800xi32, #tpu.memory_space<hbm>> -> memref<200xi32, #tpu.memory_space<hbm>>
          tpu.wait_dma2 semaphore(%run_scoped3A : memref<!tpu.dma_semaphore, #tpu.memory_space<semaphore_mem>>) src(%dma_wait3A_407 : memref<200xi32, #tpu.memory_space<hbm>>) dst(%arg6 : memref<200xi32, #tpu.memory_space<vmem>>)
          tpu.yield
        }) : () -> ()
        %dma_start3A_401 = arith.constant 0 : i32
        %dma_start3A_402 = arith.constant 0 : i32
        %dma_start3A_403 = tpu.memref_slice %arg2[%dma_start3A_401, %dma_start3A_402] : memref<100000x128xf32, #tpu.memory_space<hbm>> -> memref<100000x128xf32, #tpu.memory_space<hbm>>
        tpu.enqueue_indirect_dma source(%dma_start3A_403 : memref<100000x128xf32, #tpu.memory_space<hbm>>) target(%arg9 : memref<200x128xf32, #tpu.memory_space<vmem>>) offsets(%arg6 : memref<200xi32, #tpu.memory_space<vmem>>) semaphore(%arg14 : memref<!tpu.dma_semaphore, #tpu.memory_space<semaphore_mem>>)
      } else {
      }
      %add3A_304 = arith.constant 3 : i32
      %add3A_305 = arith.addi %add3A_213, %add3A_304 : i32
      %dma_wait3A_306 = arith.constant 0 : i32
      %dma_wait3A_307 = arith.constant 0 : i32
      %dma_wait3A_308 = tpu.memref_slice %arg2[%dma_wait3A_306, %dma_wait3A_307] : memref<100000x128xf32, #tpu.memory_space<hbm>> -> memref<100000x128xf32, #tpu.memory_space<hbm>>
      tpu.wait_indirect_dma semaphore(%arg13 : memref<!tpu.dma_semaphore, #tpu.memory_space<semaphore_mem>>) src(%dma_wait3A_308 : memref<100000x128xf32, #tpu.memory_space<hbm>>) dst(%arg8 : memref<200x128xf32, #tpu.memory_space<vmem>>)
      %ge3A_309 = arith.constant 2 : i32
      %ge3A_310 = arith.cmpi sge, %add3A_305, %ge3A_309 : i32
      %convert_element_type3A_311 = arith.extui %ge3A_310 : i1 to i32
      %cond3A_312 = arith.constant 0 : i32
      %cond3A_313 = arith.cmpi ne, %convert_element_type3A_311, %cond3A_312 : i32
      scf.if %cond3A_313 {
        %dma_wait3A_394 = arith.constant 0 : i32
        %dma_wait3A_395 = arith.constant 0 : i32
        %dma_wait3A_396 = tpu.memref_slice %arg4[%mul3A_2, %dma_wait3A_394, %dma_wait3A_395] : memref<4096x50x128xf32, #tpu.memory_space<hbm>> -> memref<1x50x128xf32, #tpu.memory_space<hbm>>
        %dma_wait3A_397 = tpu.memref_squeeze %dma_wait3A_396 : memref<1x50x128xf32, #tpu.memory_space<hbm>> -> memref<50x128xf32, #tpu.memory_space<hbm>>
        %dma_wait3A_398 = arith.constant 0 : i32
        %dma_wait3A_399 = arith.constant 0 : i32
        %dma_wait3A_400 = tpu.memref_slice %arg12[%arg1, %dma_wait3A_398, %dma_wait3A_399] : memref<16x200x128xf32, #tpu.memory_space<vmem_shared>> -> memref<1x50x128xf32, #tpu.memory_space<vmem_shared>>
        %dma_wait3A_401 = tpu.memref_squeeze %dma_wait3A_400 : memref<1x50x128xf32, #tpu.memory_space<vmem_shared>> -> memref<50x128xf32, #tpu.memory_space<vmem_shared>>
        tpu.wait_dma2 semaphore(%arg20 : memref<!tpu.dma_semaphore, #tpu.memory_space<semaphore_mem>>) src(%dma_wait3A_401 : memref<50x128xf32, #tpu.memory_space<vmem_shared>>) dst(%dma_wait3A_397 : memref<50x128xf32, #tpu.memory_space<hbm>>)
        %dma_wait3A_402 = arith.constant 0 : i32
        %dma_wait3A_403 = arith.constant 0 : i32
        %dma_wait3A_404 = tpu.memref_slice %arg4[%mul3A_2, %dma_wait3A_402, %dma_wait3A_403] : memref<4096x50x128xf32, #tpu.memory_space<hbm>> -> memref<1x50x128xf32, #tpu.memory_space<hbm>>
        %dma_wait3A_405 = tpu.memref_squeeze %dma_wait3A_404 : memref<1x50x128xf32, #tpu.memory_space<hbm>> -> memref<50x128xf32, #tpu.memory_space<hbm>>
        %dma_wait3A_406 = arith.constant 50 : i32
        %dma_wait3A_407 = arith.constant 0 : i32
        %dma_wait3A_408 = tpu.memref_slice %arg12[%arg1, %dma_wait3A_406, %dma_wait3A_407] : memref<16x200x128xf32, #tpu.memory_space<vmem_shared>> -> memref<1x50x128xf32, #tpu.memory_space<vmem_shared>>
        %dma_wait3A_409 = tpu.memref_squeeze %dma_wait3A_408 : memref<1x50x128xf32, #tpu.memory_space<vmem_shared>> -> memref<50x128xf32, #tpu.memory_space<vmem_shared>>
        tpu.wait_dma2 semaphore(%arg20 : memref<!tpu.dma_semaphore, #tpu.memory_space<semaphore_mem>>) src(%dma_wait3A_409 : memref<50x128xf32, #tpu.memory_space<vmem_shared>>) dst(%dma_wait3A_405 : memref<50x128xf32, #tpu.memory_space<hbm>>)
        %dma_wait3A_410 = arith.constant 0 : i32
        %dma_wait3A_411 = arith.constant 0 : i32
        %dma_wait3A_412 = tpu.memref_slice %arg4[%mul3A_2, %dma_wait3A_410, %dma_wait3A_411] : memref<4096x50x128xf32, #tpu.memory_space<hbm>> -> memref<1x50x128xf32, #tpu.memory_space<hbm>>
        %dma_wait3A_413 = tpu.memref_squeeze %dma_wait3A_412 : memref<1x50x128xf32, #tpu.memory_space<hbm>> -> memref<50x128xf32, #tpu.memory_space<hbm>>
        %dma_wait3A_414 = arith.constant 100 : i32
        %dma_wait3A_415 = arith.constant 0 : i32
        %dma_wait3A_416 = tpu.memref_slice %arg12[%arg1, %dma_wait3A_414, %dma_wait3A_415] : memref<16x200x128xf32, #tpu.memory_space<vmem_shared>> -> memref<1x50x128xf32, #tpu.memory_space<vmem_shared>>
        %dma_wait3A_417 = tpu.memref_squeeze %dma_wait3A_416 : memref<1x50x128xf32, #tpu.memory_space<vmem_shared>> -> memref<50x128xf32, #tpu.memory_space<vmem_shared>>
        tpu.wait_dma2 semaphore(%arg20 : memref<!tpu.dma_semaphore, #tpu.memory_space<semaphore_mem>>) src(%dma_wait3A_417 : memref<50x128xf32, #tpu.memory_space<vmem_shared>>) dst(%dma_wait3A_413 : memref<50x128xf32, #tpu.memory_space<hbm>>)
        %dma_wait3A_418 = arith.constant 0 : i32
        %dma_wait3A_419 = arith.constant 0 : i32
        %dma_wait3A_420 = tpu.memref_slice %arg4[%mul3A_2, %dma_wait3A_418, %dma_wait3A_419] : memref<4096x50x128xf32, #tpu.memory_space<hbm>> -> memref<1x50x128xf32, #tpu.memory_space<hbm>>
        %dma_wait3A_421 = tpu.memref_squeeze %dma_wait3A_420 : memref<1x50x128xf32, #tpu.memory_space<hbm>> -> memref<50x128xf32, #tpu.memory_space<hbm>>
        %dma_wait3A_422 = arith.constant 150 : i32
        %dma_wait3A_423 = arith.constant 0 : i32
        %dma_wait3A_424 = tpu.memref_slice %arg12[%arg1, %dma_wait3A_422, %dma_wait3A_423] : memref<16x200x128xf32, #tpu.memory_space<vmem_shared>> -> memref<1x50x128xf32, #tpu.memory_space<vmem_shared>>
        %dma_wait3A_425 = tpu.memref_squeeze %dma_wait3A_424 : memref<1x50x128xf32, #tpu.memory_space<vmem_shared>> -> memref<50x128xf32, #tpu.memory_space<vmem_shared>>
        tpu.wait_dma2 semaphore(%arg20 : memref<!tpu.dma_semaphore, #tpu.memory_space<semaphore_mem>>) src(%dma_wait3A_425 : memref<50x128xf32, #tpu.memory_space<vmem_shared>>) dst(%dma_wait3A_421 : memref<50x128xf32, #tpu.memory_space<hbm>>)
      } else {
      }
      %dma_start3A_314 = arith.constant 0 : i32
      %dma_start3A_315 = arith.constant 0 : i32
      %dma_start3A_316 = tpu.memref_slice %arg12[%arg1, %dma_start3A_314, %dma_start3A_315] : memref<16x200x128xf32, #tpu.memory_space<vmem_shared>> -> memref<1x200x128xf32, #tpu.memory_space<vmem_shared>>
      %dma_start3A_317 = tpu.memref_squeeze %dma_start3A_316 : memref<1x200x128xf32, #tpu.memory_space<vmem_shared>> -> memref<200x128xf32, #tpu.memory_space<vmem_shared>>
      %dma_start3A_318 = arith.constant 0 : i32
      %dma_start3A_319 = arith.constant 0 : i32
      %dma_start3A_320 = tpu.memref_slice %arg12[%arg1, %dma_start3A_318, %dma_start3A_319] : memref<16x200x128xf32, #tpu.memory_space<vmem_shared>> -> memref<1x200x128xf32, #tpu.memory_space<vmem_shared>>
      %dma_start3A_321 = tpu.memref_squeeze %dma_start3A_320 : memref<1x200x128xf32, #tpu.memory_space<vmem_shared>> -> memref<200x128xf32, #tpu.memory_space<vmem_shared>>
      tpu.enqueue_dma source(%arg8 : memref<200x128xf32, #tpu.memory_space<vmem>>) target(%dma_start3A_321 : memref<200x128xf32, #tpu.memory_space<vmem_shared>>) target_semaphore(%arg16 : memref<!tpu.dma_semaphore, #tpu.memory_space<semaphore_mem>>)
      %ge3A_322 = arith.constant 1 : i32
      %ge3A_323 = arith.cmpi sge, %add3A_305, %ge3A_322 : i32
      %convert_element_type3A_324 = arith.extui %ge3A_323 : i1 to i32
      %cond3A_325 = arith.constant 0 : i32
      %cond3A_326 = arith.cmpi ne, %convert_element_type3A_324, %cond3A_325 : i32
      scf.if %cond3A_326 {
        %dma_wait3A_394 = arith.constant 0 : i32
        %dma_wait3A_395 = arith.constant 0 : i32
        %dma_wait3A_396 = tpu.memref_slice %arg11[%arg1, %dma_wait3A_394, %dma_wait3A_395] : memref<16x200x128xf32, #tpu.memory_space<vmem_shared>> -> memref<1x200x128xf32, #tpu.memory_space<vmem_shared>>
        %dma_wait3A_397 = tpu.memref_squeeze %dma_wait3A_396 : memref<1x200x128xf32, #tpu.memory_space<vmem_shared>> -> memref<200x128xf32, #tpu.memory_space<vmem_shared>>
        %dma_wait3A_398 = arith.constant 0 : i32
        %dma_wait3A_399 = arith.constant 0 : i32
        %dma_wait3A_400 = tpu.memref_slice %arg11[%arg1, %dma_wait3A_398, %dma_wait3A_399] : memref<16x200x128xf32, #tpu.memory_space<vmem_shared>> -> memref<1x200x128xf32, #tpu.memory_space<vmem_shared>>
        %dma_wait3A_401 = tpu.memref_squeeze %dma_wait3A_400 : memref<1x200x128xf32, #tpu.memory_space<vmem_shared>> -> memref<200x128xf32, #tpu.memory_space<vmem_shared>>
        tpu.wait_dma2 semaphore(%arg18 : memref<!tpu.dma_semaphore, #tpu.memory_space<semaphore_mem>>) src(%arg10 : memref<200x128xf32, #tpu.memory_space<vmem>>) dst(%dma_wait3A_401 : memref<200x128xf32, #tpu.memory_space<vmem_shared>>)
        %sub3A = arith.constant 1 : i32
        %sub3A_402 = arith.subi %add3A_305, %sub3A : i32
        %mul3A_403 = arith.constant 4 : i32
        %mul3A_404 = arith.muli %sub3A_402, %mul3A_403 : i32
        %add3A_405 = arith.addi %mul3A_2, %mul3A_404 : i32
        %add3A_406 = arith.constant 0 : i32
        %add3A_407 = arith.addi %add3A_405, %add3A_406 : i32
        %dma_start3A_408 = arith.constant 0 : i32
        %dma_start3A_409 = arith.constant 0 : i32
        %dma_start3A_410 = tpu.memref_slice %arg4[%add3A_407, %dma_start3A_408, %dma_start3A_409] : memref<4096x50x128xf32, #tpu.memory_space<hbm>> -> memref<1x50x128xf32, #tpu.memory_space<hbm>>
        %dma_start3A_411 = tpu.memref_squeeze %dma_start3A_410 : memref<1x50x128xf32, #tpu.memory_space<hbm>> -> memref<50x128xf32, #tpu.memory_space<hbm>>
        %dma_start3A_412 = arith.constant 0 : i32
        %dma_start3A_413 = arith.constant 0 : i32
        %dma_start3A_414 = tpu.memref_slice %arg11[%arg1, %dma_start3A_412, %dma_start3A_413] : memref<16x200x128xf32, #tpu.memory_space<vmem_shared>> -> memref<1x50x128xf32, #tpu.memory_space<vmem_shared>>
        %dma_start3A_415 = tpu.memref_squeeze %dma_start3A_414 : memref<1x50x128xf32, #tpu.memory_space<vmem_shared>> -> memref<50x128xf32, #tpu.memory_space<vmem_shared>>
        tpu.enqueue_dma source(%dma_start3A_415 : memref<50x128xf32, #tpu.memory_space<vmem_shared>>) target(%dma_start3A_411 : memref<50x128xf32, #tpu.memory_space<hbm>>) target_semaphore(%arg19 : memref<!tpu.dma_semaphore, #tpu.memory_space<semaphore_mem>>)
        %mul3A_416 = arith.constant 4 : i32
        %mul3A_417 = arith.muli %sub3A_402, %mul3A_416 : i32
        %add3A_418 = arith.addi %mul3A_2, %mul3A_417 : i32
        %add3A_419 = arith.constant 1 : i32
        %add3A_420 = arith.addi %add3A_418, %add3A_419 : i32
        %dma_start3A_421 = arith.constant 0 : i32
        %dma_start3A_422 = arith.constant 0 : i32
        %dma_start3A_423 = tpu.memref_slice %arg4[%add3A_420, %dma_start3A_421, %dma_start3A_422] : memref<4096x50x128xf32, #tpu.memory_space<hbm>> -> memref<1x50x128xf32, #tpu.memory_space<hbm>>
        %dma_start3A_424 = tpu.memref_squeeze %dma_start3A_423 : memref<1x50x128xf32, #tpu.memory_space<hbm>> -> memref<50x128xf32, #tpu.memory_space<hbm>>
        %dma_start3A_425 = arith.constant 50 : i32
        %dma_start3A_426 = arith.constant 0 : i32
        %dma_start3A_427 = tpu.memref_slice %arg11[%arg1, %dma_start3A_425, %dma_start3A_426] : memref<16x200x128xf32, #tpu.memory_space<vmem_shared>> -> memref<1x50x128xf32, #tpu.memory_space<vmem_shared>>
        %dma_start3A_428 = tpu.memref_squeeze %dma_start3A_427 : memref<1x50x128xf32, #tpu.memory_space<vmem_shared>> -> memref<50x128xf32, #tpu.memory_space<vmem_shared>>
        tpu.enqueue_dma source(%dma_start3A_428 : memref<50x128xf32, #tpu.memory_space<vmem_shared>>) target(%dma_start3A_424 : memref<50x128xf32, #tpu.memory_space<hbm>>) target_semaphore(%arg19 : memref<!tpu.dma_semaphore, #tpu.memory_space<semaphore_mem>>)
        %mul3A_429 = arith.constant 4 : i32
        %mul3A_430 = arith.muli %sub3A_402, %mul3A_429 : i32
        %add3A_431 = arith.addi %mul3A_2, %mul3A_430 : i32
        %add3A_432 = arith.constant 2 : i32
        %add3A_433 = arith.addi %add3A_431, %add3A_432 : i32
        %dma_start3A_434 = arith.constant 0 : i32
        %dma_start3A_435 = arith.constant 0 : i32
        %dma_start3A_436 = tpu.memref_slice %arg4[%add3A_433, %dma_start3A_434, %dma_start3A_435] : memref<4096x50x128xf32, #tpu.memory_space<hbm>> -> memref<1x50x128xf32, #tpu.memory_space<hbm>>
        %dma_start3A_437 = tpu.memref_squeeze %dma_start3A_436 : memref<1x50x128xf32, #tpu.memory_space<hbm>> -> memref<50x128xf32, #tpu.memory_space<hbm>>
        %dma_start3A_438 = arith.constant 100 : i32
        %dma_start3A_439 = arith.constant 0 : i32
        %dma_start3A_440 = tpu.memref_slice %arg11[%arg1, %dma_start3A_438, %dma_start3A_439] : memref<16x200x128xf32, #tpu.memory_space<vmem_shared>> -> memref<1x50x128xf32, #tpu.memory_space<vmem_shared>>
        %dma_start3A_441 = tpu.memref_squeeze %dma_start3A_440 : memref<1x50x128xf32, #tpu.memory_space<vmem_shared>> -> memref<50x128xf32, #tpu.memory_space<vmem_shared>>
        tpu.enqueue_dma source(%dma_start3A_441 : memref<50x128xf32, #tpu.memory_space<vmem_shared>>) target(%dma_start3A_437 : memref<50x128xf32, #tpu.memory_space<hbm>>) target_semaphore(%arg19 : memref<!tpu.dma_semaphore, #tpu.memory_space<semaphore_mem>>)
        %mul3A_442 = arith.constant 4 : i32
        %mul3A_443 = arith.muli %sub3A_402, %mul3A_442 : i32
        %add3A_444 = arith.addi %mul3A_2, %mul3A_443 : i32
        %add3A_445 = arith.constant 3 : i32
        %add3A_446 = arith.addi %add3A_444, %add3A_445 : i32
        %dma_start3A_447 = arith.constant 0 : i32
        %dma_start3A_448 = arith.constant 0 : i32
        %dma_start3A_449 = tpu.memref_slice %arg4[%add3A_446, %dma_start3A_447, %dma_start3A_448] : memref<4096x50x128xf32, #tpu.memory_space<hbm>> -> memref<1x50x128xf32, #tpu.memory_space<hbm>>
        %dma_start3A_450 = tpu.memref_squeeze %dma_start3A_449 : memref<1x50x128xf32, #tpu.memory_space<hbm>> -> memref<50x128xf32, #tpu.memory_space<hbm>>
        %dma_start3A_451 = arith.constant 150 : i32
        %dma_start3A_452 = arith.constant 0 : i32
        %dma_start3A_453 = tpu.memref_slice %arg11[%arg1, %dma_start3A_451, %dma_start3A_452] : memref<16x200x128xf32, #tpu.memory_space<vmem_shared>> -> memref<1x50x128xf32, #tpu.memory_space<vmem_shared>>
        %dma_start3A_454 = tpu.memref_squeeze %dma_start3A_453 : memref<1x50x128xf32, #tpu.memory_space<vmem_shared>> -> memref<50x128xf32, #tpu.memory_space<vmem_shared>>
        tpu.enqueue_dma source(%dma_start3A_454 : memref<50x128xf32, #tpu.memory_space<vmem_shared>>) target(%dma_start3A_450 : memref<50x128xf32, #tpu.memory_space<hbm>>) target_semaphore(%arg19 : memref<!tpu.dma_semaphore, #tpu.memory_space<semaphore_mem>>)
      } else {
      }
      %add3A_327 = arith.constant 2 : i32
      %add3A_328 = arith.addi %add3A_305, %add3A_327 : i32
      %lt3A_329 = arith.constant 32 : i32
      %lt3A_330 = arith.cmpi slt, %add3A_328, %lt3A_329 : i32
      %convert_element_type3A_331 = arith.extui %lt3A_330 : i1 to i32
      %cond3A_332 = arith.constant 0 : i32
      %cond3A_333 = arith.cmpi ne, %convert_element_type3A_331, %cond3A_332 : i32
      scf.if %cond3A_333 {
        %add3A_394 = arith.constant 2 : i32
        %add3A_395 = arith.addi %add3A_305, %add3A_394 : i32
        %mul3A_396 = arith.constant 4 : i32
        %mul3A_397 = arith.muli %add3A_395, %mul3A_396 : i32
        %add3A_398 = arith.addi %mul3A_2, %mul3A_397 : i32
        %mul3A_399 = arith.constant 50 : i32
        %mul3A_400 = arith.muli %add3A_398, %mul3A_399 : i32
        "tpu.region"() ({
          %run_scoped3A = tpu.sem_alloc : memref<!tpu.dma_semaphore, #tpu.memory_space<semaphore_mem>>
          %dma_start3A_404 = tpu.memref_slice %arg3[%mul3A_400] : memref<204800xi32, #tpu.memory_space<hbm>> -> memref<200xi32, #tpu.memory_space<hbm>>
          %dma_start3A_405 = tpu.memref_slice %arg3[%mul3A_400] : memref<204800xi32, #tpu.memory_space<hbm>> -> memref<200xi32, #tpu.memory_space<hbm>>
          tpu.enqueue_dma source(%dma_start3A_405 : memref<200xi32, #tpu.memory_space<hbm>>) target(%arg7 : memref<200xi32, #tpu.memory_space<vmem>>) target_semaphore(%run_scoped3A : memref<!tpu.dma_semaphore, #tpu.memory_space<semaphore_mem>>)
          %dma_wait3A_406 = tpu.memref_slice %arg3[%mul3A_400] : memref<204800xi32, #tpu.memory_space<hbm>> -> memref<200xi32, #tpu.memory_space<hbm>>
          %dma_wait3A_407 = tpu.memref_slice %arg3[%mul3A_400] : memref<204800xi32, #tpu.memory_space<hbm>> -> memref<200xi32, #tpu.memory_space<hbm>>
          tpu.wait_dma2 semaphore(%run_scoped3A : memref<!tpu.dma_semaphore, #tpu.memory_space<semaphore_mem>>) src(%dma_wait3A_407 : memref<200xi32, #tpu.memory_space<hbm>>) dst(%arg7 : memref<200xi32, #tpu.memory_space<vmem>>)
          tpu.yield
        }) : () -> ()
        %dma_start3A_401 = arith.constant 0 : i32
        %dma_start3A_402 = arith.constant 0 : i32
        %dma_start3A_403 = tpu.memref_slice %arg2[%dma_start3A_401, %dma_start3A_402] : memref<100000x128xf32, #tpu.memory_space<hbm>> -> memref<100000x128xf32, #tpu.memory_space<hbm>>
        tpu.enqueue_indirect_dma source(%dma_start3A_403 : memref<100000x128xf32, #tpu.memory_space<hbm>>) target(%arg10 : memref<200x128xf32, #tpu.memory_space<vmem>>) offsets(%arg7 : memref<200xi32, #tpu.memory_space<vmem>>) semaphore(%arg15 : memref<!tpu.dma_semaphore, #tpu.memory_space<semaphore_mem>>)
      } else {
      }
      %add3A_334 = arith.constant 4 : i32
      %add3A_335 = arith.addi %add3A_213, %add3A_334 : i32
      %dma_wait3A_336 = arith.constant 0 : i32
      %dma_wait3A_337 = arith.constant 0 : i32
      %dma_wait3A_338 = tpu.memref_slice %arg2[%dma_wait3A_336, %dma_wait3A_337] : memref<100000x128xf32, #tpu.memory_space<hbm>> -> memref<100000x128xf32, #tpu.memory_space<hbm>>
      tpu.wait_indirect_dma semaphore(%arg14 : memref<!tpu.dma_semaphore, #tpu.memory_space<semaphore_mem>>) src(%dma_wait3A_338 : memref<100000x128xf32, #tpu.memory_space<hbm>>) dst(%arg9 : memref<200x128xf32, #tpu.memory_space<vmem>>)
      %ge3A_339 = arith.constant 2 : i32
      %ge3A_340 = arith.cmpi sge, %add3A_335, %ge3A_339 : i32
      %convert_element_type3A_341 = arith.extui %ge3A_340 : i1 to i32
      %cond3A_342 = arith.constant 0 : i32
      %cond3A_343 = arith.cmpi ne, %convert_element_type3A_341, %cond3A_342 : i32
      scf.if %cond3A_343 {
        %dma_wait3A_394 = arith.constant 0 : i32
        %dma_wait3A_395 = arith.constant 0 : i32
        %dma_wait3A_396 = tpu.memref_slice %arg4[%mul3A_2, %dma_wait3A_394, %dma_wait3A_395] : memref<4096x50x128xf32, #tpu.memory_space<hbm>> -> memref<1x50x128xf32, #tpu.memory_space<hbm>>
        %dma_wait3A_397 = tpu.memref_squeeze %dma_wait3A_396 : memref<1x50x128xf32, #tpu.memory_space<hbm>> -> memref<50x128xf32, #tpu.memory_space<hbm>>
        %dma_wait3A_398 = arith.constant 0 : i32
        %dma_wait3A_399 = arith.constant 0 : i32
        %dma_wait3A_400 = tpu.memref_slice %arg11[%arg1, %dma_wait3A_398, %dma_wait3A_399] : memref<16x200x128xf32, #tpu.memory_space<vmem_shared>> -> memref<1x50x128xf32, #tpu.memory_space<vmem_shared>>
        %dma_wait3A_401 = tpu.memref_squeeze %dma_wait3A_400 : memref<1x50x128xf32, #tpu.memory_space<vmem_shared>> -> memref<50x128xf32, #tpu.memory_space<vmem_shared>>
        tpu.wait_dma2 semaphore(%arg19 : memref<!tpu.dma_semaphore, #tpu.memory_space<semaphore_mem>>) src(%dma_wait3A_401 : memref<50x128xf32, #tpu.memory_space<vmem_shared>>) dst(%dma_wait3A_397 : memref<50x128xf32, #tpu.memory_space<hbm>>)
        %dma_wait3A_402 = arith.constant 0 : i32
        %dma_wait3A_403 = arith.constant 0 : i32
        %dma_wait3A_404 = tpu.memref_slice %arg4[%mul3A_2, %dma_wait3A_402, %dma_wait3A_403] : memref<4096x50x128xf32, #tpu.memory_space<hbm>> -> memref<1x50x128xf32, #tpu.memory_space<hbm>>
        %dma_wait3A_405 = tpu.memref_squeeze %dma_wait3A_404 : memref<1x50x128xf32, #tpu.memory_space<hbm>> -> memref<50x128xf32, #tpu.memory_space<hbm>>
        %dma_wait3A_406 = arith.constant 50 : i32
        %dma_wait3A_407 = arith.constant 0 : i32
        %dma_wait3A_408 = tpu.memref_slice %arg11[%arg1, %dma_wait3A_406, %dma_wait3A_407] : memref<16x200x128xf32, #tpu.memory_space<vmem_shared>> -> memref<1x50x128xf32, #tpu.memory_space<vmem_shared>>
        %dma_wait3A_409 = tpu.memref_squeeze %dma_wait3A_408 : memref<1x50x128xf32, #tpu.memory_space<vmem_shared>> -> memref<50x128xf32, #tpu.memory_space<vmem_shared>>
        tpu.wait_dma2 semaphore(%arg19 : memref<!tpu.dma_semaphore, #tpu.memory_space<semaphore_mem>>) src(%dma_wait3A_409 : memref<50x128xf32, #tpu.memory_space<vmem_shared>>) dst(%dma_wait3A_405 : memref<50x128xf32, #tpu.memory_space<hbm>>)
        %dma_wait3A_410 = arith.constant 0 : i32
        %dma_wait3A_411 = arith.constant 0 : i32
        %dma_wait3A_412 = tpu.memref_slice %arg4[%mul3A_2, %dma_wait3A_410, %dma_wait3A_411] : memref<4096x50x128xf32, #tpu.memory_space<hbm>> -> memref<1x50x128xf32, #tpu.memory_space<hbm>>
        %dma_wait3A_413 = tpu.memref_squeeze %dma_wait3A_412 : memref<1x50x128xf32, #tpu.memory_space<hbm>> -> memref<50x128xf32, #tpu.memory_space<hbm>>
        %dma_wait3A_414 = arith.constant 100 : i32
        %dma_wait3A_415 = arith.constant 0 : i32
        %dma_wait3A_416 = tpu.memref_slice %arg11[%arg1, %dma_wait3A_414, %dma_wait3A_415] : memref<16x200x128xf32, #tpu.memory_space<vmem_shared>> -> memref<1x50x128xf32, #tpu.memory_space<vmem_shared>>
        %dma_wait3A_417 = tpu.memref_squeeze %dma_wait3A_416 : memref<1x50x128xf32, #tpu.memory_space<vmem_shared>> -> memref<50x128xf32, #tpu.memory_space<vmem_shared>>
        tpu.wait_dma2 semaphore(%arg19 : memref<!tpu.dma_semaphore, #tpu.memory_space<semaphore_mem>>) src(%dma_wait3A_417 : memref<50x128xf32, #tpu.memory_space<vmem_shared>>) dst(%dma_wait3A_413 : memref<50x128xf32, #tpu.memory_space<hbm>>)
        %dma_wait3A_418 = arith.constant 0 : i32
        %dma_wait3A_419 = arith.constant 0 : i32
        %dma_wait3A_420 = tpu.memref_slice %arg4[%mul3A_2, %dma_wait3A_418, %dma_wait3A_419] : memref<4096x50x128xf32, #tpu.memory_space<hbm>> -> memref<1x50x128xf32, #tpu.memory_space<hbm>>
        %dma_wait3A_421 = tpu.memref_squeeze %dma_wait3A_420 : memref<1x50x128xf32, #tpu.memory_space<hbm>> -> memref<50x128xf32, #tpu.memory_space<hbm>>
        %dma_wait3A_422 = arith.constant 150 : i32
        %dma_wait3A_423 = arith.constant 0 : i32
        %dma_wait3A_424 = tpu.memref_slice %arg11[%arg1, %dma_wait3A_422, %dma_wait3A_423] : memref<16x200x128xf32, #tpu.memory_space<vmem_shared>> -> memref<1x50x128xf32, #tpu.memory_space<vmem_shared>>
        %dma_wait3A_425 = tpu.memref_squeeze %dma_wait3A_424 : memref<1x50x128xf32, #tpu.memory_space<vmem_shared>> -> memref<50x128xf32, #tpu.memory_space<vmem_shared>>
        tpu.wait_dma2 semaphore(%arg19 : memref<!tpu.dma_semaphore, #tpu.memory_space<semaphore_mem>>) src(%dma_wait3A_425 : memref<50x128xf32, #tpu.memory_space<vmem_shared>>) dst(%dma_wait3A_421 : memref<50x128xf32, #tpu.memory_space<hbm>>)
      } else {
      }
      %dma_start3A_344 = arith.constant 0 : i32
      %dma_start3A_345 = arith.constant 0 : i32
      %dma_start3A_346 = tpu.memref_slice %arg11[%arg1, %dma_start3A_344, %dma_start3A_345] : memref<16x200x128xf32, #tpu.memory_space<vmem_shared>> -> memref<1x200x128xf32, #tpu.memory_space<vmem_shared>>
      %dma_start3A_347 = tpu.memref_squeeze %dma_start3A_346 : memref<1x200x128xf32, #tpu.memory_space<vmem_shared>> -> memref<200x128xf32, #tpu.memory_space<vmem_shared>>
      %dma_start3A_348 = arith.constant 0 : i32
      %dma_start3A_349 = arith.constant 0 : i32
      %dma_start3A_350 = tpu.memref_slice %arg11[%arg1, %dma_start3A_348, %dma_start3A_349] : memref<16x200x128xf32, #tpu.memory_space<vmem_shared>> -> memref<1x200x128xf32, #tpu.memory_space<vmem_shared>>
      %dma_start3A_351 = tpu.memref_squeeze %dma_start3A_350 : memref<1x200x128xf32, #tpu.memory_space<vmem_shared>> -> memref<200x128xf32, #tpu.memory_space<vmem_shared>>
      tpu.enqueue_dma source(%arg9 : memref<200x128xf32, #tpu.memory_space<vmem>>) target(%dma_start3A_351 : memref<200x128xf32, #tpu.memory_space<vmem_shared>>) target_semaphore(%arg17 : memref<!tpu.dma_semaphore, #tpu.memory_space<semaphore_mem>>)
      %ge3A_352 = arith.constant 1 : i32
      %ge3A_353 = arith.cmpi sge, %add3A_335, %ge3A_352 : i32
      %convert_element_type3A_354 = arith.extui %ge3A_353 : i1 to i32
      %cond3A_355 = arith.constant 0 : i32
      %cond3A_356 = arith.cmpi ne, %convert_element_type3A_354, %cond3A_355 : i32
      scf.if %cond3A_356 {
        %dma_wait3A_394 = arith.constant 0 : i32
        %dma_wait3A_395 = arith.constant 0 : i32
        %dma_wait3A_396 = tpu.memref_slice %arg12[%arg1, %dma_wait3A_394, %dma_wait3A_395] : memref<16x200x128xf32, #tpu.memory_space<vmem_shared>> -> memref<1x200x128xf32, #tpu.memory_space<vmem_shared>>
        %dma_wait3A_397 = tpu.memref_squeeze %dma_wait3A_396 : memref<1x200x128xf32, #tpu.memory_space<vmem_shared>> -> memref<200x128xf32, #tpu.memory_space<vmem_shared>>
        %dma_wait3A_398 = arith.constant 0 : i32
        %dma_wait3A_399 = arith.constant 0 : i32
        %dma_wait3A_400 = tpu.memref_slice %arg12[%arg1, %dma_wait3A_398, %dma_wait3A_399] : memref<16x200x128xf32, #tpu.memory_space<vmem_shared>> -> memref<1x200x128xf32, #tpu.memory_space<vmem_shared>>
        %dma_wait3A_401 = tpu.memref_squeeze %dma_wait3A_400 : memref<1x200x128xf32, #tpu.memory_space<vmem_shared>> -> memref<200x128xf32, #tpu.memory_space<vmem_shared>>
        tpu.wait_dma2 semaphore(%arg16 : memref<!tpu.dma_semaphore, #tpu.memory_space<semaphore_mem>>) src(%arg8 : memref<200x128xf32, #tpu.memory_space<vmem>>) dst(%dma_wait3A_401 : memref<200x128xf32, #tpu.memory_space<vmem_shared>>)
        %sub3A = arith.constant 1 : i32
        %sub3A_402 = arith.subi %add3A_335, %sub3A : i32
        %mul3A_403 = arith.constant 4 : i32
        %mul3A_404 = arith.muli %sub3A_402, %mul3A_403 : i32
        %add3A_405 = arith.addi %mul3A_2, %mul3A_404 : i32
        %add3A_406 = arith.constant 0 : i32
        %add3A_407 = arith.addi %add3A_405, %add3A_406 : i32
        %dma_start3A_408 = arith.constant 0 : i32
        %dma_start3A_409 = arith.constant 0 : i32
        %dma_start3A_410 = tpu.memref_slice %arg4[%add3A_407, %dma_start3A_408, %dma_start3A_409] : memref<4096x50x128xf32, #tpu.memory_space<hbm>> -> memref<1x50x128xf32, #tpu.memory_space<hbm>>
        %dma_start3A_411 = tpu.memref_squeeze %dma_start3A_410 : memref<1x50x128xf32, #tpu.memory_space<hbm>> -> memref<50x128xf32, #tpu.memory_space<hbm>>
        %dma_start3A_412 = arith.constant 0 : i32
        %dma_start3A_413 = arith.constant 0 : i32
        %dma_start3A_414 = tpu.memref_slice %arg12[%arg1, %dma_start3A_412, %dma_start3A_413] : memref<16x200x128xf32, #tpu.memory_space<vmem_shared>> -> memref<1x50x128xf32, #tpu.memory_space<vmem_shared>>
        %dma_start3A_415 = tpu.memref_squeeze %dma_start3A_414 : memref<1x50x128xf32, #tpu.memory_space<vmem_shared>> -> memref<50x128xf32, #tpu.memory_space<vmem_shared>>
        tpu.enqueue_dma source(%dma_start3A_415 : memref<50x128xf32, #tpu.memory_space<vmem_shared>>) target(%dma_start3A_411 : memref<50x128xf32, #tpu.memory_space<hbm>>) target_semaphore(%arg20 : memref<!tpu.dma_semaphore, #tpu.memory_space<semaphore_mem>>)
        %mul3A_416 = arith.constant 4 : i32
        %mul3A_417 = arith.muli %sub3A_402, %mul3A_416 : i32
        %add3A_418 = arith.addi %mul3A_2, %mul3A_417 : i32
        %add3A_419 = arith.constant 1 : i32
        %add3A_420 = arith.addi %add3A_418, %add3A_419 : i32
        %dma_start3A_421 = arith.constant 0 : i32
        %dma_start3A_422 = arith.constant 0 : i32
        %dma_start3A_423 = tpu.memref_slice %arg4[%add3A_420, %dma_start3A_421, %dma_start3A_422] : memref<4096x50x128xf32, #tpu.memory_space<hbm>> -> memref<1x50x128xf32, #tpu.memory_space<hbm>>
        %dma_start3A_424 = tpu.memref_squeeze %dma_start3A_423 : memref<1x50x128xf32, #tpu.memory_space<hbm>> -> memref<50x128xf32, #tpu.memory_space<hbm>>
        %dma_start3A_425 = arith.constant 50 : i32
        %dma_start3A_426 = arith.constant 0 : i32
        %dma_start3A_427 = tpu.memref_slice %arg12[%arg1, %dma_start3A_425, %dma_start3A_426] : memref<16x200x128xf32, #tpu.memory_space<vmem_shared>> -> memref<1x50x128xf32, #tpu.memory_space<vmem_shared>>
        %dma_start3A_428 = tpu.memref_squeeze %dma_start3A_427 : memref<1x50x128xf32, #tpu.memory_space<vmem_shared>> -> memref<50x128xf32, #tpu.memory_space<vmem_shared>>
        tpu.enqueue_dma source(%dma_start3A_428 : memref<50x128xf32, #tpu.memory_space<vmem_shared>>) target(%dma_start3A_424 : memref<50x128xf32, #tpu.memory_space<hbm>>) target_semaphore(%arg20 : memref<!tpu.dma_semaphore, #tpu.memory_space<semaphore_mem>>)
        %mul3A_429 = arith.constant 4 : i32
        %mul3A_430 = arith.muli %sub3A_402, %mul3A_429 : i32
        %add3A_431 = arith.addi %mul3A_2, %mul3A_430 : i32
        %add3A_432 = arith.constant 2 : i32
        %add3A_433 = arith.addi %add3A_431, %add3A_432 : i32
        %dma_start3A_434 = arith.constant 0 : i32
        %dma_start3A_435 = arith.constant 0 : i32
        %dma_start3A_436 = tpu.memref_slice %arg4[%add3A_433, %dma_start3A_434, %dma_start3A_435] : memref<4096x50x128xf32, #tpu.memory_space<hbm>> -> memref<1x50x128xf32, #tpu.memory_space<hbm>>
        %dma_start3A_437 = tpu.memref_squeeze %dma_start3A_436 : memref<1x50x128xf32, #tpu.memory_space<hbm>> -> memref<50x128xf32, #tpu.memory_space<hbm>>
        %dma_start3A_438 = arith.constant 100 : i32
        %dma_start3A_439 = arith.constant 0 : i32
        %dma_start3A_440 = tpu.memref_slice %arg12[%arg1, %dma_start3A_438, %dma_start3A_439] : memref<16x200x128xf32, #tpu.memory_space<vmem_shared>> -> memref<1x50x128xf32, #tpu.memory_space<vmem_shared>>
        %dma_start3A_441 = tpu.memref_squeeze %dma_start3A_440 : memref<1x50x128xf32, #tpu.memory_space<vmem_shared>> -> memref<50x128xf32, #tpu.memory_space<vmem_shared>>
        tpu.enqueue_dma source(%dma_start3A_441 : memref<50x128xf32, #tpu.memory_space<vmem_shared>>) target(%dma_start3A_437 : memref<50x128xf32, #tpu.memory_space<hbm>>) target_semaphore(%arg20 : memref<!tpu.dma_semaphore, #tpu.memory_space<semaphore_mem>>)
        %mul3A_442 = arith.constant 4 : i32
        %mul3A_443 = arith.muli %sub3A_402, %mul3A_442 : i32
        %add3A_444 = arith.addi %mul3A_2, %mul3A_443 : i32
        %add3A_445 = arith.constant 3 : i32
        %add3A_446 = arith.addi %add3A_444, %add3A_445 : i32
        %dma_start3A_447 = arith.constant 0 : i32
        %dma_start3A_448 = arith.constant 0 : i32
        %dma_start3A_449 = tpu.memref_slice %arg4[%add3A_446, %dma_start3A_447, %dma_start3A_448] : memref<4096x50x128xf32, #tpu.memory_space<hbm>> -> memref<1x50x128xf32, #tpu.memory_space<hbm>>
        %dma_start3A_450 = tpu.memref_squeeze %dma_start3A_449 : memref<1x50x128xf32, #tpu.memory_space<hbm>> -> memref<50x128xf32, #tpu.memory_space<hbm>>
        %dma_start3A_451 = arith.constant 150 : i32
        %dma_start3A_452 = arith.constant 0 : i32
        %dma_start3A_453 = tpu.memref_slice %arg12[%arg1, %dma_start3A_451, %dma_start3A_452] : memref<16x200x128xf32, #tpu.memory_space<vmem_shared>> -> memref<1x50x128xf32, #tpu.memory_space<vmem_shared>>
        %dma_start3A_454 = tpu.memref_squeeze %dma_start3A_453 : memref<1x50x128xf32, #tpu.memory_space<vmem_shared>> -> memref<50x128xf32, #tpu.memory_space<vmem_shared>>
        tpu.enqueue_dma source(%dma_start3A_454 : memref<50x128xf32, #tpu.memory_space<vmem_shared>>) target(%dma_start3A_450 : memref<50x128xf32, #tpu.memory_space<hbm>>) target_semaphore(%arg20 : memref<!tpu.dma_semaphore, #tpu.memory_space<semaphore_mem>>)
      } else {
      }
      %add3A_357 = arith.constant 2 : i32
      %add3A_358 = arith.addi %add3A_335, %add3A_357 : i32
      %lt3A_359 = arith.constant 32 : i32
      %lt3A_360 = arith.cmpi slt, %add3A_358, %lt3A_359 : i32
      %convert_element_type3A_361 = arith.extui %lt3A_360 : i1 to i32
      %cond3A_362 = arith.constant 0 : i32
      %cond3A_363 = arith.cmpi ne, %convert_element_type3A_361, %cond3A_362 : i32
      scf.if %cond3A_363 {
        %add3A_394 = arith.constant 2 : i32
        %add3A_395 = arith.addi %add3A_335, %add3A_394 : i32
        %mul3A_396 = arith.constant 4 : i32
        %mul3A_397 = arith.muli %add3A_395, %mul3A_396 : i32
        %add3A_398 = arith.addi %mul3A_2, %mul3A_397 : i32
        %mul3A_399 = arith.constant 50 : i32
        %mul3A_400 = arith.muli %add3A_398, %mul3A_399 : i32
        "tpu.region"() ({
          %run_scoped3A = tpu.sem_alloc : memref<!tpu.dma_semaphore, #tpu.memory_space<semaphore_mem>>
          %dma_start3A_404 = tpu.memref_slice %arg3[%mul3A_400] : memref<204800xi32, #tpu.memory_space<hbm>> -> memref<200xi32, #tpu.memory_space<hbm>>
          %dma_start3A_405 = tpu.memref_slice %arg3[%mul3A_400] : memref<204800xi32, #tpu.memory_space<hbm>> -> memref<200xi32, #tpu.memory_space<hbm>>
          tpu.enqueue_dma source(%dma_start3A_405 : memref<200xi32, #tpu.memory_space<hbm>>) target(%arg5 : memref<200xi32, #tpu.memory_space<vmem>>) target_semaphore(%run_scoped3A : memref<!tpu.dma_semaphore, #tpu.memory_space<semaphore_mem>>)
          %dma_wait3A_406 = tpu.memref_slice %arg3[%mul3A_400] : memref<204800xi32, #tpu.memory_space<hbm>> -> memref<200xi32, #tpu.memory_space<hbm>>
          %dma_wait3A_407 = tpu.memref_slice %arg3[%mul3A_400] : memref<204800xi32, #tpu.memory_space<hbm>> -> memref<200xi32, #tpu.memory_space<hbm>>
          tpu.wait_dma2 semaphore(%run_scoped3A : memref<!tpu.dma_semaphore, #tpu.memory_space<semaphore_mem>>) src(%dma_wait3A_407 : memref<200xi32, #tpu.memory_space<hbm>>) dst(%arg5 : memref<200xi32, #tpu.memory_space<vmem>>)
          tpu.yield
        }) : () -> ()
        %dma_start3A_401 = arith.constant 0 : i32
        %dma_start3A_402 = arith.constant 0 : i32
        %dma_start3A_403 = tpu.memref_slice %arg2[%dma_start3A_401, %dma_start3A_402] : memref<100000x128xf32, #tpu.memory_space<hbm>> -> memref<100000x128xf32, #tpu.memory_space<hbm>>
        tpu.enqueue_indirect_dma source(%dma_start3A_403 : memref<100000x128xf32, #tpu.memory_space<hbm>>) target(%arg8 : memref<200x128xf32, #tpu.memory_space<vmem>>) offsets(%arg5 : memref<200xi32, #tpu.memory_space<vmem>>) semaphore(%arg13 : memref<!tpu.dma_semaphore, #tpu.memory_space<semaphore_mem>>)
      } else {
      }
      %add3A_364 = arith.constant 5 : i32
      %add3A_365 = arith.addi %add3A_213, %add3A_364 : i32
      %dma_wait3A_366 = arith.constant 0 : i32
      %dma_wait3A_367 = arith.constant 0 : i32
      %dma_wait3A_368 = tpu.memref_slice %arg2[%dma_wait3A_366, %dma_wait3A_367] : memref<100000x128xf32, #tpu.memory_space<hbm>> -> memref<100000x128xf32, #tpu.memory_space<hbm>>
      tpu.wait_indirect_dma semaphore(%arg15 : memref<!tpu.dma_semaphore, #tpu.memory_space<semaphore_mem>>) src(%dma_wait3A_368 : memref<100000x128xf32, #tpu.memory_space<hbm>>) dst(%arg10 : memref<200x128xf32, #tpu.memory_space<vmem>>)
      %ge3A_369 = arith.constant 2 : i32
      %ge3A_370 = arith.cmpi sge, %add3A_365, %ge3A_369 : i32
      %convert_element_type3A_371 = arith.extui %ge3A_370 : i1 to i32
      %cond3A_372 = arith.constant 0 : i32
      %cond3A_373 = arith.cmpi ne, %convert_element_type3A_371, %cond3A_372 : i32
      scf.if %cond3A_373 {
        %dma_wait3A_394 = arith.constant 0 : i32
        %dma_wait3A_395 = arith.constant 0 : i32
        %dma_wait3A_396 = tpu.memref_slice %arg4[%mul3A_2, %dma_wait3A_394, %dma_wait3A_395] : memref<4096x50x128xf32, #tpu.memory_space<hbm>> -> memref<1x50x128xf32, #tpu.memory_space<hbm>>
        %dma_wait3A_397 = tpu.memref_squeeze %dma_wait3A_396 : memref<1x50x128xf32, #tpu.memory_space<hbm>> -> memref<50x128xf32, #tpu.memory_space<hbm>>
        %dma_wait3A_398 = arith.constant 0 : i32
        %dma_wait3A_399 = arith.constant 0 : i32
        %dma_wait3A_400 = tpu.memref_slice %arg12[%arg1, %dma_wait3A_398, %dma_wait3A_399] : memref<16x200x128xf32, #tpu.memory_space<vmem_shared>> -> memref<1x50x128xf32, #tpu.memory_space<vmem_shared>>
        %dma_wait3A_401 = tpu.memref_squeeze %dma_wait3A_400 : memref<1x50x128xf32, #tpu.memory_space<vmem_shared>> -> memref<50x128xf32, #tpu.memory_space<vmem_shared>>
        tpu.wait_dma2 semaphore(%arg20 : memref<!tpu.dma_semaphore, #tpu.memory_space<semaphore_mem>>) src(%dma_wait3A_401 : memref<50x128xf32, #tpu.memory_space<vmem_shared>>) dst(%dma_wait3A_397 : memref<50x128xf32, #tpu.memory_space<hbm>>)
        %dma_wait3A_402 = arith.constant 0 : i32
        %dma_wait3A_403 = arith.constant 0 : i32
        %dma_wait3A_404 = tpu.memref_slice %arg4[%mul3A_2, %dma_wait3A_402, %dma_wait3A_403] : memref<4096x50x128xf32, #tpu.memory_space<hbm>> -> memref<1x50x128xf32, #tpu.memory_space<hbm>>
        %dma_wait3A_405 = tpu.memref_squeeze %dma_wait3A_404 : memref<1x50x128xf32, #tpu.memory_space<hbm>> -> memref<50x128xf32, #tpu.memory_space<hbm>>
        %dma_wait3A_406 = arith.constant 50 : i32
        %dma_wait3A_407 = arith.constant 0 : i32
        %dma_wait3A_408 = tpu.memref_slice %arg12[%arg1, %dma_wait3A_406, %dma_wait3A_407] : memref<16x200x128xf32, #tpu.memory_space<vmem_shared>> -> memref<1x50x128xf32, #tpu.memory_space<vmem_shared>>
        %dma_wait3A_409 = tpu.memref_squeeze %dma_wait3A_408 : memref<1x50x128xf32, #tpu.memory_space<vmem_shared>> -> memref<50x128xf32, #tpu.memory_space<vmem_shared>>
        tpu.wait_dma2 semaphore(%arg20 : memref<!tpu.dma_semaphore, #tpu.memory_space<semaphore_mem>>) src(%dma_wait3A_409 : memref<50x128xf32, #tpu.memory_space<vmem_shared>>) dst(%dma_wait3A_405 : memref<50x128xf32, #tpu.memory_space<hbm>>)
        %dma_wait3A_410 = arith.constant 0 : i32
        %dma_wait3A_411 = arith.constant 0 : i32
        %dma_wait3A_412 = tpu.memref_slice %arg4[%mul3A_2, %dma_wait3A_410, %dma_wait3A_411] : memref<4096x50x128xf32, #tpu.memory_space<hbm>> -> memref<1x50x128xf32, #tpu.memory_space<hbm>>
        %dma_wait3A_413 = tpu.memref_squeeze %dma_wait3A_412 : memref<1x50x128xf32, #tpu.memory_space<hbm>> -> memref<50x128xf32, #tpu.memory_space<hbm>>
        %dma_wait3A_414 = arith.constant 100 : i32
        %dma_wait3A_415 = arith.constant 0 : i32
        %dma_wait3A_416 = tpu.memref_slice %arg12[%arg1, %dma_wait3A_414, %dma_wait3A_415] : memref<16x200x128xf32, #tpu.memory_space<vmem_shared>> -> memref<1x50x128xf32, #tpu.memory_space<vmem_shared>>
        %dma_wait3A_417 = tpu.memref_squeeze %dma_wait3A_416 : memref<1x50x128xf32, #tpu.memory_space<vmem_shared>> -> memref<50x128xf32, #tpu.memory_space<vmem_shared>>
        tpu.wait_dma2 semaphore(%arg20 : memref<!tpu.dma_semaphore, #tpu.memory_space<semaphore_mem>>) src(%dma_wait3A_417 : memref<50x128xf32, #tpu.memory_space<vmem_shared>>) dst(%dma_wait3A_413 : memref<50x128xf32, #tpu.memory_space<hbm>>)
        %dma_wait3A_418 = arith.constant 0 : i32
        %dma_wait3A_419 = arith.constant 0 : i32
        %dma_wait3A_420 = tpu.memref_slice %arg4[%mul3A_2, %dma_wait3A_418, %dma_wait3A_419] : memref<4096x50x128xf32, #tpu.memory_space<hbm>> -> memref<1x50x128xf32, #tpu.memory_space<hbm>>
        %dma_wait3A_421 = tpu.memref_squeeze %dma_wait3A_420 : memref<1x50x128xf32, #tpu.memory_space<hbm>> -> memref<50x128xf32, #tpu.memory_space<hbm>>
        %dma_wait3A_422 = arith.constant 150 : i32
        %dma_wait3A_423 = arith.constant 0 : i32
        %dma_wait3A_424 = tpu.memref_slice %arg12[%arg1, %dma_wait3A_422, %dma_wait3A_423] : memref<16x200x128xf32, #tpu.memory_space<vmem_shared>> -> memref<1x50x128xf32, #tpu.memory_space<vmem_shared>>
        %dma_wait3A_425 = tpu.memref_squeeze %dma_wait3A_424 : memref<1x50x128xf32, #tpu.memory_space<vmem_shared>> -> memref<50x128xf32, #tpu.memory_space<vmem_shared>>
        tpu.wait_dma2 semaphore(%arg20 : memref<!tpu.dma_semaphore, #tpu.memory_space<semaphore_mem>>) src(%dma_wait3A_425 : memref<50x128xf32, #tpu.memory_space<vmem_shared>>) dst(%dma_wait3A_421 : memref<50x128xf32, #tpu.memory_space<hbm>>)
      } else {
      }
      %dma_start3A_374 = arith.constant 0 : i32
      %dma_start3A_375 = arith.constant 0 : i32
      %dma_start3A_376 = tpu.memref_slice %arg12[%arg1, %dma_start3A_374, %dma_start3A_375] : memref<16x200x128xf32, #tpu.memory_space<vmem_shared>> -> memref<1x200x128xf32, #tpu.memory_space<vmem_shared>>
      %dma_start3A_377 = tpu.memref_squeeze %dma_start3A_376 : memref<1x200x128xf32, #tpu.memory_space<vmem_shared>> -> memref<200x128xf32, #tpu.memory_space<vmem_shared>>
      %dma_start3A_378 = arith.constant 0 : i32
      %dma_start3A_379 = arith.constant 0 : i32
      %dma_start3A_380 = tpu.memref_slice %arg12[%arg1, %dma_start3A_378, %dma_start3A_379] : memref<16x200x128xf32, #tpu.memory_space<vmem_shared>> -> memref<1x200x128xf32, #tpu.memory_space<vmem_shared>>
      %dma_start3A_381 = tpu.memref_squeeze %dma_start3A_380 : memref<1x200x128xf32, #tpu.memory_space<vmem_shared>> -> memref<200x128xf32, #tpu.memory_space<vmem_shared>>
      tpu.enqueue_dma source(%arg10 : memref<200x128xf32, #tpu.memory_space<vmem>>) target(%dma_start3A_381 : memref<200x128xf32, #tpu.memory_space<vmem_shared>>) target_semaphore(%arg18 : memref<!tpu.dma_semaphore, #tpu.memory_space<semaphore_mem>>)
      %ge3A_382 = arith.constant 1 : i32
      %ge3A_383 = arith.cmpi sge, %add3A_365, %ge3A_382 : i32
      %convert_element_type3A_384 = arith.extui %ge3A_383 : i1 to i32
      %cond3A_385 = arith.constant 0 : i32
      %cond3A_386 = arith.cmpi ne, %convert_element_type3A_384, %cond3A_385 : i32
      scf.if %cond3A_386 {
        %dma_wait3A_394 = arith.constant 0 : i32
        %dma_wait3A_395 = arith.constant 0 : i32
        %dma_wait3A_396 = tpu.memref_slice %arg11[%arg1, %dma_wait3A_394, %dma_wait3A_395] : memref<16x200x128xf32, #tpu.memory_space<vmem_shared>> -> memref<1x200x128xf32, #tpu.memory_space<vmem_shared>>
        %dma_wait3A_397 = tpu.memref_squeeze %dma_wait3A_396 : memref<1x200x128xf32, #tpu.memory_space<vmem_shared>> -> memref<200x128xf32, #tpu.memory_space<vmem_shared>>
        %dma_wait3A_398 = arith.constant 0 : i32
        %dma_wait3A_399 = arith.constant 0 : i32
        %dma_wait3A_400 = tpu.memref_slice %arg11[%arg1, %dma_wait3A_398, %dma_wait3A_399] : memref<16x200x128xf32, #tpu.memory_space<vmem_shared>> -> memref<1x200x128xf32, #tpu.memory_space<vmem_shared>>
        %dma_wait3A_401 = tpu.memref_squeeze %dma_wait3A_400 : memref<1x200x128xf32, #tpu.memory_space<vmem_shared>> -> memref<200x128xf32, #tpu.memory_space<vmem_shared>>
        tpu.wait_dma2 semaphore(%arg17 : memref<!tpu.dma_semaphore, #tpu.memory_space<semaphore_mem>>) src(%arg9 : memref<200x128xf32, #tpu.memory_space<vmem>>) dst(%dma_wait3A_401 : memref<200x128xf32, #tpu.memory_space<vmem_shared>>)
        %sub3A = arith.constant 1 : i32
        %sub3A_402 = arith.subi %add3A_365, %sub3A : i32
        %mul3A_403 = arith.constant 4 : i32
        %mul3A_404 = arith.muli %sub3A_402, %mul3A_403 : i32
        %add3A_405 = arith.addi %mul3A_2, %mul3A_404 : i32
        %add3A_406 = arith.constant 0 : i32
        %add3A_407 = arith.addi %add3A_405, %add3A_406 : i32
        %dma_start3A_408 = arith.constant 0 : i32
        %dma_start3A_409 = arith.constant 0 : i32
        %dma_start3A_410 = tpu.memref_slice %arg4[%add3A_407, %dma_start3A_408, %dma_start3A_409] : memref<4096x50x128xf32, #tpu.memory_space<hbm>> -> memref<1x50x128xf32, #tpu.memory_space<hbm>>
        %dma_start3A_411 = tpu.memref_squeeze %dma_start3A_410 : memref<1x50x128xf32, #tpu.memory_space<hbm>> -> memref<50x128xf32, #tpu.memory_space<hbm>>
        %dma_start3A_412 = arith.constant 0 : i32
        %dma_start3A_413 = arith.constant 0 : i32
        %dma_start3A_414 = tpu.memref_slice %arg11[%arg1, %dma_start3A_412, %dma_start3A_413] : memref<16x200x128xf32, #tpu.memory_space<vmem_shared>> -> memref<1x50x128xf32, #tpu.memory_space<vmem_shared>>
        %dma_start3A_415 = tpu.memref_squeeze %dma_start3A_414 : memref<1x50x128xf32, #tpu.memory_space<vmem_shared>> -> memref<50x128xf32, #tpu.memory_space<vmem_shared>>
        tpu.enqueue_dma source(%dma_start3A_415 : memref<50x128xf32, #tpu.memory_space<vmem_shared>>) target(%dma_start3A_411 : memref<50x128xf32, #tpu.memory_space<hbm>>) target_semaphore(%arg19 : memref<!tpu.dma_semaphore, #tpu.memory_space<semaphore_mem>>)
        %mul3A_416 = arith.constant 4 : i32
        %mul3A_417 = arith.muli %sub3A_402, %mul3A_416 : i32
        %add3A_418 = arith.addi %mul3A_2, %mul3A_417 : i32
        %add3A_419 = arith.constant 1 : i32
        %add3A_420 = arith.addi %add3A_418, %add3A_419 : i32
        %dma_start3A_421 = arith.constant 0 : i32
        %dma_start3A_422 = arith.constant 0 : i32
        %dma_start3A_423 = tpu.memref_slice %arg4[%add3A_420, %dma_start3A_421, %dma_start3A_422] : memref<4096x50x128xf32, #tpu.memory_space<hbm>> -> memref<1x50x128xf32, #tpu.memory_space<hbm>>
        %dma_start3A_424 = tpu.memref_squeeze %dma_start3A_423 : memref<1x50x128xf32, #tpu.memory_space<hbm>> -> memref<50x128xf32, #tpu.memory_space<hbm>>
        %dma_start3A_425 = arith.constant 50 : i32
        %dma_start3A_426 = arith.constant 0 : i32
        %dma_start3A_427 = tpu.memref_slice %arg11[%arg1, %dma_start3A_425, %dma_start3A_426] : memref<16x200x128xf32, #tpu.memory_space<vmem_shared>> -> memref<1x50x128xf32, #tpu.memory_space<vmem_shared>>
        %dma_start3A_428 = tpu.memref_squeeze %dma_start3A_427 : memref<1x50x128xf32, #tpu.memory_space<vmem_shared>> -> memref<50x128xf32, #tpu.memory_space<vmem_shared>>
        tpu.enqueue_dma source(%dma_start3A_428 : memref<50x128xf32, #tpu.memory_space<vmem_shared>>) target(%dma_start3A_424 : memref<50x128xf32, #tpu.memory_space<hbm>>) target_semaphore(%arg19 : memref<!tpu.dma_semaphore, #tpu.memory_space<semaphore_mem>>)
        %mul3A_429 = arith.constant 4 : i32
        %mul3A_430 = arith.muli %sub3A_402, %mul3A_429 : i32
        %add3A_431 = arith.addi %mul3A_2, %mul3A_430 : i32
        %add3A_432 = arith.constant 2 : i32
        %add3A_433 = arith.addi %add3A_431, %add3A_432 : i32
        %dma_start3A_434 = arith.constant 0 : i32
        %dma_start3A_435 = arith.constant 0 : i32
        %dma_start3A_436 = tpu.memref_slice %arg4[%add3A_433, %dma_start3A_434, %dma_start3A_435] : memref<4096x50x128xf32, #tpu.memory_space<hbm>> -> memref<1x50x128xf32, #tpu.memory_space<hbm>>
        %dma_start3A_437 = tpu.memref_squeeze %dma_start3A_436 : memref<1x50x128xf32, #tpu.memory_space<hbm>> -> memref<50x128xf32, #tpu.memory_space<hbm>>
        %dma_start3A_438 = arith.constant 100 : i32
        %dma_start3A_439 = arith.constant 0 : i32
        %dma_start3A_440 = tpu.memref_slice %arg11[%arg1, %dma_start3A_438, %dma_start3A_439] : memref<16x200x128xf32, #tpu.memory_space<vmem_shared>> -> memref<1x50x128xf32, #tpu.memory_space<vmem_shared>>
        %dma_start3A_441 = tpu.memref_squeeze %dma_start3A_440 : memref<1x50x128xf32, #tpu.memory_space<vmem_shared>> -> memref<50x128xf32, #tpu.memory_space<vmem_shared>>
        tpu.enqueue_dma source(%dma_start3A_441 : memref<50x128xf32, #tpu.memory_space<vmem_shared>>) target(%dma_start3A_437 : memref<50x128xf32, #tpu.memory_space<hbm>>) target_semaphore(%arg19 : memref<!tpu.dma_semaphore, #tpu.memory_space<semaphore_mem>>)
        %mul3A_442 = arith.constant 4 : i32
        %mul3A_443 = arith.muli %sub3A_402, %mul3A_442 : i32
        %add3A_444 = arith.addi %mul3A_2, %mul3A_443 : i32
        %add3A_445 = arith.constant 3 : i32
        %add3A_446 = arith.addi %add3A_444, %add3A_445 : i32
        %dma_start3A_447 = arith.constant 0 : i32
        %dma_start3A_448 = arith.constant 0 : i32
        %dma_start3A_449 = tpu.memref_slice %arg4[%add3A_446, %dma_start3A_447, %dma_start3A_448] : memref<4096x50x128xf32, #tpu.memory_space<hbm>> -> memref<1x50x128xf32, #tpu.memory_space<hbm>>
        %dma_start3A_450 = tpu.memref_squeeze %dma_start3A_449 : memref<1x50x128xf32, #tpu.memory_space<hbm>> -> memref<50x128xf32, #tpu.memory_space<hbm>>
        %dma_start3A_451 = arith.constant 150 : i32
        %dma_start3A_452 = arith.constant 0 : i32
        %dma_start3A_453 = tpu.memref_slice %arg11[%arg1, %dma_start3A_451, %dma_start3A_452] : memref<16x200x128xf32, #tpu.memory_space<vmem_shared>> -> memref<1x50x128xf32, #tpu.memory_space<vmem_shared>>
        %dma_start3A_454 = tpu.memref_squeeze %dma_start3A_453 : memref<1x50x128xf32, #tpu.memory_space<vmem_shared>> -> memref<50x128xf32, #tpu.memory_space<vmem_shared>>
        tpu.enqueue_dma source(%dma_start3A_454 : memref<50x128xf32, #tpu.memory_space<vmem_shared>>) target(%dma_start3A_450 : memref<50x128xf32, #tpu.memory_space<hbm>>) target_semaphore(%arg19 : memref<!tpu.dma_semaphore, #tpu.memory_space<semaphore_mem>>)
      } else {
      }
      %add3A_387 = arith.constant 2 : i32
      %add3A_388 = arith.addi %add3A_365, %add3A_387 : i32
      %lt3A_389 = arith.constant 32 : i32
      %lt3A_390 = arith.cmpi slt, %add3A_388, %lt3A_389 : i32
      %convert_element_type3A_391 = arith.extui %lt3A_390 : i1 to i32
      %cond3A_392 = arith.constant 0 : i32
      %cond3A_393 = arith.cmpi ne, %convert_element_type3A_391, %cond3A_392 : i32
      scf.if %cond3A_393 {
        %add3A_394 = arith.constant 2 : i32
        %add3A_395 = arith.addi %add3A_365, %add3A_394 : i32
        %mul3A_396 = arith.constant 4 : i32
        %mul3A_397 = arith.muli %add3A_395, %mul3A_396 : i32
        %add3A_398 = arith.addi %mul3A_2, %mul3A_397 : i32
        %mul3A_399 = arith.constant 50 : i32
        %mul3A_400 = arith.muli %add3A_398, %mul3A_399 : i32
        "tpu.region"() ({
          %run_scoped3A = tpu.sem_alloc : memref<!tpu.dma_semaphore, #tpu.memory_space<semaphore_mem>>
          %dma_start3A_404 = tpu.memref_slice %arg3[%mul3A_400] : memref<204800xi32, #tpu.memory_space<hbm>> -> memref<200xi32, #tpu.memory_space<hbm>>
          %dma_start3A_405 = tpu.memref_slice %arg3[%mul3A_400] : memref<204800xi32, #tpu.memory_space<hbm>> -> memref<200xi32, #tpu.memory_space<hbm>>
          tpu.enqueue_dma source(%dma_start3A_405 : memref<200xi32, #tpu.memory_space<hbm>>) target(%arg6 : memref<200xi32, #tpu.memory_space<vmem>>) target_semaphore(%run_scoped3A : memref<!tpu.dma_semaphore, #tpu.memory_space<semaphore_mem>>)
          %dma_wait3A_406 = tpu.memref_slice %arg3[%mul3A_400] : memref<204800xi32, #tpu.memory_space<hbm>> -> memref<200xi32, #tpu.memory_space<hbm>>
          %dma_wait3A_407 = tpu.memref_slice %arg3[%mul3A_400] : memref<204800xi32, #tpu.memory_space<hbm>> -> memref<200xi32, #tpu.memory_space<hbm>>
          tpu.wait_dma2 semaphore(%run_scoped3A : memref<!tpu.dma_semaphore, #tpu.memory_space<semaphore_mem>>) src(%dma_wait3A_407 : memref<200xi32, #tpu.memory_space<hbm>>) dst(%arg6 : memref<200xi32, #tpu.memory_space<vmem>>)
          tpu.yield
        }) : () -> ()
        %dma_start3A_401 = arith.constant 0 : i32
        %dma_start3A_402 = arith.constant 0 : i32
        %dma_start3A_403 = tpu.memref_slice %arg2[%dma_start3A_401, %dma_start3A_402] : memref<100000x128xf32, #tpu.memory_space<hbm>> -> memref<100000x128xf32, #tpu.memory_space<hbm>>
        tpu.enqueue_indirect_dma source(%dma_start3A_403 : memref<100000x128xf32, #tpu.memory_space<hbm>>) target(%arg9 : memref<200x128xf32, #tpu.memory_space<vmem>>) offsets(%arg6 : memref<200xi32, #tpu.memory_space<vmem>>) semaphore(%arg14 : memref<!tpu.dma_semaphore, #tpu.memory_space<semaphore_mem>>)
      } else {
      }
    }
    %scan3A_19 = arith.constant 5 : i32
    %dma_wait3A = arith.constant 0 : i32
    %dma_wait3A_20 = arith.constant 0 : i32
    %dma_wait3A_21 = tpu.memref_slice %arg2[%dma_wait3A, %dma_wait3A_20] : memref<100000x128xf32, #tpu.memory_space<hbm>> -> memref<100000x128xf32, #tpu.memory_space<hbm>>
    tpu.wait_indirect_dma semaphore(%arg13 : memref<!tpu.dma_semaphore, #tpu.memory_space<semaphore_mem>>) src(%dma_wait3A_21 : memref<100000x128xf32, #tpu.memory_space<hbm>>) dst(%arg8 : memref<200x128xf32, #tpu.memory_space<vmem>>)
    %ge3A = arith.constant 30 : i32
    %ge3A_22 = arith.constant 2 : i32
    %ge3A_23 = arith.cmpi sge, %ge3A, %ge3A_22 : i32
    %convert_element_type3A = arith.extui %ge3A_23 : i1 to i32
    %cond3A = arith.constant 0 : i32
    %cond3A_24 = arith.cmpi ne, %convert_element_type3A, %cond3A : i32
    scf.if %cond3A_24 {
      %dma_wait3A_209 = arith.constant 0 : i32
      %dma_wait3A_210 = arith.constant 0 : i32
      %dma_wait3A_211 = tpu.memref_slice %arg4[%mul3A_2, %dma_wait3A_209, %dma_wait3A_210] : memref<4096x50x128xf32, #tpu.memory_space<hbm>> -> memref<1x50x128xf32, #tpu.memory_space<hbm>>
      %dma_wait3A_212 = tpu.memref_squeeze %dma_wait3A_211 : memref<1x50x128xf32, #tpu.memory_space<hbm>> -> memref<50x128xf32, #tpu.memory_space<hbm>>
      %dma_wait3A_213 = arith.constant 0 : i32
      %dma_wait3A_214 = arith.constant 0 : i32
      %dma_wait3A_215 = tpu.memref_slice %arg11[%arg1, %dma_wait3A_213, %dma_wait3A_214] : memref<16x200x128xf32, #tpu.memory_space<vmem_shared>> -> memref<1x50x128xf32, #tpu.memory_space<vmem_shared>>
      %dma_wait3A_216 = tpu.memref_squeeze %dma_wait3A_215 : memref<1x50x128xf32, #tpu.memory_space<vmem_shared>> -> memref<50x128xf32, #tpu.memory_space<vmem_shared>>
      tpu.wait_dma2 semaphore(%arg19 : memref<!tpu.dma_semaphore, #tpu.memory_space<semaphore_mem>>) src(%dma_wait3A_216 : memref<50x128xf32, #tpu.memory_space<vmem_shared>>) dst(%dma_wait3A_212 : memref<50x128xf32, #tpu.memory_space<hbm>>)
      %dma_wait3A_217 = arith.constant 0 : i32
      %dma_wait3A_218 = arith.constant 0 : i32
      %dma_wait3A_219 = tpu.memref_slice %arg4[%mul3A_2, %dma_wait3A_217, %dma_wait3A_218] : memref<4096x50x128xf32, #tpu.memory_space<hbm>> -> memref<1x50x128xf32, #tpu.memory_space<hbm>>
      %dma_wait3A_220 = tpu.memref_squeeze %dma_wait3A_219 : memref<1x50x128xf32, #tpu.memory_space<hbm>> -> memref<50x128xf32, #tpu.memory_space<hbm>>
      %dma_wait3A_221 = arith.constant 50 : i32
      %dma_wait3A_222 = arith.constant 0 : i32
      %dma_wait3A_223 = tpu.memref_slice %arg11[%arg1, %dma_wait3A_221, %dma_wait3A_222] : memref<16x200x128xf32, #tpu.memory_space<vmem_shared>> -> memref<1x50x128xf32, #tpu.memory_space<vmem_shared>>
      %dma_wait3A_224 = tpu.memref_squeeze %dma_wait3A_223 : memref<1x50x128xf32, #tpu.memory_space<vmem_shared>> -> memref<50x128xf32, #tpu.memory_space<vmem_shared>>
      tpu.wait_dma2 semaphore(%arg19 : memref<!tpu.dma_semaphore, #tpu.memory_space<semaphore_mem>>) src(%dma_wait3A_224 : memref<50x128xf32, #tpu.memory_space<vmem_shared>>) dst(%dma_wait3A_220 : memref<50x128xf32, #tpu.memory_space<hbm>>)
      %dma_wait3A_225 = arith.constant 0 : i32
      %dma_wait3A_226 = arith.constant 0 : i32
      %dma_wait3A_227 = tpu.memref_slice %arg4[%mul3A_2, %dma_wait3A_225, %dma_wait3A_226] : memref<4096x50x128xf32, #tpu.memory_space<hbm>> -> memref<1x50x128xf32, #tpu.memory_space<hbm>>
      %dma_wait3A_228 = tpu.memref_squeeze %dma_wait3A_227 : memref<1x50x128xf32, #tpu.memory_space<hbm>> -> memref<50x128xf32, #tpu.memory_space<hbm>>
      %dma_wait3A_229 = arith.constant 100 : i32
      %dma_wait3A_230 = arith.constant 0 : i32
      %dma_wait3A_231 = tpu.memref_slice %arg11[%arg1, %dma_wait3A_229, %dma_wait3A_230] : memref<16x200x128xf32, #tpu.memory_space<vmem_shared>> -> memref<1x50x128xf32, #tpu.memory_space<vmem_shared>>
      %dma_wait3A_232 = tpu.memref_squeeze %dma_wait3A_231 : memref<1x50x128xf32, #tpu.memory_space<vmem_shared>> -> memref<50x128xf32, #tpu.memory_space<vmem_shared>>
      tpu.wait_dma2 semaphore(%arg19 : memref<!tpu.dma_semaphore, #tpu.memory_space<semaphore_mem>>) src(%dma_wait3A_232 : memref<50x128xf32, #tpu.memory_space<vmem_shared>>) dst(%dma_wait3A_228 : memref<50x128xf32, #tpu.memory_space<hbm>>)
      %dma_wait3A_233 = arith.constant 0 : i32
      %dma_wait3A_234 = arith.constant 0 : i32
      %dma_wait3A_235 = tpu.memref_slice %arg4[%mul3A_2, %dma_wait3A_233, %dma_wait3A_234] : memref<4096x50x128xf32, #tpu.memory_space<hbm>> -> memref<1x50x128xf32, #tpu.memory_space<hbm>>
      %dma_wait3A_236 = tpu.memref_squeeze %dma_wait3A_235 : memref<1x50x128xf32, #tpu.memory_space<hbm>> -> memref<50x128xf32, #tpu.memory_space<hbm>>
      %dma_wait3A_237 = arith.constant 150 : i32
      %dma_wait3A_238 = arith.constant 0 : i32
      %dma_wait3A_239 = tpu.memref_slice %arg11[%arg1, %dma_wait3A_237, %dma_wait3A_238] : memref<16x200x128xf32, #tpu.memory_space<vmem_shared>> -> memref<1x50x128xf32, #tpu.memory_space<vmem_shared>>
      %dma_wait3A_240 = tpu.memref_squeeze %dma_wait3A_239 : memref<1x50x128xf32, #tpu.memory_space<vmem_shared>> -> memref<50x128xf32, #tpu.memory_space<vmem_shared>>
      tpu.wait_dma2 semaphore(%arg19 : memref<!tpu.dma_semaphore, #tpu.memory_space<semaphore_mem>>) src(%dma_wait3A_240 : memref<50x128xf32, #tpu.memory_space<vmem_shared>>) dst(%dma_wait3A_236 : memref<50x128xf32, #tpu.memory_space<hbm>>)
    } else {
    }
    %dma_start3A_25 = arith.constant 0 : i32
    %dma_start3A_26 = arith.constant 0 : i32
    %dma_start3A_27 = tpu.memref_slice %arg11[%arg1, %dma_start3A_25, %dma_start3A_26] : memref<16x200x128xf32, #tpu.memory_space<vmem_shared>> -> memref<1x200x128xf32, #tpu.memory_space<vmem_shared>>
    %dma_start3A_28 = tpu.memref_squeeze %dma_start3A_27 : memref<1x200x128xf32, #tpu.memory_space<vmem_shared>> -> memref<200x128xf32, #tpu.memory_space<vmem_shared>>
    %dma_start3A_29 = arith.constant 0 : i32
    %dma_start3A_30 = arith.constant 0 : i32
    %dma_start3A_31 = tpu.memref_slice %arg11[%arg1, %dma_start3A_29, %dma_start3A_30] : memref<16x200x128xf32, #tpu.memory_space<vmem_shared>> -> memref<1x200x128xf32, #tpu.memory_space<vmem_shared>>
    %dma_start3A_32 = tpu.memref_squeeze %dma_start3A_31 : memref<1x200x128xf32, #tpu.memory_space<vmem_shared>> -> memref<200x128xf32, #tpu.memory_space<vmem_shared>>
    tpu.enqueue_dma source(%arg8 : memref<200x128xf32, #tpu.memory_space<vmem>>) target(%dma_start3A_32 : memref<200x128xf32, #tpu.memory_space<vmem_shared>>) target_semaphore(%arg16 : memref<!tpu.dma_semaphore, #tpu.memory_space<semaphore_mem>>)
    %ge3A_33 = arith.constant 30 : i32
    %ge3A_34 = arith.constant 1 : i32
    %ge3A_35 = arith.cmpi sge, %ge3A_33, %ge3A_34 : i32
    %convert_element_type3A_36 = arith.extui %ge3A_35 : i1 to i32
    %cond3A_37 = arith.constant 30 : i32
    %cond3A_38 = arith.constant 0 : i32
    %cond3A_39 = arith.cmpi ne, %convert_element_type3A_36, %cond3A_38 : i32
    scf.if %cond3A_39 {
      %dma_wait3A_209 = arith.constant 0 : i32
      %dma_wait3A_210 = arith.constant 0 : i32
      %dma_wait3A_211 = tpu.memref_slice %arg12[%arg1, %dma_wait3A_209, %dma_wait3A_210] : memref<16x200x128xf32, #tpu.memory_space<vmem_shared>> -> memref<1x200x128xf32, #tpu.memory_space<vmem_shared>>
      %dma_wait3A_212 = tpu.memref_squeeze %dma_wait3A_211 : memref<1x200x128xf32, #tpu.memory_space<vmem_shared>> -> memref<200x128xf32, #tpu.memory_space<vmem_shared>>
      %dma_wait3A_213 = arith.constant 0 : i32
      %dma_wait3A_214 = arith.constant 0 : i32
      %dma_wait3A_215 = tpu.memref_slice %arg12[%arg1, %dma_wait3A_213, %dma_wait3A_214] : memref<16x200x128xf32, #tpu.memory_space<vmem_shared>> -> memref<1x200x128xf32, #tpu.memory_space<vmem_shared>>
      %dma_wait3A_216 = tpu.memref_squeeze %dma_wait3A_215 : memref<1x200x128xf32, #tpu.memory_space<vmem_shared>> -> memref<200x128xf32, #tpu.memory_space<vmem_shared>>
      tpu.wait_dma2 semaphore(%arg18 : memref<!tpu.dma_semaphore, #tpu.memory_space<semaphore_mem>>) src(%arg10 : memref<200x128xf32, #tpu.memory_space<vmem>>) dst(%dma_wait3A_216 : memref<200x128xf32, #tpu.memory_space<vmem_shared>>)
      %sub3A = arith.constant 1 : i32
      %sub3A_217 = arith.subi %cond3A_37, %sub3A : i32
      %mul3A_218 = arith.constant 4 : i32
      %mul3A_219 = arith.muli %sub3A_217, %mul3A_218 : i32
      %add3A_220 = arith.addi %mul3A_2, %mul3A_219 : i32
      %add3A_221 = arith.constant 0 : i32
      %add3A_222 = arith.addi %add3A_220, %add3A_221 : i32
      %dma_start3A_223 = arith.constant 0 : i32
      %dma_start3A_224 = arith.constant 0 : i32
      %dma_start3A_225 = tpu.memref_slice %arg4[%add3A_222, %dma_start3A_223, %dma_start3A_224] : memref<4096x50x128xf32, #tpu.memory_space<hbm>> -> memref<1x50x128xf32, #tpu.memory_space<hbm>>
      %dma_start3A_226 = tpu.memref_squeeze %dma_start3A_225 : memref<1x50x128xf32, #tpu.memory_space<hbm>> -> memref<50x128xf32, #tpu.memory_space<hbm>>
      %dma_start3A_227 = arith.constant 0 : i32
      %dma_start3A_228 = arith.constant 0 : i32
      %dma_start3A_229 = tpu.memref_slice %arg12[%arg1, %dma_start3A_227, %dma_start3A_228] : memref<16x200x128xf32, #tpu.memory_space<vmem_shared>> -> memref<1x50x128xf32, #tpu.memory_space<vmem_shared>>
      %dma_start3A_230 = tpu.memref_squeeze %dma_start3A_229 : memref<1x50x128xf32, #tpu.memory_space<vmem_shared>> -> memref<50x128xf32, #tpu.memory_space<vmem_shared>>
      tpu.enqueue_dma source(%dma_start3A_230 : memref<50x128xf32, #tpu.memory_space<vmem_shared>>) target(%dma_start3A_226 : memref<50x128xf32, #tpu.memory_space<hbm>>) target_semaphore(%arg20 : memref<!tpu.dma_semaphore, #tpu.memory_space<semaphore_mem>>)
      %mul3A_231 = arith.constant 4 : i32
      %mul3A_232 = arith.muli %sub3A_217, %mul3A_231 : i32
      %add3A_233 = arith.addi %mul3A_2, %mul3A_232 : i32
      %add3A_234 = arith.constant 1 : i32
      %add3A_235 = arith.addi %add3A_233, %add3A_234 : i32
      %dma_start3A_236 = arith.constant 0 : i32
      %dma_start3A_237 = arith.constant 0 : i32
      %dma_start3A_238 = tpu.memref_slice %arg4[%add3A_235, %dma_start3A_236, %dma_start3A_237] : memref<4096x50x128xf32, #tpu.memory_space<hbm>> -> memref<1x50x128xf32, #tpu.memory_space<hbm>>
      %dma_start3A_239 = tpu.memref_squeeze %dma_start3A_238 : memref<1x50x128xf32, #tpu.memory_space<hbm>> -> memref<50x128xf32, #tpu.memory_space<hbm>>
      %dma_start3A_240 = arith.constant 50 : i32
      %dma_start3A_241 = arith.constant 0 : i32
      %dma_start3A_242 = tpu.memref_slice %arg12[%arg1, %dma_start3A_240, %dma_start3A_241] : memref<16x200x128xf32, #tpu.memory_space<vmem_shared>> -> memref<1x50x128xf32, #tpu.memory_space<vmem_shared>>
      %dma_start3A_243 = tpu.memref_squeeze %dma_start3A_242 : memref<1x50x128xf32, #tpu.memory_space<vmem_shared>> -> memref<50x128xf32, #tpu.memory_space<vmem_shared>>
      tpu.enqueue_dma source(%dma_start3A_243 : memref<50x128xf32, #tpu.memory_space<vmem_shared>>) target(%dma_start3A_239 : memref<50x128xf32, #tpu.memory_space<hbm>>) target_semaphore(%arg20 : memref<!tpu.dma_semaphore, #tpu.memory_space<semaphore_mem>>)
      %mul3A_244 = arith.constant 4 : i32
      %mul3A_245 = arith.muli %sub3A_217, %mul3A_244 : i32
      %add3A_246 = arith.addi %mul3A_2, %mul3A_245 : i32
      %add3A_247 = arith.constant 2 : i32
      %add3A_248 = arith.addi %add3A_246, %add3A_247 : i32
      %dma_start3A_249 = arith.constant 0 : i32
      %dma_start3A_250 = arith.constant 0 : i32
      %dma_start3A_251 = tpu.memref_slice %arg4[%add3A_248, %dma_start3A_249, %dma_start3A_250] : memref<4096x50x128xf32, #tpu.memory_space<hbm>> -> memref<1x50x128xf32, #tpu.memory_space<hbm>>
      %dma_start3A_252 = tpu.memref_squeeze %dma_start3A_251 : memref<1x50x128xf32, #tpu.memory_space<hbm>> -> memref<50x128xf32, #tpu.memory_space<hbm>>
      %dma_start3A_253 = arith.constant 100 : i32
      %dma_start3A_254 = arith.constant 0 : i32
      %dma_start3A_255 = tpu.memref_slice %arg12[%arg1, %dma_start3A_253, %dma_start3A_254] : memref<16x200x128xf32, #tpu.memory_space<vmem_shared>> -> memref<1x50x128xf32, #tpu.memory_space<vmem_shared>>
      %dma_start3A_256 = tpu.memref_squeeze %dma_start3A_255 : memref<1x50x128xf32, #tpu.memory_space<vmem_shared>> -> memref<50x128xf32, #tpu.memory_space<vmem_shared>>
      tpu.enqueue_dma source(%dma_start3A_256 : memref<50x128xf32, #tpu.memory_space<vmem_shared>>) target(%dma_start3A_252 : memref<50x128xf32, #tpu.memory_space<hbm>>) target_semaphore(%arg20 : memref<!tpu.dma_semaphore, #tpu.memory_space<semaphore_mem>>)
      %mul3A_257 = arith.constant 4 : i32
      %mul3A_258 = arith.muli %sub3A_217, %mul3A_257 : i32
      %add3A_259 = arith.addi %mul3A_2, %mul3A_258 : i32
      %add3A_260 = arith.constant 3 : i32
      %add3A_261 = arith.addi %add3A_259, %add3A_260 : i32
      %dma_start3A_262 = arith.constant 0 : i32
      %dma_start3A_263 = arith.constant 0 : i32
      %dma_start3A_264 = tpu.memref_slice %arg4[%add3A_261, %dma_start3A_262, %dma_start3A_263] : memref<4096x50x128xf32, #tpu.memory_space<hbm>> -> memref<1x50x128xf32, #tpu.memory_space<hbm>>
      %dma_start3A_265 = tpu.memref_squeeze %dma_start3A_264 : memref<1x50x128xf32, #tpu.memory_space<hbm>> -> memref<50x128xf32, #tpu.memory_space<hbm>>
      %dma_start3A_266 = arith.constant 150 : i32
      %dma_start3A_267 = arith.constant 0 : i32
      %dma_start3A_268 = tpu.memref_slice %arg12[%arg1, %dma_start3A_266, %dma_start3A_267] : memref<16x200x128xf32, #tpu.memory_space<vmem_shared>> -> memref<1x50x128xf32, #tpu.memory_space<vmem_shared>>
      %dma_start3A_269 = tpu.memref_squeeze %dma_start3A_268 : memref<1x50x128xf32, #tpu.memory_space<vmem_shared>> -> memref<50x128xf32, #tpu.memory_space<vmem_shared>>
      tpu.enqueue_dma source(%dma_start3A_269 : memref<50x128xf32, #tpu.memory_space<vmem_shared>>) target(%dma_start3A_265 : memref<50x128xf32, #tpu.memory_space<hbm>>) target_semaphore(%arg20 : memref<!tpu.dma_semaphore, #tpu.memory_space<semaphore_mem>>)
    } else {
    }
    %add3A_40 = arith.constant 30 : i32
    %add3A_41 = arith.constant 2 : i32
    %add3A_42 = arith.addi %add3A_40, %add3A_41 : i32
    %lt3A = arith.constant 32 : i32
    %lt3A_43 = arith.cmpi slt, %add3A_42, %lt3A : i32
    %convert_element_type3A_44 = arith.extui %lt3A_43 : i1 to i32
    %cond3A_45 = arith.constant 30 : i32
    %cond3A_46 = arith.constant 0 : i32
    %cond3A_47 = arith.cmpi ne, %convert_element_type3A_44, %cond3A_46 : i32
    scf.if %cond3A_47 {
      %add3A_209 = arith.constant 2 : i32
      %add3A_210 = arith.addi %cond3A_45, %add3A_209 : i32
      %mul3A_211 = arith.constant 4 : i32
      %mul3A_212 = arith.muli %add3A_210, %mul3A_211 : i32
      %add3A_213 = arith.addi %mul3A_2, %mul3A_212 : i32
      %mul3A_214 = arith.constant 50 : i32
      %mul3A_215 = arith.muli %add3A_213, %mul3A_214 : i32
      "tpu.region"() ({
        %run_scoped3A = tpu.sem_alloc : memref<!tpu.dma_semaphore, #tpu.memory_space<semaphore_mem>>
        %dma_start3A_219 = tpu.memref_slice %arg3[%mul3A_215] : memref<204800xi32, #tpu.memory_space<hbm>> -> memref<200xi32, #tpu.memory_space<hbm>>
        %dma_start3A_220 = tpu.memref_slice %arg3[%mul3A_215] : memref<204800xi32, #tpu.memory_space<hbm>> -> memref<200xi32, #tpu.memory_space<hbm>>
        tpu.enqueue_dma source(%dma_start3A_220 : memref<200xi32, #tpu.memory_space<hbm>>) target(%arg7 : memref<200xi32, #tpu.memory_space<vmem>>) target_semaphore(%run_scoped3A : memref<!tpu.dma_semaphore, #tpu.memory_space<semaphore_mem>>)
        %dma_wait3A_221 = tpu.memref_slice %arg3[%mul3A_215] : memref<204800xi32, #tpu.memory_space<hbm>> -> memref<200xi32, #tpu.memory_space<hbm>>
        %dma_wait3A_222 = tpu.memref_slice %arg3[%mul3A_215] : memref<204800xi32, #tpu.memory_space<hbm>> -> memref<200xi32, #tpu.memory_space<hbm>>
        tpu.wait_dma2 semaphore(%run_scoped3A : memref<!tpu.dma_semaphore, #tpu.memory_space<semaphore_mem>>) src(%dma_wait3A_222 : memref<200xi32, #tpu.memory_space<hbm>>) dst(%arg7 : memref<200xi32, #tpu.memory_space<vmem>>)
        tpu.yield
      }) : () -> ()
      %dma_start3A_216 = arith.constant 0 : i32
      %dma_start3A_217 = arith.constant 0 : i32
      %dma_start3A_218 = tpu.memref_slice %arg2[%dma_start3A_216, %dma_start3A_217] : memref<100000x128xf32, #tpu.memory_space<hbm>> -> memref<100000x128xf32, #tpu.memory_space<hbm>>
      tpu.enqueue_indirect_dma source(%dma_start3A_218 : memref<100000x128xf32, #tpu.memory_space<hbm>>) target(%arg10 : memref<200x128xf32, #tpu.memory_space<vmem>>) offsets(%arg7 : memref<200xi32, #tpu.memory_space<vmem>>) semaphore(%arg15 : memref<!tpu.dma_semaphore, #tpu.memory_space<semaphore_mem>>)
    } else {
    }
    %dma_wait3A_48 = arith.constant 0 : i32
    %dma_wait3A_49 = arith.constant 0 : i32
    %dma_wait3A_50 = tpu.memref_slice %arg2[%dma_wait3A_48, %dma_wait3A_49] : memref<100000x128xf32, #tpu.memory_space<hbm>> -> memref<100000x128xf32, #tpu.memory_space<hbm>>
    tpu.wait_indirect_dma semaphore(%arg14 : memref<!tpu.dma_semaphore, #tpu.memory_space<semaphore_mem>>) src(%dma_wait3A_50 : memref<100000x128xf32, #tpu.memory_space<hbm>>) dst(%arg9 : memref<200x128xf32, #tpu.memory_space<vmem>>)
    %ge3A_51 = arith.constant 31 : i32
    %ge3A_52 = arith.constant 2 : i32
    %ge3A_53 = arith.cmpi sge, %ge3A_51, %ge3A_52 : i32
    %convert_element_type3A_54 = arith.extui %ge3A_53 : i1 to i32
    %cond3A_55 = arith.constant 0 : i32
    %cond3A_56 = arith.cmpi ne, %convert_element_type3A_54, %cond3A_55 : i32
    scf.if %cond3A_56 {
      %dma_wait3A_209 = arith.constant 0 : i32
      %dma_wait3A_210 = arith.constant 0 : i32
      %dma_wait3A_211 = tpu.memref_slice %arg4[%mul3A_2, %dma_wait3A_209, %dma_wait3A_210] : memref<4096x50x128xf32, #tpu.memory_space<hbm>> -> memref<1x50x128xf32, #tpu.memory_space<hbm>>
      %dma_wait3A_212 = tpu.memref_squeeze %dma_wait3A_211 : memref<1x50x128xf32, #tpu.memory_space<hbm>> -> memref<50x128xf32, #tpu.memory_space<hbm>>
      %dma_wait3A_213 = arith.constant 0 : i32
      %dma_wait3A_214 = arith.constant 0 : i32
      %dma_wait3A_215 = tpu.memref_slice %arg12[%arg1, %dma_wait3A_213, %dma_wait3A_214] : memref<16x200x128xf32, #tpu.memory_space<vmem_shared>> -> memref<1x50x128xf32, #tpu.memory_space<vmem_shared>>
      %dma_wait3A_216 = tpu.memref_squeeze %dma_wait3A_215 : memref<1x50x128xf32, #tpu.memory_space<vmem_shared>> -> memref<50x128xf32, #tpu.memory_space<vmem_shared>>
      tpu.wait_dma2 semaphore(%arg20 : memref<!tpu.dma_semaphore, #tpu.memory_space<semaphore_mem>>) src(%dma_wait3A_216 : memref<50x128xf32, #tpu.memory_space<vmem_shared>>) dst(%dma_wait3A_212 : memref<50x128xf32, #tpu.memory_space<hbm>>)
      %dma_wait3A_217 = arith.constant 0 : i32
      %dma_wait3A_218 = arith.constant 0 : i32
      %dma_wait3A_219 = tpu.memref_slice %arg4[%mul3A_2, %dma_wait3A_217, %dma_wait3A_218] : memref<4096x50x128xf32, #tpu.memory_space<hbm>> -> memref<1x50x128xf32, #tpu.memory_space<hbm>>
      %dma_wait3A_220 = tpu.memref_squeeze %dma_wait3A_219 : memref<1x50x128xf32, #tpu.memory_space<hbm>> -> memref<50x128xf32, #tpu.memory_space<hbm>>
      %dma_wait3A_221 = arith.constant 50 : i32
      %dma_wait3A_222 = arith.constant 0 : i32
      %dma_wait3A_223 = tpu.memref_slice %arg12[%arg1, %dma_wait3A_221, %dma_wait3A_222] : memref<16x200x128xf32, #tpu.memory_space<vmem_shared>> -> memref<1x50x128xf32, #tpu.memory_space<vmem_shared>>
      %dma_wait3A_224 = tpu.memref_squeeze %dma_wait3A_223 : memref<1x50x128xf32, #tpu.memory_space<vmem_shared>> -> memref<50x128xf32, #tpu.memory_space<vmem_shared>>
      tpu.wait_dma2 semaphore(%arg20 : memref<!tpu.dma_semaphore, #tpu.memory_space<semaphore_mem>>) src(%dma_wait3A_224 : memref<50x128xf32, #tpu.memory_space<vmem_shared>>) dst(%dma_wait3A_220 : memref<50x128xf32, #tpu.memory_space<hbm>>)
      %dma_wait3A_225 = arith.constant 0 : i32
      %dma_wait3A_226 = arith.constant 0 : i32
      %dma_wait3A_227 = tpu.memref_slice %arg4[%mul3A_2, %dma_wait3A_225, %dma_wait3A_226] : memref<4096x50x128xf32, #tpu.memory_space<hbm>> -> memref<1x50x128xf32, #tpu.memory_space<hbm>>
      %dma_wait3A_228 = tpu.memref_squeeze %dma_wait3A_227 : memref<1x50x128xf32, #tpu.memory_space<hbm>> -> memref<50x128xf32, #tpu.memory_space<hbm>>
      %dma_wait3A_229 = arith.constant 100 : i32
      %dma_wait3A_230 = arith.constant 0 : i32
      %dma_wait3A_231 = tpu.memref_slice %arg12[%arg1, %dma_wait3A_229, %dma_wait3A_230] : memref<16x200x128xf32, #tpu.memory_space<vmem_shared>> -> memref<1x50x128xf32, #tpu.memory_space<vmem_shared>>
      %dma_wait3A_232 = tpu.memref_squeeze %dma_wait3A_231 : memref<1x50x128xf32, #tpu.memory_space<vmem_shared>> -> memref<50x128xf32, #tpu.memory_space<vmem_shared>>
      tpu.wait_dma2 semaphore(%arg20 : memref<!tpu.dma_semaphore, #tpu.memory_space<semaphore_mem>>) src(%dma_wait3A_232 : memref<50x128xf32, #tpu.memory_space<vmem_shared>>) dst(%dma_wait3A_228 : memref<50x128xf32, #tpu.memory_space<hbm>>)
      %dma_wait3A_233 = arith.constant 0 : i32
      %dma_wait3A_234 = arith.constant 0 : i32
      %dma_wait3A_235 = tpu.memref_slice %arg4[%mul3A_2, %dma_wait3A_233, %dma_wait3A_234] : memref<4096x50x128xf32, #tpu.memory_space<hbm>> -> memref<1x50x128xf32, #tpu.memory_space<hbm>>
      %dma_wait3A_236 = tpu.memref_squeeze %dma_wait3A_235 : memref<1x50x128xf32, #tpu.memory_space<hbm>> -> memref<50x128xf32, #tpu.memory_space<hbm>>
      %dma_wait3A_237 = arith.constant 150 : i32
      %dma_wait3A_238 = arith.constant 0 : i32
      %dma_wait3A_239 = tpu.memref_slice %arg12[%arg1, %dma_wait3A_237, %dma_wait3A_238] : memref<16x200x128xf32, #tpu.memory_space<vmem_shared>> -> memref<1x50x128xf32, #tpu.memory_space<vmem_shared>>
      %dma_wait3A_240 = tpu.memref_squeeze %dma_wait3A_239 : memref<1x50x128xf32, #tpu.memory_space<vmem_shared>> -> memref<50x128xf32, #tpu.memory_space<vmem_shared>>
      tpu.wait_dma2 semaphore(%arg20 : memref<!tpu.dma_semaphore, #tpu.memory_space<semaphore_mem>>) src(%dma_wait3A_240 : memref<50x128xf32, #tpu.memory_space<vmem_shared>>) dst(%dma_wait3A_236 : memref<50x128xf32, #tpu.memory_space<hbm>>)
    } else {
    }
    %dma_start3A_57 = arith.constant 0 : i32
    %dma_start3A_58 = arith.constant 0 : i32
    %dma_start3A_59 = tpu.memref_slice %arg12[%arg1, %dma_start3A_57, %dma_start3A_58] : memref<16x200x128xf32, #tpu.memory_space<vmem_shared>> -> memref<1x200x128xf32, #tpu.memory_space<vmem_shared>>
    %dma_start3A_60 = tpu.memref_squeeze %dma_start3A_59 : memref<1x200x128xf32, #tpu.memory_space<vmem_shared>> -> memref<200x128xf32, #tpu.memory_space<vmem_shared>>
    %dma_start3A_61 = arith.constant 0 : i32
    %dma_start3A_62 = arith.constant 0 : i32
    %dma_start3A_63 = tpu.memref_slice %arg12[%arg1, %dma_start3A_61, %dma_start3A_62] : memref<16x200x128xf32, #tpu.memory_space<vmem_shared>> -> memref<1x200x128xf32, #tpu.memory_space<vmem_shared>>
    %dma_start3A_64 = tpu.memref_squeeze %dma_start3A_63 : memref<1x200x128xf32, #tpu.memory_space<vmem_shared>> -> memref<200x128xf32, #tpu.memory_space<vmem_shared>>
    tpu.enqueue_dma source(%arg9 : memref<200x128xf32, #tpu.memory_space<vmem>>) target(%dma_start3A_64 : memref<200x128xf32, #tpu.memory_space<vmem_shared>>) target_semaphore(%arg17 : memref<!tpu.dma_semaphore, #tpu.memory_space<semaphore_mem>>)
    %ge3A_65 = arith.constant 31 : i32
    %ge3A_66 = arith.constant 1 : i32
    %ge3A_67 = arith.cmpi sge, %ge3A_65, %ge3A_66 : i32
    %convert_element_type3A_68 = arith.extui %ge3A_67 : i1 to i32
    %cond3A_69 = arith.constant 31 : i32
    %cond3A_70 = arith.constant 0 : i32
    %cond3A_71 = arith.cmpi ne, %convert_element_type3A_68, %cond3A_70 : i32
    scf.if %cond3A_71 {
      %dma_wait3A_209 = arith.constant 0 : i32
      %dma_wait3A_210 = arith.constant 0 : i32
      %dma_wait3A_211 = tpu.memref_slice %arg11[%arg1, %dma_wait3A_209, %dma_wait3A_210] : memref<16x200x128xf32, #tpu.memory_space<vmem_shared>> -> memref<1x200x128xf32, #tpu.memory_space<vmem_shared>>
      %dma_wait3A_212 = tpu.memref_squeeze %dma_wait3A_211 : memref<1x200x128xf32, #tpu.memory_space<vmem_shared>> -> memref<200x128xf32, #tpu.memory_space<vmem_shared>>
      %dma_wait3A_213 = arith.constant 0 : i32
      %dma_wait3A_214 = arith.constant 0 : i32
      %dma_wait3A_215 = tpu.memref_slice %arg11[%arg1, %dma_wait3A_213, %dma_wait3A_214] : memref<16x200x128xf32, #tpu.memory_space<vmem_shared>> -> memref<1x200x128xf32, #tpu.memory_space<vmem_shared>>
      %dma_wait3A_216 = tpu.memref_squeeze %dma_wait3A_215 : memref<1x200x128xf32, #tpu.memory_space<vmem_shared>> -> memref<200x128xf32, #tpu.memory_space<vmem_shared>>
      tpu.wait_dma2 semaphore(%arg16 : memref<!tpu.dma_semaphore, #tpu.memory_space<semaphore_mem>>) src(%arg8 : memref<200x128xf32, #tpu.memory_space<vmem>>) dst(%dma_wait3A_216 : memref<200x128xf32, #tpu.memory_space<vmem_shared>>)
      %sub3A = arith.constant 1 : i32
      %sub3A_217 = arith.subi %cond3A_69, %sub3A : i32
      %mul3A_218 = arith.constant 4 : i32
      %mul3A_219 = arith.muli %sub3A_217, %mul3A_218 : i32
      %add3A_220 = arith.addi %mul3A_2, %mul3A_219 : i32
      %add3A_221 = arith.constant 0 : i32
      %add3A_222 = arith.addi %add3A_220, %add3A_221 : i32
      %dma_start3A_223 = arith.constant 0 : i32
      %dma_start3A_224 = arith.constant 0 : i32
      %dma_start3A_225 = tpu.memref_slice %arg4[%add3A_222, %dma_start3A_223, %dma_start3A_224] : memref<4096x50x128xf32, #tpu.memory_space<hbm>> -> memref<1x50x128xf32, #tpu.memory_space<hbm>>
      %dma_start3A_226 = tpu.memref_squeeze %dma_start3A_225 : memref<1x50x128xf32, #tpu.memory_space<hbm>> -> memref<50x128xf32, #tpu.memory_space<hbm>>
      %dma_start3A_227 = arith.constant 0 : i32
      %dma_start3A_228 = arith.constant 0 : i32
      %dma_start3A_229 = tpu.memref_slice %arg11[%arg1, %dma_start3A_227, %dma_start3A_228] : memref<16x200x128xf32, #tpu.memory_space<vmem_shared>> -> memref<1x50x128xf32, #tpu.memory_space<vmem_shared>>
      %dma_start3A_230 = tpu.memref_squeeze %dma_start3A_229 : memref<1x50x128xf32, #tpu.memory_space<vmem_shared>> -> memref<50x128xf32, #tpu.memory_space<vmem_shared>>
      tpu.enqueue_dma source(%dma_start3A_230 : memref<50x128xf32, #tpu.memory_space<vmem_shared>>) target(%dma_start3A_226 : memref<50x128xf32, #tpu.memory_space<hbm>>) target_semaphore(%arg19 : memref<!tpu.dma_semaphore, #tpu.memory_space<semaphore_mem>>)
      %mul3A_231 = arith.constant 4 : i32
      %mul3A_232 = arith.muli %sub3A_217, %mul3A_231 : i32
      %add3A_233 = arith.addi %mul3A_2, %mul3A_232 : i32
      %add3A_234 = arith.constant 1 : i32
      %add3A_235 = arith.addi %add3A_233, %add3A_234 : i32
      %dma_start3A_236 = arith.constant 0 : i32
      %dma_start3A_237 = arith.constant 0 : i32
      %dma_start3A_238 = tpu.memref_slice %arg4[%add3A_235, %dma_start3A_236, %dma_start3A_237] : memref<4096x50x128xf32, #tpu.memory_space<hbm>> -> memref<1x50x128xf32, #tpu.memory_space<hbm>>
      %dma_start3A_239 = tpu.memref_squeeze %dma_start3A_238 : memref<1x50x128xf32, #tpu.memory_space<hbm>> -> memref<50x128xf32, #tpu.memory_space<hbm>>
      %dma_start3A_240 = arith.constant 50 : i32
      %dma_start3A_241 = arith.constant 0 : i32
      %dma_start3A_242 = tpu.memref_slice %arg11[%arg1, %dma_start3A_240, %dma_start3A_241] : memref<16x200x128xf32, #tpu.memory_space<vmem_shared>> -> memref<1x50x128xf32, #tpu.memory_space<vmem_shared>>
      %dma_start3A_243 = tpu.memref_squeeze %dma_start3A_242 : memref<1x50x128xf32, #tpu.memory_space<vmem_shared>> -> memref<50x128xf32, #tpu.memory_space<vmem_shared>>
      tpu.enqueue_dma source(%dma_start3A_243 : memref<50x128xf32, #tpu.memory_space<vmem_shared>>) target(%dma_start3A_239 : memref<50x128xf32, #tpu.memory_space<hbm>>) target_semaphore(%arg19 : memref<!tpu.dma_semaphore, #tpu.memory_space<semaphore_mem>>)
      %mul3A_244 = arith.constant 4 : i32
      %mul3A_245 = arith.muli %sub3A_217, %mul3A_244 : i32
      %add3A_246 = arith.addi %mul3A_2, %mul3A_245 : i32
      %add3A_247 = arith.constant 2 : i32
      %add3A_248 = arith.addi %add3A_246, %add3A_247 : i32
      %dma_start3A_249 = arith.constant 0 : i32
      %dma_start3A_250 = arith.constant 0 : i32
      %dma_start3A_251 = tpu.memref_slice %arg4[%add3A_248, %dma_start3A_249, %dma_start3A_250] : memref<4096x50x128xf32, #tpu.memory_space<hbm>> -> memref<1x50x128xf32, #tpu.memory_space<hbm>>
      %dma_start3A_252 = tpu.memref_squeeze %dma_start3A_251 : memref<1x50x128xf32, #tpu.memory_space<hbm>> -> memref<50x128xf32, #tpu.memory_space<hbm>>
      %dma_start3A_253 = arith.constant 100 : i32
      %dma_start3A_254 = arith.constant 0 : i32
      %dma_start3A_255 = tpu.memref_slice %arg11[%arg1, %dma_start3A_253, %dma_start3A_254] : memref<16x200x128xf32, #tpu.memory_space<vmem_shared>> -> memref<1x50x128xf32, #tpu.memory_space<vmem_shared>>
      %dma_start3A_256 = tpu.memref_squeeze %dma_start3A_255 : memref<1x50x128xf32, #tpu.memory_space<vmem_shared>> -> memref<50x128xf32, #tpu.memory_space<vmem_shared>>
      tpu.enqueue_dma source(%dma_start3A_256 : memref<50x128xf32, #tpu.memory_space<vmem_shared>>) target(%dma_start3A_252 : memref<50x128xf32, #tpu.memory_space<hbm>>) target_semaphore(%arg19 : memref<!tpu.dma_semaphore, #tpu.memory_space<semaphore_mem>>)
      %mul3A_257 = arith.constant 4 : i32
      %mul3A_258 = arith.muli %sub3A_217, %mul3A_257 : i32
      %add3A_259 = arith.addi %mul3A_2, %mul3A_258 : i32
      %add3A_260 = arith.constant 3 : i32
      %add3A_261 = arith.addi %add3A_259, %add3A_260 : i32
      %dma_start3A_262 = arith.constant 0 : i32
      %dma_start3A_263 = arith.constant 0 : i32
      %dma_start3A_264 = tpu.memref_slice %arg4[%add3A_261, %dma_start3A_262, %dma_start3A_263] : memref<4096x50x128xf32, #tpu.memory_space<hbm>> -> memref<1x50x128xf32, #tpu.memory_space<hbm>>
      %dma_start3A_265 = tpu.memref_squeeze %dma_start3A_264 : memref<1x50x128xf32, #tpu.memory_space<hbm>> -> memref<50x128xf32, #tpu.memory_space<hbm>>
      %dma_start3A_266 = arith.constant 150 : i32
      %dma_start3A_267 = arith.constant 0 : i32
      %dma_start3A_268 = tpu.memref_slice %arg11[%arg1, %dma_start3A_266, %dma_start3A_267] : memref<16x200x128xf32, #tpu.memory_space<vmem_shared>> -> memref<1x50x128xf32, #tpu.memory_space<vmem_shared>>
      %dma_start3A_269 = tpu.memref_squeeze %dma_start3A_268 : memref<1x50x128xf32, #tpu.memory_space<vmem_shared>> -> memref<50x128xf32, #tpu.memory_space<vmem_shared>>
      tpu.enqueue_dma source(%dma_start3A_269 : memref<50x128xf32, #tpu.memory_space<vmem_shared>>) target(%dma_start3A_265 : memref<50x128xf32, #tpu.memory_space<hbm>>) target_semaphore(%arg19 : memref<!tpu.dma_semaphore, #tpu.memory_space<semaphore_mem>>)
    } else {
    }
    %add3A_72 = arith.constant 31 : i32
    %add3A_73 = arith.constant 2 : i32
    %add3A_74 = arith.addi %add3A_72, %add3A_73 : i32
    %lt3A_75 = arith.constant 32 : i32
    %lt3A_76 = arith.cmpi slt, %add3A_74, %lt3A_75 : i32
    %convert_element_type3A_77 = arith.extui %lt3A_76 : i1 to i32
    %cond3A_78 = arith.constant 31 : i32
    %cond3A_79 = arith.constant 0 : i32
    %cond3A_80 = arith.cmpi ne, %convert_element_type3A_77, %cond3A_79 : i32
    scf.if %cond3A_80 {
      %add3A_209 = arith.constant 2 : i32
      %add3A_210 = arith.addi %cond3A_78, %add3A_209 : i32
      %mul3A_211 = arith.constant 4 : i32
      %mul3A_212 = arith.muli %add3A_210, %mul3A_211 : i32
      %add3A_213 = arith.addi %mul3A_2, %mul3A_212 : i32
      %mul3A_214 = arith.constant 50 : i32
      %mul3A_215 = arith.muli %add3A_213, %mul3A_214 : i32
      "tpu.region"() ({
        %run_scoped3A = tpu.sem_alloc : memref<!tpu.dma_semaphore, #tpu.memory_space<semaphore_mem>>
        %dma_start3A_219 = tpu.memref_slice %arg3[%mul3A_215] : memref<204800xi32, #tpu.memory_space<hbm>> -> memref<200xi32, #tpu.memory_space<hbm>>
        %dma_start3A_220 = tpu.memref_slice %arg3[%mul3A_215] : memref<204800xi32, #tpu.memory_space<hbm>> -> memref<200xi32, #tpu.memory_space<hbm>>
        tpu.enqueue_dma source(%dma_start3A_220 : memref<200xi32, #tpu.memory_space<hbm>>) target(%arg5 : memref<200xi32, #tpu.memory_space<vmem>>) target_semaphore(%run_scoped3A : memref<!tpu.dma_semaphore, #tpu.memory_space<semaphore_mem>>)
        %dma_wait3A_221 = tpu.memref_slice %arg3[%mul3A_215] : memref<204800xi32, #tpu.memory_space<hbm>> -> memref<200xi32, #tpu.memory_space<hbm>>
        %dma_wait3A_222 = tpu.memref_slice %arg3[%mul3A_215] : memref<204800xi32, #tpu.memory_space<hbm>> -> memref<200xi32, #tpu.memory_space<hbm>>
        tpu.wait_dma2 semaphore(%run_scoped3A : memref<!tpu.dma_semaphore, #tpu.memory_space<semaphore_mem>>) src(%dma_wait3A_222 : memref<200xi32, #tpu.memory_space<hbm>>) dst(%arg5 : memref<200xi32, #tpu.memory_space<vmem>>)
        tpu.yield
      }) : () -> ()
      %dma_start3A_216 = arith.constant 0 : i32
      %dma_start3A_217 = arith.constant 0 : i32
      %dma_start3A_218 = tpu.memref_slice %arg2[%dma_start3A_216, %dma_start3A_217] : memref<100000x128xf32, #tpu.memory_space<hbm>> -> memref<100000x128xf32, #tpu.memory_space<hbm>>
      tpu.enqueue_indirect_dma source(%dma_start3A_218 : memref<100000x128xf32, #tpu.memory_space<hbm>>) target(%arg8 : memref<200x128xf32, #tpu.memory_space<vmem>>) offsets(%arg5 : memref<200xi32, #tpu.memory_space<vmem>>) semaphore(%arg13 : memref<!tpu.dma_semaphore, #tpu.memory_space<semaphore_mem>>)
    } else {
    }
    %dma_wait3A_81 = arith.constant 0 : i32
    %dma_wait3A_82 = arith.constant 0 : i32
    %dma_wait3A_83 = tpu.memref_slice %arg12[%arg1, %dma_wait3A_81, %dma_wait3A_82] : memref<16x200x128xf32, #tpu.memory_space<vmem_shared>> -> memref<1x200x128xf32, #tpu.memory_space<vmem_shared>>
    %dma_wait3A_84 = tpu.memref_squeeze %dma_wait3A_83 : memref<1x200x128xf32, #tpu.memory_space<vmem_shared>> -> memref<200x128xf32, #tpu.memory_space<vmem_shared>>
    %dma_wait3A_85 = arith.constant 0 : i32
    %dma_wait3A_86 = arith.constant 0 : i32
    %dma_wait3A_87 = tpu.memref_slice %arg12[%arg1, %dma_wait3A_85, %dma_wait3A_86] : memref<16x200x128xf32, #tpu.memory_space<vmem_shared>> -> memref<1x200x128xf32, #tpu.memory_space<vmem_shared>>
    %dma_wait3A_88 = tpu.memref_squeeze %dma_wait3A_87 : memref<1x200x128xf32, #tpu.memory_space<vmem_shared>> -> memref<200x128xf32, #tpu.memory_space<vmem_shared>>
    tpu.wait_dma2 semaphore(%arg17 : memref<!tpu.dma_semaphore, #tpu.memory_space<semaphore_mem>>) src(%arg9 : memref<200x128xf32, #tpu.memory_space<vmem>>) dst(%dma_wait3A_88 : memref<200x128xf32, #tpu.memory_space<vmem_shared>>)
    %mul3A_89 = arith.constant 31 : i32
    %mul3A_90 = arith.constant 4 : i32
    %mul3A_91 = arith.muli %mul3A_89, %mul3A_90 : i32
    %add3A_92 = arith.addi %mul3A_2, %mul3A_91 : i32
    %add3A_93 = arith.constant 0 : i32
    %add3A_94 = arith.addi %add3A_92, %add3A_93 : i32
    %dma_start3A_95 = arith.constant 0 : i32
    %dma_start3A_96 = arith.constant 0 : i32
    %dma_start3A_97 = tpu.memref_slice %arg4[%add3A_94, %dma_start3A_95, %dma_start3A_96] : memref<4096x50x128xf32, #tpu.memory_space<hbm>> -> memref<1x50x128xf32, #tpu.memory_space<hbm>>
    %dma_start3A_98 = tpu.memref_squeeze %dma_start3A_97 : memref<1x50x128xf32, #tpu.memory_space<hbm>> -> memref<50x128xf32, #tpu.memory_space<hbm>>
    %dma_start3A_99 = arith.constant 0 : i32
    %dma_start3A_100 = arith.constant 0 : i32
    %dma_start3A_101 = tpu.memref_slice %arg12[%arg1, %dma_start3A_99, %dma_start3A_100] : memref<16x200x128xf32, #tpu.memory_space<vmem_shared>> -> memref<1x50x128xf32, #tpu.memory_space<vmem_shared>>
    %dma_start3A_102 = tpu.memref_squeeze %dma_start3A_101 : memref<1x50x128xf32, #tpu.memory_space<vmem_shared>> -> memref<50x128xf32, #tpu.memory_space<vmem_shared>>
    tpu.enqueue_dma source(%dma_start3A_102 : memref<50x128xf32, #tpu.memory_space<vmem_shared>>) target(%dma_start3A_98 : memref<50x128xf32, #tpu.memory_space<hbm>>) target_semaphore(%arg20 : memref<!tpu.dma_semaphore, #tpu.memory_space<semaphore_mem>>)
    %mul3A_103 = arith.constant 31 : i32
    %mul3A_104 = arith.constant 4 : i32
    %mul3A_105 = arith.muli %mul3A_103, %mul3A_104 : i32
    %add3A_106 = arith.addi %mul3A_2, %mul3A_105 : i32
    %add3A_107 = arith.constant 1 : i32
    %add3A_108 = arith.addi %add3A_106, %add3A_107 : i32
    %dma_start3A_109 = arith.constant 0 : i32
    %dma_start3A_110 = arith.constant 0 : i32
    %dma_start3A_111 = tpu.memref_slice %arg4[%add3A_108, %dma_start3A_109, %dma_start3A_110] : memref<4096x50x128xf32, #tpu.memory_space<hbm>> -> memref<1x50x128xf32, #tpu.memory_space<hbm>>
    %dma_start3A_112 = tpu.memref_squeeze %dma_start3A_111 : memref<1x50x128xf32, #tpu.memory_space<hbm>> -> memref<50x128xf32, #tpu.memory_space<hbm>>
    %dma_start3A_113 = arith.constant 50 : i32
    %dma_start3A_114 = arith.constant 0 : i32
    %dma_start3A_115 = tpu.memref_slice %arg12[%arg1, %dma_start3A_113, %dma_start3A_114] : memref<16x200x128xf32, #tpu.memory_space<vmem_shared>> -> memref<1x50x128xf32, #tpu.memory_space<vmem_shared>>
    %dma_start3A_116 = tpu.memref_squeeze %dma_start3A_115 : memref<1x50x128xf32, #tpu.memory_space<vmem_shared>> -> memref<50x128xf32, #tpu.memory_space<vmem_shared>>
    tpu.enqueue_dma source(%dma_start3A_116 : memref<50x128xf32, #tpu.memory_space<vmem_shared>>) target(%dma_start3A_112 : memref<50x128xf32, #tpu.memory_space<hbm>>) target_semaphore(%arg20 : memref<!tpu.dma_semaphore, #tpu.memory_space<semaphore_mem>>)
    %mul3A_117 = arith.constant 31 : i32
    %mul3A_118 = arith.constant 4 : i32
    %mul3A_119 = arith.muli %mul3A_117, %mul3A_118 : i32
    %add3A_120 = arith.addi %mul3A_2, %mul3A_119 : i32
    %add3A_121 = arith.constant 2 : i32
    %add3A_122 = arith.addi %add3A_120, %add3A_121 : i32
    %dma_start3A_123 = arith.constant 0 : i32
    %dma_start3A_124 = arith.constant 0 : i32
    %dma_start3A_125 = tpu.memref_slice %arg4[%add3A_122, %dma_start3A_123, %dma_start3A_124] : memref<4096x50x128xf32, #tpu.memory_space<hbm>> -> memref<1x50x128xf32, #tpu.memory_space<hbm>>
    %dma_start3A_126 = tpu.memref_squeeze %dma_start3A_125 : memref<1x50x128xf32, #tpu.memory_space<hbm>> -> memref<50x128xf32, #tpu.memory_space<hbm>>
    %dma_start3A_127 = arith.constant 100 : i32
    %dma_start3A_128 = arith.constant 0 : i32
    %dma_start3A_129 = tpu.memref_slice %arg12[%arg1, %dma_start3A_127, %dma_start3A_128] : memref<16x200x128xf32, #tpu.memory_space<vmem_shared>> -> memref<1x50x128xf32, #tpu.memory_space<vmem_shared>>
    %dma_start3A_130 = tpu.memref_squeeze %dma_start3A_129 : memref<1x50x128xf32, #tpu.memory_space<vmem_shared>> -> memref<50x128xf32, #tpu.memory_space<vmem_shared>>
    tpu.enqueue_dma source(%dma_start3A_130 : memref<50x128xf32, #tpu.memory_space<vmem_shared>>) target(%dma_start3A_126 : memref<50x128xf32, #tpu.memory_space<hbm>>) target_semaphore(%arg20 : memref<!tpu.dma_semaphore, #tpu.memory_space<semaphore_mem>>)
    %mul3A_131 = arith.constant 31 : i32
    %mul3A_132 = arith.constant 4 : i32
    %mul3A_133 = arith.muli %mul3A_131, %mul3A_132 : i32
    %add3A_134 = arith.addi %mul3A_2, %mul3A_133 : i32
    %add3A_135 = arith.constant 3 : i32
    %add3A_136 = arith.addi %add3A_134, %add3A_135 : i32
    %dma_start3A_137 = arith.constant 0 : i32
    %dma_start3A_138 = arith.constant 0 : i32
    %dma_start3A_139 = tpu.memref_slice %arg4[%add3A_136, %dma_start3A_137, %dma_start3A_138] : memref<4096x50x128xf32, #tpu.memory_space<hbm>> -> memref<1x50x128xf32, #tpu.memory_space<hbm>>
    %dma_start3A_140 = tpu.memref_squeeze %dma_start3A_139 : memref<1x50x128xf32, #tpu.memory_space<hbm>> -> memref<50x128xf32, #tpu.memory_space<hbm>>
    %dma_start3A_141 = arith.constant 150 : i32
    %dma_start3A_142 = arith.constant 0 : i32
    %dma_start3A_143 = tpu.memref_slice %arg12[%arg1, %dma_start3A_141, %dma_start3A_142] : memref<16x200x128xf32, #tpu.memory_space<vmem_shared>> -> memref<1x50x128xf32, #tpu.memory_space<vmem_shared>>
    %dma_start3A_144 = tpu.memref_squeeze %dma_start3A_143 : memref<1x50x128xf32, #tpu.memory_space<vmem_shared>> -> memref<50x128xf32, #tpu.memory_space<vmem_shared>>
    tpu.enqueue_dma source(%dma_start3A_144 : memref<50x128xf32, #tpu.memory_space<vmem_shared>>) target(%dma_start3A_140 : memref<50x128xf32, #tpu.memory_space<hbm>>) target_semaphore(%arg20 : memref<!tpu.dma_semaphore, #tpu.memory_space<semaphore_mem>>)
    %dma_wait3A_145 = arith.constant 0 : i32
    %dma_wait3A_146 = arith.constant 0 : i32
    %dma_wait3A_147 = tpu.memref_slice %arg4[%mul3A_2, %dma_wait3A_145, %dma_wait3A_146] : memref<4096x50x128xf32, #tpu.memory_space<hbm>> -> memref<1x50x128xf32, #tpu.memory_space<hbm>>
    %dma_wait3A_148 = tpu.memref_squeeze %dma_wait3A_147 : memref<1x50x128xf32, #tpu.memory_space<hbm>> -> memref<50x128xf32, #tpu.memory_space<hbm>>
    %dma_wait3A_149 = arith.constant 0 : i32
    %dma_wait3A_150 = arith.constant 0 : i32
    %dma_wait3A_151 = tpu.memref_slice %arg11[%arg1, %dma_wait3A_149, %dma_wait3A_150] : memref<16x200x128xf32, #tpu.memory_space<vmem_shared>> -> memref<1x50x128xf32, #tpu.memory_space<vmem_shared>>
    %dma_wait3A_152 = tpu.memref_squeeze %dma_wait3A_151 : memref<1x50x128xf32, #tpu.memory_space<vmem_shared>> -> memref<50x128xf32, #tpu.memory_space<vmem_shared>>
    tpu.wait_dma2 semaphore(%arg19 : memref<!tpu.dma_semaphore, #tpu.memory_space<semaphore_mem>>) src(%dma_wait3A_152 : memref<50x128xf32, #tpu.memory_space<vmem_shared>>) dst(%dma_wait3A_148 : memref<50x128xf32, #tpu.memory_space<hbm>>)
    %dma_wait3A_153 = arith.constant 0 : i32
    %dma_wait3A_154 = arith.constant 0 : i32
    %dma_wait3A_155 = tpu.memref_slice %arg4[%mul3A_2, %dma_wait3A_153, %dma_wait3A_154] : memref<4096x50x128xf32, #tpu.memory_space<hbm>> -> memref<1x50x128xf32, #tpu.memory_space<hbm>>
    %dma_wait3A_156 = tpu.memref_squeeze %dma_wait3A_155 : memref<1x50x128xf32, #tpu.memory_space<hbm>> -> memref<50x128xf32, #tpu.memory_space<hbm>>
    %dma_wait3A_157 = arith.constant 50 : i32
    %dma_wait3A_158 = arith.constant 0 : i32
    %dma_wait3A_159 = tpu.memref_slice %arg11[%arg1, %dma_wait3A_157, %dma_wait3A_158] : memref<16x200x128xf32, #tpu.memory_space<vmem_shared>> -> memref<1x50x128xf32, #tpu.memory_space<vmem_shared>>
    %dma_wait3A_160 = tpu.memref_squeeze %dma_wait3A_159 : memref<1x50x128xf32, #tpu.memory_space<vmem_shared>> -> memref<50x128xf32, #tpu.memory_space<vmem_shared>>
    tpu.wait_dma2 semaphore(%arg19 : memref<!tpu.dma_semaphore, #tpu.memory_space<semaphore_mem>>) src(%dma_wait3A_160 : memref<50x128xf32, #tpu.memory_space<vmem_shared>>) dst(%dma_wait3A_156 : memref<50x128xf32, #tpu.memory_space<hbm>>)
    %dma_wait3A_161 = arith.constant 0 : i32
    %dma_wait3A_162 = arith.constant 0 : i32
    %dma_wait3A_163 = tpu.memref_slice %arg4[%mul3A_2, %dma_wait3A_161, %dma_wait3A_162] : memref<4096x50x128xf32, #tpu.memory_space<hbm>> -> memref<1x50x128xf32, #tpu.memory_space<hbm>>
    %dma_wait3A_164 = tpu.memref_squeeze %dma_wait3A_163 : memref<1x50x128xf32, #tpu.memory_space<hbm>> -> memref<50x128xf32, #tpu.memory_space<hbm>>
    %dma_wait3A_165 = arith.constant 100 : i32
    %dma_wait3A_166 = arith.constant 0 : i32
    %dma_wait3A_167 = tpu.memref_slice %arg11[%arg1, %dma_wait3A_165, %dma_wait3A_166] : memref<16x200x128xf32, #tpu.memory_space<vmem_shared>> -> memref<1x50x128xf32, #tpu.memory_space<vmem_shared>>
    %dma_wait3A_168 = tpu.memref_squeeze %dma_wait3A_167 : memref<1x50x128xf32, #tpu.memory_space<vmem_shared>> -> memref<50x128xf32, #tpu.memory_space<vmem_shared>>
    tpu.wait_dma2 semaphore(%arg19 : memref<!tpu.dma_semaphore, #tpu.memory_space<semaphore_mem>>) src(%dma_wait3A_168 : memref<50x128xf32, #tpu.memory_space<vmem_shared>>) dst(%dma_wait3A_164 : memref<50x128xf32, #tpu.memory_space<hbm>>)
    %dma_wait3A_169 = arith.constant 0 : i32
    %dma_wait3A_170 = arith.constant 0 : i32
    %dma_wait3A_171 = tpu.memref_slice %arg4[%mul3A_2, %dma_wait3A_169, %dma_wait3A_170] : memref<4096x50x128xf32, #tpu.memory_space<hbm>> -> memref<1x50x128xf32, #tpu.memory_space<hbm>>
    %dma_wait3A_172 = tpu.memref_squeeze %dma_wait3A_171 : memref<1x50x128xf32, #tpu.memory_space<hbm>> -> memref<50x128xf32, #tpu.memory_space<hbm>>
    %dma_wait3A_173 = arith.constant 150 : i32
    %dma_wait3A_174 = arith.constant 0 : i32
    %dma_wait3A_175 = tpu.memref_slice %arg11[%arg1, %dma_wait3A_173, %dma_wait3A_174] : memref<16x200x128xf32, #tpu.memory_space<vmem_shared>> -> memref<1x50x128xf32, #tpu.memory_space<vmem_shared>>
    %dma_wait3A_176 = tpu.memref_squeeze %dma_wait3A_175 : memref<1x50x128xf32, #tpu.memory_space<vmem_shared>> -> memref<50x128xf32, #tpu.memory_space<vmem_shared>>
    tpu.wait_dma2 semaphore(%arg19 : memref<!tpu.dma_semaphore, #tpu.memory_space<semaphore_mem>>) src(%dma_wait3A_176 : memref<50x128xf32, #tpu.memory_space<vmem_shared>>) dst(%dma_wait3A_172 : memref<50x128xf32, #tpu.memory_space<hbm>>)
    %dma_wait3A_177 = arith.constant 0 : i32
    %dma_wait3A_178 = arith.constant 0 : i32
    %dma_wait3A_179 = tpu.memref_slice %arg4[%mul3A_2, %dma_wait3A_177, %dma_wait3A_178] : memref<4096x50x128xf32, #tpu.memory_space<hbm>> -> memref<1x50x128xf32, #tpu.memory_space<hbm>>
    %dma_wait3A_180 = tpu.memref_squeeze %dma_wait3A_179 : memref<1x50x128xf32, #tpu.memory_space<hbm>> -> memref<50x128xf32, #tpu.memory_space<hbm>>
    %dma_wait3A_181 = arith.constant 0 : i32
    %dma_wait3A_182 = arith.constant 0 : i32
    %dma_wait3A_183 = tpu.memref_slice %arg12[%arg1, %dma_wait3A_181, %dma_wait3A_182] : memref<16x200x128xf32, #tpu.memory_space<vmem_shared>> -> memref<1x50x128xf32, #tpu.memory_space<vmem_shared>>
    %dma_wait3A_184 = tpu.memref_squeeze %dma_wait3A_183 : memref<1x50x128xf32, #tpu.memory_space<vmem_shared>> -> memref<50x128xf32, #tpu.memory_space<vmem_shared>>
    tpu.wait_dma2 semaphore(%arg20 : memref<!tpu.dma_semaphore, #tpu.memory_space<semaphore_mem>>) src(%dma_wait3A_184 : memref<50x128xf32, #tpu.memory_space<vmem_shared>>) dst(%dma_wait3A_180 : memref<50x128xf32, #tpu.memory_space<hbm>>)
    %dma_wait3A_185 = arith.constant 0 : i32
    %dma_wait3A_186 = arith.constant 0 : i32
    %dma_wait3A_187 = tpu.memref_slice %arg4[%mul3A_2, %dma_wait3A_185, %dma_wait3A_186] : memref<4096x50x128xf32, #tpu.memory_space<hbm>> -> memref<1x50x128xf32, #tpu.memory_space<hbm>>
    %dma_wait3A_188 = tpu.memref_squeeze %dma_wait3A_187 : memref<1x50x128xf32, #tpu.memory_space<hbm>> -> memref<50x128xf32, #tpu.memory_space<hbm>>
    %dma_wait3A_189 = arith.constant 50 : i32
    %dma_wait3A_190 = arith.constant 0 : i32
    %dma_wait3A_191 = tpu.memref_slice %arg12[%arg1, %dma_wait3A_189, %dma_wait3A_190] : memref<16x200x128xf32, #tpu.memory_space<vmem_shared>> -> memref<1x50x128xf32, #tpu.memory_space<vmem_shared>>
    %dma_wait3A_192 = tpu.memref_squeeze %dma_wait3A_191 : memref<1x50x128xf32, #tpu.memory_space<vmem_shared>> -> memref<50x128xf32, #tpu.memory_space<vmem_shared>>
    tpu.wait_dma2 semaphore(%arg20 : memref<!tpu.dma_semaphore, #tpu.memory_space<semaphore_mem>>) src(%dma_wait3A_192 : memref<50x128xf32, #tpu.memory_space<vmem_shared>>) dst(%dma_wait3A_188 : memref<50x128xf32, #tpu.memory_space<hbm>>)
    %dma_wait3A_193 = arith.constant 0 : i32
    %dma_wait3A_194 = arith.constant 0 : i32
    %dma_wait3A_195 = tpu.memref_slice %arg4[%mul3A_2, %dma_wait3A_193, %dma_wait3A_194] : memref<4096x50x128xf32, #tpu.memory_space<hbm>> -> memref<1x50x128xf32, #tpu.memory_space<hbm>>
    %dma_wait3A_196 = tpu.memref_squeeze %dma_wait3A_195 : memref<1x50x128xf32, #tpu.memory_space<hbm>> -> memref<50x128xf32, #tpu.memory_space<hbm>>
    %dma_wait3A_197 = arith.constant 100 : i32
    %dma_wait3A_198 = arith.constant 0 : i32
    %dma_wait3A_199 = tpu.memref_slice %arg12[%arg1, %dma_wait3A_197, %dma_wait3A_198] : memref<16x200x128xf32, #tpu.memory_space<vmem_shared>> -> memref<1x50x128xf32, #tpu.memory_space<vmem_shared>>
    %dma_wait3A_200 = tpu.memref_squeeze %dma_wait3A_199 : memref<1x50x128xf32, #tpu.memory_space<vmem_shared>> -> memref<50x128xf32, #tpu.memory_space<vmem_shared>>
    tpu.wait_dma2 semaphore(%arg20 : memref<!tpu.dma_semaphore, #tpu.memory_space<semaphore_mem>>) src(%dma_wait3A_200 : memref<50x128xf32, #tpu.memory_space<vmem_shared>>) dst(%dma_wait3A_196 : memref<50x128xf32, #tpu.memory_space<hbm>>)
    %dma_wait3A_201 = arith.constant 0 : i32
    %dma_wait3A_202 = arith.constant 0 : i32
    %dma_wait3A_203 = tpu.memref_slice %arg4[%mul3A_2, %dma_wait3A_201, %dma_wait3A_202] : memref<4096x50x128xf32, #tpu.memory_space<hbm>> -> memref<1x50x128xf32, #tpu.memory_space<hbm>>
    %dma_wait3A_204 = tpu.memref_squeeze %dma_wait3A_203 : memref<1x50x128xf32, #tpu.memory_space<hbm>> -> memref<50x128xf32, #tpu.memory_space<hbm>>
    %dma_wait3A_205 = arith.constant 150 : i32
    %dma_wait3A_206 = arith.constant 0 : i32
    %dma_wait3A_207 = tpu.memref_slice %arg12[%arg1, %dma_wait3A_205, %dma_wait3A_206] : memref<16x200x128xf32, #tpu.memory_space<vmem_shared>> -> memref<1x50x128xf32, #tpu.memory_space<vmem_shared>>
    %dma_wait3A_208 = tpu.memref_squeeze %dma_wait3A_207 : memref<1x50x128xf32, #tpu.memory_space<vmem_shared>> -> memref<50x128xf32, #tpu.memory_space<vmem_shared>>
    tpu.wait_dma2 semaphore(%arg20 : memref<!tpu.dma_semaphore, #tpu.memory_space<semaphore_mem>>) src(%dma_wait3A_208 : memref<50x128xf32, #tpu.memory_space<vmem_shared>>) dst(%dma_wait3A_204 : memref<50x128xf32, #tpu.memory_space<hbm>>)
    return
  }
}

</mosaic_0001>

<sc_bundles>
// kernel: kernel.3.cloned.1.call-start
scs
__scs_entry_jumppad:
0x0: {  	(pc) =	sbr.rel $0x88, $3  }
0x1: {  	(tag) =	ssettag $0x0;
	lr =	simm.s32 $0x1  }
0x2: {  	[smem:$0x3F9F] =	sst lr;
	_ =	strace $0xD0000000  }
0x3: {  	_ = 	snop  }
0x4: {  	_ = 	snop  }
0x5: {  	_ = 	snop  }
0x6: {  	_ = 	snop  }
0x7: {  	_ = 	snop  }
__scs_overlays_trampoline_lowered:
0x8: {  	[smem:$0x3FAE] =	sst s0  }
0x9: {  	[smem:$0x3FAF] =	sst s1  }
0xa: {  	[smem:$0x3FB0] =	sst s2  }
0xb: {  	[smem:$0x3FB1] =	sst s3  }
0xc: {  	[smem:$0x3FB2] =	sst s4  }
0xd: {  	[smem:$0x3FB3] =	sst s5  }
0xe: {  	[smem:$0x3FB4] =	sst s6  }
0xf: {  	[smem:$0x3FB5] =	sst s7  }
0x10: {  	[smem:$0x3FB6] =	sst s8  }
0x11: {  	[smem:$0x3FB7] =	sst s9;
	s0 =	simm.s32 @!p0 $0x0  }
0x12: {  	s1 =	sld [smem:$0x3F9D];
	s0 =	simm.s32 @p0 $0x1  }
0x13: {  	[smem:$0x3FB8] =	sst s0;
	s0 =	simm.s32 @!p1 $0x0  }
0x14: {  	s2 =	sld [smem:$0x3F9C];
	s0 =	simm.s32 @p1 $0x1  }
0x15: {  	[smem:$0x3FB9] =	sst s0;
	s0 =	simm.s32 @!p2 $0x0  }
0x16: {  	s3 =	sld [smem:$0x3FDB];
	s0 =	simm.s32 @p2 $0x1  }
0x17: {  	s4 =	simm.s32 $0x1BF5;
	[smem:$0x3FBB] =	sst s0  }
0x18: {  	s0 =	sld [smem:$0x3F9E];
	_ =	swait.ge [sflag:s4], $0x0  }
0x19: {  	s7 =	sld [smem:$0x3F9F]  }
0x1a: {  	s8 =	sadd.s32 $0xFFFFE003, lr  }
0x1b: {  	s9 =	sadd.s32 $0xFFFFFEF7, lr;
	s5 =	simm.s32 $0xFFFFFFFF;
	p2 =	slt.u32 s8, $0xFFFFF086  }
0x1c: {  	p1 =	slt.u32 s9, $0xF7A;
	s5 =	simm.s32 @!p2 $0x0  }
0x1d: {  	s5 =	simm.s32 @p1 $0x1;
	p0 =	seq.s32 s7, s2  }
0x1e: {  	s7 =	smul.u32 @!p0 $0xF7A, s2;
	p2 =	seq.s32 @!p0 s5, $0x0  }
0x1f: {  	s9 =	smul.u32 $0xF7A, s1;
	s8 =	simm.s32 @!p0 $0x1BF5;
	p2 =	por !p2, p0  }
0x20: {  	[sflag:s8] =	ssyncset.s32 @!p0 $0xFFFFF086;
	s6 =	sadd.s32 @!p0 s3, s7;
	s7 =	simm.s32 @!p0 $0x108  }
0x21: {  	s3 =	sadd.s32 s3, s9;
	s6 =	sadd.s32 @!p0 $0x88, s6;
	s7 =	simm.s32 @p2 $0x1082  }
0x22: {  	[simem:s7], [sflag:s8] =	dma.local @!p0 [hbm:s6], $0xF7A  }
0x23: {  	s9 =	sor.u32 $0xD0000000, s2;
	s6 =	simm.s32 $0x108;
	_ =	swait.ge @!p0 [sflag:s8], $0x0  }
0x24: {  	s3 =	sadd.s32 $0x88, s3;
	s6 =	simm.s32 @!p1 $0x1082;
	[sflag:s4] =	ssyncset.s32 $0xFFFFF086  }
0x25: {  	[simem:s6], [sflag:s4] =	dma.local [hbm:s3], $0xF7A  }
0x26: {  	[smem:$0x3F9F] =	sst s1;
	(tag) =	ssettag s2;
	_ =	strace s9  }
0x27: {  	s1 =	sld [smem:$0x3FAF]  }
0x28: {  	s2 =	sld [smem:$0x3FB0]  }
0x29: {  	s4 =	sld [smem:$0x3FB2]  }
0x2a: {  	p0 =	seq.s32 s5, $0x0;
	s5 =	sld [smem:$0x3FB3]  }
0x2b: {  	s6 =	sld [smem:$0x3FB4]  }
0x2c: {  	s7 =	sld [smem:$0x3FB5]  }
0x2d: {  	s3 =	simm.s32 $0x108;
	s8 =	sld [smem:$0x3FB6]  }
0x2e: {  	s3 =	simm.s32 @!p0 $0x1082;
	s9 =	sld [smem:$0x3FB7]  }
0x2f: {  	lr =	sadd.s32 s0, s3;
	s0 =	sld [smem:$0x3FAE]  }
0x30: {  	s3 =	sld [smem:$0x3FB1]  }
0x31: {  	[smem:$0x3FBA] =	sst s10  }
0x32: {  	s10 =	sld [smem:$0x3FB8];
	_ =	sdelay $0x3  }
0x33: {  	p0 =	seq.s32 s10, $0x1;
	s10 =	sld [smem:$0x3FBA];
	_ =	sdelay $0x3  }
0x34: {  	[smem:$0x3FBA] =	sst s10  }
0x35: {  	s10 =	sld [smem:$0x3FB9];
	_ =	sdelay $0x3  }
0x36: {  	p1 =	seq.s32 s10, $0x1;
	s10 =	sld [smem:$0x3FBA];
	_ =	sdelay $0x3  }
0x37: {  	[smem:$0x3FBA] =	sst s10  }
0x38: {  	s10 =	sld [smem:$0x3FBB]  }
0x39: {  	_ = 	snop;
	(pc) =	sbr.ind lr, $3  }
0x3a: {  	_ = 	snop  }
0x3b: {  	_ = 	snop  }
0x3c: {  	p2 =	seq.s32 s10, $0x1;
	s10 =	sld [smem:$0x3FBA]  }
0x3d: {  	_ =	shalt  }
0x3e: {  	_ =	shalt  }
0x3f: {  	_ =	shalt  }
0x40: {  	_ =	shalt  }
0x41: {  	_ =	shalt  }
0x42: {  	_ =	shalt  }
0x43: {  	_ =	shalt  }
0x44: {  	_ =	shalt  }
0x45: {  	_ =	shalt  }
0x46: {  	_ =	shalt  }
0x47: {  	_ =	shalt  }
0x48: {  	_ =	shalt  }
0x49: {  	_ =	shalt  }
0x4a: {  	_ =	shalt  }
0x4b: {  	_ =	shalt  }
0x4c: {  	_ =	shalt  }
0x4d: {  	_ =	shalt  }
0x4e: {  	_ =	shalt  }
0x4f: {  	_ =	shalt  }
0x50: {  	_ =	shalt  }
0x51: {  	_ =	shalt  }
0x52: {  	_ =	shalt  }
0x53: {  	_ =	shalt  }
0x54: {  	_ =	shalt  }
0x55: {  	_ =	shalt  }
0x56: {  	_ =	shalt  }
0x57: {  	_ =	shalt  }
0x58: {  	_ =	shalt  }
0x59: {  	_ =	shalt  }
0x5a: {  	_ =	shalt  }
0x5b: {  	_ =	shalt  }
0x5c: {  	_ =	shalt  }
0x5d: {  	_ =	shalt  }
0x5e: {  	_ =	shalt  }
0x5f: {  	_ =	shalt  }
0x60: {  	_ =	shalt  }
0x61: {  	_ =	shalt  }
0x62: {  	_ =	shalt  }
0x63: {  	_ =	shalt  }
0x64: {  	_ =	shalt  }
0x65: {  	_ =	shalt  }
0x66: {  	_ =	shalt  }
0x67: {  	_ =	shalt  }
0x68: {  	_ =	shalt  }
0x69: {  	_ =	shalt  }
0x6a: {  	_ =	shalt  }
0x6b: {  	_ =	shalt  }
0x6c: {  	_ =	shalt  }
0x6d: {  	_ =	shalt  }
0x6e: {  	_ =	shalt  }
0x6f: {  	_ =	shalt  }
0x70: {  	_ =	shalt  }
0x71: {  	_ =	shalt  }
0x72: {  	_ =	shalt  }
0x73: {  	_ =	shalt  }
0x74: {  	_ =	shalt  }
0x75: {  	_ =	shalt  }
0x76: {  	_ =	shalt  }
0x77: {  	_ =	shalt  }
0x78: {  	_ =	shalt  }
0x79: {  	_ =	shalt  }
0x7a: {  	_ =	shalt  }
0x7b: {  	_ =	shalt  }
0x7c: {  	_ =	shalt  }
0x7d: {  	_ =	shalt  }
0x7e: {  	_ =	shalt  }
0x7f: {  	_ =	shalt  }
0x80: {  	_ =	shalt  }
0x81: {  	_ =	shalt  }
0x82: {  	_ =	shalt  }
0x83: {  	_ =	shalt  }
0x84: {  	_ =	shalt  }
0x85: {  	_ =	shalt  }
0x86: {  	_ =	shalt  }
0x87: {  	_ =	shalt  }
.Lfunc_end0:
.L_simem_size_0:
called_computation_lowered:
.L_overlay_start_0:
0x88: {  	s2 =	sld [smem:$0x3FD9]  }
0x89: {  	s3 =	sld [smem:$0x3FFE];
	_ =	sdelay $0x1  }
0x8a: {  	s1 =	srdreg.scid  }
0x8b: {  	s0 =	sand.u32 $0x1, s1  }
0x8c: {  	s17 =	sshll.u32 s0, $0xA;
	s2 =	sadd.s32 s3, s2  }
0x8d: {  	s2 =	sadd.s32 s2, s17  }
0x8e: {  	[smem:$0x3FC6] =	sst s2  }
0x8f: {  	_ = 	snop  }
0x90: {  	s2 =	sld [smem:$0x3FC8]  }
0x91: {  	s18 =	sld [smem:$0x3FD0];
	(tm) =	ssettm $0x1  }
0x92: {  	s4 =	sld [smem:$0x3FFB];
	_ =	sdelay $0x3  }
0x93: {  	_ =	strace s4  }
0x94: {  	s4 =	sld [smem:$0x3FFC];
	_ =	sdelay $0x3  }
0x95: {  	_ =	strace s4  }
0x96: {  	s4 =	sld [smem:$0x3FFD];
	_ =	sdelay $0x3  }
0x97: {  	_ =	strace s4  }
0x98: {  	_ =	strace $0x8FFFFFFF  }
0x99: {  	s19 =	sld [smem:$0x3FDB];
	_ =	sdelay $0x1  }
0x9a: {  	s5 =	simm.s32 $_scs_section_size  }
0x9b: {  	s6 =	simm.s32 $_size__tile_overlayer_lowered;
	s7 =	simm.s32 $_tile_overlayer_lowered  }
0x9c: {  	s22 =	simm.s32 $0x1BFF;
	s21 =	sshll.u32 s7, $0x1;
	s4 =	sadd.s32 s5, s19  }
0x9d: {  	s8 =	simm.s32 $0x0;
	s20 =	sshll.u32 s6, $0x1;
	s6 =	sadd.s32 s21, s4  }
0x9e: {  	[timem:s8], [sflag:s22] =	dma.local [hbm:s6], s20  }
0x9f: {  	_ =	swait.ge [sflag:s22], s20  }
0xa0: {  	s5 =	ssub.s32 $0x0, s20;
	[sflag:s22] =	ssyncset.done $0x0  }
0xa1: {  	[sflag:s22] =	ssyncadd.s32 s5;
	_ =	sdelay $0x1  }
0xa2: {  	s23 =	simm.s32 $0x1B8B  }
0xa3: {  	_ =	swait.ge [sflag:s23], $0x1  }
0xa4: {  	[sflag:s23] =	ssyncset.done $0x0  }
0xa5: {  	s25 =	simm.s32 $0x1B8E;
	s24 =	sld [smem:$0x3FFE];
	[sflag:s23] =	ssyncadd.s32 $0xFFFFFFFF  }
0xa6: {  	s26 =	simm.s32 $execute0_lowered;
	[smem:$0x3FD2] =	sst s25  }
0xa7: {  	s6 =	sshll.u32 s26, $0x1;
	_ =	strace $0x80000046;
	[dreg:$0x1] =	wrdreg $0xFFFFFFFF  }
0xa8: {  	s28 =	simm.s32 $_size_execute0_lowered;
	s4 =	sadd.s32 s4, s6;
	[dreg:$0x0] =	wrdreg $0x0  }
0xa9: {  	s6 =	sshll.u32 s28, $0x1;
	[dreg:$0x2] =	wrdreg s4  }
0xaa: {  	[dreg:$0x3] =	wrdreg s6  }
0xab: {  	[dreg:$0x4] =	wrdreg $0xC0  }
0xac: {  	_ =	task [dreg:s8], $0x5FFFF  }
0xad: {  	[dreg:$0x1] =	wrdreg $0xFFFFFFFF  }
0xae: {  	[dreg:$0x0] =	wrdreg $0x60  }
0xaf: {  	[dreg:$0x2] =	wrdreg s2  }
0xb0: {  	[dreg:$0x3] =	wrdreg s18  }
0xb1: {  	[dreg:$0x4] =	wrdreg s24  }
0xb2: {  	[dreg:$0x5] =	wrdreg $0x12F000  }
0xb3: {  	[dreg:$0x6] =	wrdreg $0x193000  }
0xb4: {  	[dreg:$0x7] =	wrdreg $0x9  }
0xb5: {  	_ =	task.clear_ibuf [dreg:s8], $0x8FFFF;
	_ =	strace $0x90000046  }
0xb6: {  	s29 =	simm.s32 $0x9;
	_ =	strace $0x80000048  }
0xb7: {  	_ =	swait.ge [sflag:s29], $0x1  }
0xb8: {  	[sflag:s29] =	ssyncadd.s32 $0xFFFFFFFF  }
0xb9: {  	_ =	strace $0x90000048  }
0xba: {  	_ =	sfence  }
0xbb: {  	s30 =	sld [smem:$0x0];
	_ =	sdelay $0x2  }
0xbc: {  	s31 =	sshll.u32 s1, $0xD;
	s1 =	sshrl.u32 s1, $0x2  }
0xbd: {  	s3 =	sand.u32 $0x4000, s31;
	s1 =	sadd.s32 s1, s30  }
0xbe: {  	s0 =	sor.u32 s3, s0;
	s1 =	sshll.u32 s1, $0x11  }
0xbf: {  	s0 =	sor.u32 s1, s0  }
0xc0: {  	s0 =	sadd.s32 $0x8F2B, s0  }
0xc1: {  	[sflag:s0] =	ssyncadd.remote.s32 $0x1  }
0xc2: {  	_ =	sfence.sel $0xFFFF  }
0xc3: {  	[dreg:$0x0] =	wrdreg $0xFFFFFFFF;
	(pc) =	sbr.abs _section_cstart, $3  }
0xc4: {  	[dreg:$0x1] =	wrdreg $0xFFFFFFFF  }
0xc5: {  	_ =	task.clear_ibuf [dreg:s8], $0x2FFFF;
	_ =	strace $0x9FFFFFFF  }
0xc6: {  	(tm) =	ssettm $0x7FFFFFFF  }
0xc7: {  	_ =	shalt  }
tec
execute0_lowered:
.L_overlay_start_1:
0x0: {  	(tag) =	ssettag $0x1  }
0x1: {  	s1 =	rddreg [dreg:$0x1]  }
0x2: {  	s0 =	rddreg [dreg:$0x2]  }
0x3: {  	s3 =	rddreg [dreg:$0x3]  }
0x4: {  	s5 =	rddreg [dreg:$0x4]  }
0x5: {  	s4 =	srdreg.scid;
	s2 =	simm.s32 $0x0;
	s10 =	stileid.u32  }
0x6: {  	s7 =	sand.u32 $0x1, s4;
	[smem:$0x7FF] =	sst s2;
	s13 =	smul.u32 $0x6400, s10  }
0x7: {  	s6 =	sshll.u32 s7, $0x4;
	s8 =	ssub.s32 $0x2, s7;
	_ =	strace $0x80000047  }
0x8: {  	s11 =	sor.u32 s10, s6;
	s9 =	sshrl.u32 s8, $0x1;
	s4 =	sadd.s32 s13, s3  }
0x9: {  	s12 =	ssub.s32 s8, s9;
	s8 =	sadd.s32 s13, s5;
	[dreg:$0xe] =	wrdreg s4  }
0xa: {  	s22 =	sshll.u32 s11, $0x7;
	[dreg:$0xf] =	wrdreg s8  }
0xb: {  	s9 =	sadd.s32 $0x780, s0;
	[dreg:$0x10] =	wrdreg s22  }
0xc: {  	s15 =	sor.u32 $0x8, s22;
	[dreg:$0x18] =	wrdreg s9  }
0xd: {  	s17 =	sor.u32 $0xC, s22;
	[dreg:$0x6] =	wrdreg s15  }
0xe: {  	s26 =	sadd.s32 $0x400, s0;
	s18 =	sor.u32 $0x10, s22;
	[dreg:$0x7] =	wrdreg s17  }
0xf: {  	s21 =	sadd.s32 $0x1900, s13;
	s19 =	sor.u32 $0x14, s22;
	[dreg:$0x8] =	wrdreg s18  }
0x10: {  	s16 =	smul.u32 $0x320, s11;
	s14 =	sor.u32 $0x18, s22;
	[dreg:$0x9] =	wrdreg s19  }
0x11: {  	s0 =	sadd.s32 s21, s3;
	s20 =	sor.u32 $0x1C, s22;
	[dreg:$0xa] =	wrdreg s14  }
0x12: {  	s11 =	smul.u32 $0xE0000, s11;
	s0 =	sshrl.u32 s0, $0x3;
	[dreg:$0xb] =	wrdreg s20  }
0x13: {  	s1 =	sadd.s32 s1, s16;
	s19 =	smax.u32 s12, $0x1;
	[smem:$0x7FA] =	sst s0  }
0x14: {  	s11 =	sshrl.u32 s11, $0x3;
	s20 =	sadd.s32 $0x1900, s4;
	[smem:$0x7F6] =	sst s19  }
0x15: {  	s12 =	sshrl.u32 s20, $0x3;
	[dreg:$0x1f] =	wrdreg s1;
	s20 =	sadd.s32 $0x1900, s8  }
0x16: {  	s11 =	sadd.s32 s26, s11;
	[dreg:$0x17] =	wrdreg s20  }
0x17: {  	s7 =	smul.u32 $0xE00000, s7;
	s23 =	sadd.s32 $0x19600, s11;
	[dreg:$0x19] =	wrdreg s12  }
0x18: {  	s15 =	sadd.s32 $0x3200, s13;
	s24 =	sadd.s32 $0x19980, s11;
	[smem:$0x7EA] =	sst s23  }
0x19: {  	s13 =	sadd.s32 $0x4B00, s13;
	s25 =	sadd.s32 $0x19D00, s11;
	[smem:$0x7EB] =	sst s24  }
0x1a: {  	s17 =	smul.u32 $0xE0000, s10;
	s28 =	sadd.s32 $0x1A080, s11;
	[smem:$0x7EC] =	sst s25  }
0x1b: {  	s14 =	sadd.s32 s21, s5;
	s29 =	sadd.s32 $0x1A400, s11;
	[smem:$0x7ED] =	sst s28  }
0x1c: {  	s6 =	sadd.s32 s15, s3;
	s30 =	sadd.s32 $0x1A780, s11;
	[smem:$0x7EE] =	sst s29  }
0x1d: {  	s3 =	sadd.s32 s13, s3;
	s7 =	sadd.s32 s17, s7;
	[smem:$0x7EF] =	sst s30  }
0x1e: {  	s15 =	sadd.s32 s15, s5;
	s31 =	sadd.s32 $0x1AB00, s11;
	[dreg:$0xc] =	wrdreg s7  }
0x1f: {  	s5 =	sadd.s32 s13, s5;
	s13 =	sadd.s32 $0x1B200, s11;
	[smem:$0x7F0] =	sst s31  }
0x20: {  	s16 =	sadd.s32 $0x1B580, s11;
	[smem:$0x7F2] =	sst s13  }
0x21: {  	s17 =	sadd.s32 $0x1B900, s11;
	[smem:$0x7F3] =	sst s16  }
0x22: {  	s18 =	sadd.s32 $0x1BC80, s11;
	[smem:$0x7F4] =	sst s17  }
0x23: {  	s7 =	sadd.s32 $0x1AE80, s11;
	[smem:$0x7F5] =	sst s18  }
0x24: {  	s24 =	sshrl.u32 s14, $0x3;
	[smem:$0x7F1] =	sst s7  }
0x25: {  	s25 =	sshrl.u32 s15, $0x3;
	[smem:$0x7F7] =	sst s24  }
0x26: {  	s28 =	sshrl.u32 s5, $0x3;
	[smem:$0x7F8] =	sst s25  }
0x27: {  	s29 =	sshrl.u32 s6, $0x3;
	[smem:$0x7F9] =	sst s28  }
0x28: {  	s30 =	sshrl.u32 s3, $0x3;
	[smem:$0x7FB] =	sst s29  }
0x29: {  	s21 =	sadd.s32 $0x3200, s4;
	s31 =	sadd.s32 $0x19, s1;
	[smem:$0x7FC] =	sst s30  }
0x2a: {  	s11 =	sshrl.u32 s21, $0x3;
	s21 =	sadd.s32 $0x3200, s8;
	[smem:$0x7FD] =	sst s31  }
0x2b: {  	[dreg:$0xd] =	wrdreg s21  }
0x2c: {  	s23 =	sadd.s32 $0x4B00, s4;
	s6 =	sadd.s32 $0x4B00, s8;
	[dreg:$0x1a] =	wrdreg s11  }
0x2d: {  	s4 =	sshrl.u32 s23, $0x3;
	[dreg:$0x1c] =	wrdreg s6  }
0x2e: {  	s0 =	simm.s32 $0x0;
	[dreg:$0x1b] =	wrdreg s4  }
.LBB2_1:
0x2f: {  	[smem:$0x7E9] =	sst s0  }
0x30: {  	s1 =	rddreg [dreg:$0x1f];
	s18 =	simm.s32 $0x0;
	s24 =	simm.s32 $0x9  }
0x31: {  	[tilespmem:s18], [sflag:$0x9] =	stream.linear.gather [hbm4b:s1+s18], $0xC8, $0x38;
	[tilespmem:$0x1F700] =	vst v63  }
0x32: {  	_ =	swait.ge [sflag:s24], $0xC8  }
0x33: {  	[sflag:s24] =	ssyncset.done $0x0  }
0x34: {  	s23 =	sld [smem:$0x7FD];
	[sflag:s24] =	ssyncadd.s32 $0xFFFFFF38  }
0x35: {  	s19 =	simm.s32 $0xC8;
	s2 =	simm.s32 $0x300;
	s3 =	rddreg [dreg:$0x0]  }
0x36: {  	[tilespmem:s2], [sflag:$0x1] =	stream.indirect.gather [hbm4b:s3+s19], $0x80, s18, s19, $0xb8;
	[tilespmem:$0x1F700] =	vst v63  }
0x37: {  	s25 =	simm.s32 $0x100  }
0x38: {  	[tilespmem:s25], [sflag:$0x9] =	stream.linear.gather [hbm4b:s23+s18], $0xC8, $0x38;
	[tilespmem:$0x1F700] =	vst v63  }
0x39: {  	_ =	swait.ge [sflag:s24], $0xC8  }
0x3a: {  	[sflag:s24] =	ssyncset.done $0x0  }
0x3b: {  	s5 =	simm.s32 $0x1;
	s23 =	simm.s32 $0x6700;
	[sflag:s24] =	ssyncadd.s32 $0xFFFFFF38  }
0x3c: {  	[tilespmem:s23], [sflag:$0x2] =	stream.indirect.gather [hbm4b:s3+s19], $0x80, s25, s19, $0xb8;
	[tilespmem:$0x1F700] =	vst v63  }
0x3d: {  	_ =	swait.ge [sflag:s5], $0x6400  }
0x3e: {  	p0 =	por $0x0, $0x0;
	[sflag:s5] =	ssyncset.done $0x0  }
0x3f: {  	s25 =	smov.u32 s3;
	s3 =	simm.s32 @p0 $0x7;
	[sflag:s5] =	ssyncadd.s32 $0xFFFF9C00  }
0x40: {  	_ =	swait.ge @p0 [sflag:s3], $0x320  }
0x41: {  	[sflag:s3] =	ssyncset.done @p0 $0x0  }
0x42: {  	[sflag:s3] =	ssyncadd.s32 @p0 $0xFFFFFCE0  }
0x43: {  	_ =	swait.ge @p0 [sflag:s3], $0x320  }
0x44: {  	[sflag:s3] =	ssyncset.done @p0 $0x0  }
0x45: {  	[sflag:s3] =	ssyncadd.s32 @p0 $0xFFFFFCE0  }
0x46: {  	_ =	swait.ge @p0 [sflag:s3], $0x320  }
0x47: {  	[sflag:s3] =	ssyncset.done @p0 $0x0  }
0x48: {  	[sflag:s3] =	ssyncadd.s32 @p0 $0xFFFFFCE0  }
0x49: {  	_ =	swait.ge @p0 [sflag:s3], $0x320  }
0x4a: {  	s8 =	smov.u32 s9;
	s5 =	simm.s32 @p0 $0x6;
	[sflag:s3] =	ssyncset.done @p0 $0x0  }
0x4b: {  	s9 =	rddreg [dreg:$0xe];
	[sflag:s3] =	ssyncadd.s32 @p0 $0xFFFFFCE0;
	s3 =	simm.s32 @p0 $0x300  }
0x4c: {  	[spmem:s9] =	stream.linear.scatter @p0 [tilespmem:s3], [sflag:$0x4], $0x6400, $0x38;
	[tilespmem:$0x1F700] =	vst v63  }
0x4d: {  	s7 =	sshll.u32 @p0 s10, $0x6;
	s13 =	sshrl.u32 @p0 s21, $0x3;
	_ =	swait.ge @p0 [sflag:s5], $0x6400  }
0x4e: {  	s14 =	sshrl.u32 @p0 s6, $0x3;
	[sflag:s5] =	ssyncset.done @p0 $0x0;
	s3 =	rddreg [dreg:$0xc]  }
0x4f: {  	s7 =	sor.u32 @p0 $0x1C08, s7;
	s15 =	rddreg [dreg:$0xf];
	[sflag:s5] =	ssyncadd.s32 @p0 $0xFFFF9C00  }
0x50: {  	s5 =	sshrl.u32 @p0 s20, $0x3;
	s3 =	sadd.s32 @p0 $0x0, s3;
	s17 =	sshrl.u32 @p0 s15, $0x3  }
0x51: {  	s18 =	sadd.s32 @p0 $0xFFFF9000, s3;
	s19 =	sadd.s32 @p0 $0xFFFFC800, s3;
	s21 =	sadd.s32 @p0 $0xFFFFE400, s3  }
0x52: {  	s3 =	sadd.s32 @p0 $0xFFFFAC00, s3;
	s18 =	sshrl.u32 @p0 s18, $0x3;
	s19 =	sshrl.u32 @p0 s19, $0x3  }
0x53: {  	s3 =	sshrl.u32 @p0 s3, $0x3;
	s21 =	sshrl.u32 @p0 s21, $0x3;
	s18 =	sadd.s32 @p0 s26, s18  }
0x54: {  	[hbm:s18], [sflag:s7] =	dma.local @p0 [spmem:s17], $0x320  }
0x55: {  	s3 =	sadd.s32 @p0 s26, s3;
	s17 =	sadd.s32 @p0 s26, s19;
	s18 =	sadd.s32 @p0 s26, s21  }
0x56: {  	[hbm:s3], [sflag:s7] =	dma.local @p0 [spmem:s5], $0x320  }
0x57: {  	[hbm:s17], [sflag:s7] =	dma.local @p0 [spmem:s13], $0x320  }
0x58: {  	[hbm:s18], [sflag:s7] =	dma.local @p0 [spmem:s14], $0x320  }
0x59: {  	s18 =	simm.s32 $0x0  }
0x5a: {  	s7 =	rddreg [dreg:$0x6];
	s18 =	simm.s32 @!p0 $0x0  }
0x5b: {  	s7 =	sadd.s32 s18, s7  }
0x5c: {  	s3 =	simm.s32 @!p0 $0x300;
	s13 =	smul.u32 $0x32, s7  }
0x5d: {  	[spmem:s9] =	stream.linear.scatter @!p0 [tilespmem:s3], [sflag:$0x4], $0x6400, $0x38;
	[tilespmem:$0x1F700] =	vst v63  }
0x5e: {  	s31 =	smov.u32 s4;
	s4 =	rddreg [dreg:$0x1];
	s14 =	sshrl.u32 s13, $0x3  }
0x5f: {  	s29 =	simm.s32 $0x0;
	s16 =	simm.s32 $0x200;
	s3 =	sadd.s32 s4, s14  }
0x60: {  	[tilespmem:s16], [sflag:$0x9] =	stream.linear.gather [hbm4b:s3+s29], $0xC8, $0x38;
	[tilespmem:$0x1F700] =	vst v63  }
0x61: {  	_ =	swait.ge [sflag:s24], $0xC8  }
0x62: {  	s28 =	simm.s32 $0xCB00;
	[sflag:s24] =	ssyncset.done $0x0  }
0x63: {  	s1 =	simm.s32 $0x2;
	s2 =	simm.s32 $0xC8;
	[sflag:s24] =	ssyncadd.s32 $0xFFFFFF38  }
0x64: {  	[tilespmem:s28], [sflag:$0x3] =	stream.indirect.gather [hbm4b:s25+s2], $0x80, s16, s2, $0xb8;
	[tilespmem:$0x1F700] =	vst v63  }
0x65: {  	_ =	swait.ge [sflag:s1], $0x6400  }
0x66: {  	p0 =	por $0x1, $0x1;
	[sflag:s1] =	ssyncset.done $0x0  }
0x67: {  	s3 =	simm.s32 @!p0 $0x8;
	[sflag:s1] =	ssyncadd.s32 $0xFFFF9C00  }
0x68: {  	_ =	swait.ge @!p0 [sflag:s3], $0x320  }
0x69: {  	[sflag:s3] =	ssyncset.done @!p0 $0x0  }
0x6a: {  	[sflag:s3] =	ssyncadd.s32 @!p0 $0xFFFFFCE0  }
0x6b: {  	_ =	swait.ge @!p0 [sflag:s3], $0x320  }
0x6c: {  	[sflag:s3] =	ssyncset.done @!p0 $0x0  }
0x6d: {  	[sflag:s3] =	ssyncadd.s32 @!p0 $0xFFFFFCE0  }
0x6e: {  	s17 =	sadd.s32 s22, s18;
	_ =	swait.ge @!p0 [sflag:s3], $0x320  }
0x6f: {  	s5 =	smul.u32 $0x380, s17;
	[sflag:s3] =	ssyncset.done @!p0 $0x0  }
0x70: {  	s23 =	smov.u32 s11;
	s11 =	simm.s32 $0x6700;
	[sflag:s3] =	ssyncadd.s32 @!p0 $0xFFFFFCE0  }
0x71: {  	s21 =	sadd.s32 s5, s8;
	s14 =	smul.u32 $0x1C00, s17;
	_ =	swait.ge @!p0 [sflag:s3], $0x320  }
0x72: {  	s22 =	sadd.s32 s26, s5;
	s29 =	smov.u32 s25;
	[sflag:s3] =	ssyncset.done @!p0 $0x0  }
0x73: {  	s19 =	sshrl.u32 s14, $0x3;
	s25 =	simm.s32 $0x4;
	[sflag:s3] =	ssyncadd.s32 @!p0 $0xFFFFFCE0  }
0x74: {  	[spmem:s15] =	stream.linear.scatter [tilespmem:s11], [sflag:$0x5], $0x6400, $0x38;
	[tilespmem:$0x1F700] =	vst v63  }
0x75: {  	s17 =	sshll.u32 s10, $0x6;
	s13 =	sadd.s32 s26, s19;
	_ =	swait.ge [sflag:s25], $0x6400  }
0x76: {  	s16 =	sshrl.u32 s9, $0x3;
	s3 =	sor.u32 $0x1C07, s17;
	[sflag:s25] =	ssyncset.done $0x0  }
0x77: {  	s11 =	sadd.s32 $0xA80, s13;
	s13 =	sadd.s32 $0x700, s13;
	[sflag:s25] =	ssyncadd.s32 $0xFFFF9C00  }
0x78: {  	[hbm:s22], [sflag:s3] =	dma.local [spmem:s16], $0x320  }
0x79: {  	[hbm:s21], [sflag:s3] =	dma.local [spmem:s12], $0x320  }
0x7a: {  	[hbm:s13], [sflag:s3] =	dma.local [spmem:s23], $0x320  }
0x7b: {  	[hbm:s11], [sflag:s3] =	dma.local [spmem:s31], $0x320  }
0x7c: {  	s19 =	rddreg [dreg:$0x7]  }
0x7d: {  	s13 =	sadd.s32 s18, s19  }
0x7e: {  	s5 =	smul.u32 $0x32, s13;
	_ =	sdelay $0x1  }
0x7f: {  	s5 =	sshrl.u32 s5, $0x3  }
0x80: {  	s31 =	simm.s32 $0x0;
	s5 =	sadd.s32 s4, s5  }
0x81: {  	[tilespmem:s31], [sflag:$0x9] =	stream.linear.gather [hbm4b:s5+s31], $0xC8, $0x38;
	[tilespmem:$0x1F700] =	vst v63  }
0x82: {  	s21 =	rddreg [dreg:$0xd];
	_ =	swait.ge [sflag:s24], $0xC8  }
0x83: {  	[sflag:s24] =	ssyncset.done $0x0  }
0x84: {  	s11 =	simm.s32 $0x300;
	[sflag:s24] =	ssyncadd.s32 $0xFFFFFF38  }
0x85: {  	[tilespmem:s11], [sflag:$0x1] =	stream.indirect.gather [hbm4b:s29+s2], $0x80, s31, s2, $0xb8;
	[tilespmem:$0x1F700] =	vst v63  }
0x86: {  	s2 =	smov.u32 s29;
	s29 =	simm.s32 $0x3  }
0x87: {  	_ =	swait.ge [sflag:s29], $0x6400  }
0x88: {  	[sflag:s29] =	ssyncset.done $0x0  }
0x89: {  	s11 =	simm.s32 $0x7;
	[sflag:s29] =	ssyncadd.s32 $0xFFFF9C00  }
0x8a: {  	_ =	swait.ge [sflag:s11], $0x320  }
0x8b: {  	[sflag:s11] =	ssyncset.done $0x0  }
0x8c: {  	[sflag:s11] =	ssyncadd.s32 $0xFFFFFCE0  }
0x8d: {  	_ =	swait.ge [sflag:s11], $0x320  }
0x8e: {  	[sflag:s11] =	ssyncset.done $0x0  }
0x8f: {  	[sflag:s11] =	ssyncadd.s32 $0xFFFFFCE0  }
0x90: {  	_ =	swait.ge [sflag:s11], $0x320  }
0x91: {  	[sflag:s11] =	ssyncset.done $0x0  }
0x92: {  	[sflag:s11] =	ssyncadd.s32 $0xFFFFFCE0  }
0x93: {  	s30 =	sshrl.u32 s6, $0x3;
	_ =	swait.ge [sflag:s11], $0x320  }
0x94: {  	s0 =	smov.u32 s8;
	s8 =	sshrl.u32 s15, $0x3;
	[sflag:s11] =	ssyncset.done $0x0  }
0x95: {  	s31 =	sshrl.u32 s20, $0x3;
	s20 =	simm.s32 $0x5;
	[sflag:s11] =	ssyncadd.s32 $0xFFFFFCE0  }
0x96: {  	[spmem:s9] =	stream.linear.scatter [tilespmem:s28], [sflag:$0x6], $0x6400, $0x38;
	[tilespmem:$0x1F700] =	vst v63  }
0x97: {  	s6 =	sor.u32 $0x1C08, s17;
	s19 =	sadd.s32 $0x7000, s14;
	_ =	swait.ge [sflag:s20], $0x6400  }
0x98: {  	s22 =	sadd.s32 $0xE00, s22;
	s5 =	sshrl.u32 s19, $0x3;
	[sflag:s20] =	ssyncset.done $0x0  }
0x99: {  	s14 =	sadd.s32 s26, s5;
	s5 =	sshrl.u32 s21, $0x3;
	[sflag:s20] =	ssyncadd.s32 $0xFFFF9C00  }
0x9a: {  	[hbm:s22], [sflag:s6] =	dma.local [spmem:s8], $0x320  }
0x9b: {  	s19 =	sadd.s32 $0x700, s14;
	s22 =	sadd.s32 $0xA80, s14;
	s14 =	sadd.s32 $0x380, s14  }
0x9c: {  	[hbm:s14], [sflag:s6] =	dma.local [spmem:s31], $0x320  }
0x9d: {  	[hbm:s19], [sflag:s6] =	dma.local [spmem:s5], $0x320  }
0x9e: {  	[hbm:s22], [sflag:s6] =	dma.local [spmem:s30], $0x320  }
0x9f: {  	s17 =	rddreg [dreg:$0x8]  }
0xa0: {  	s14 =	sadd.s32 s18, s17  }
0xa1: {  	s19 =	smul.u32 $0x32, s14;
	_ =	sdelay $0x1  }
0xa2: {  	s17 =	sshrl.u32 s19, $0x3  }
0xa3: {  	s22 =	simm.s32 $0x0;
	s19 =	simm.s32 $0x100;
	s17 =	sadd.s32 s4, s17  }
0xa4: {  	[tilespmem:s19], [sflag:$0x9] =	stream.linear.gather [hbm4b:s17+s22], $0xC8, $0x38;
	[tilespmem:$0x1F700] =	vst v63  }
0xa5: {  	_ =	swait.ge [sflag:s24], $0xC8  }
0xa6: {  	[sflag:s24] =	ssyncset.done $0x0  }
0xa7: {  	s4 =	simm.s32 $0x6700;
	s22 =	simm.s32 $0xC8;
	[sflag:s24] =	ssyncadd.s32 $0xFFFFFF38  }
0xa8: {  	[tilespmem:s4], [sflag:$0x2] =	stream.indirect.gather [hbm4b:s2+s22], $0x80, s19, s22, $0xb8;
	[tilespmem:$0x1F700] =	vst v63  }
0xa9: {  	s22 =	simm.s32 $0x1  }
0xaa: {  	_ =	swait.ge [sflag:s22], $0x6400  }
0xab: {  	[sflag:s22] =	ssyncset.done $0x0  }
0xac: {  	[sflag:s22] =	ssyncadd.s32 $0xFFFF9C00;
	s22 =	simm.s32 $0x8  }
0xad: {  	_ =	swait.ge [sflag:s22], $0x320  }
0xae: {  	[sflag:s22] =	ssyncset.done $0x0  }
0xaf: {  	[sflag:s22] =	ssyncadd.s32 $0xFFFFFCE0  }
0xb0: {  	_ =	swait.ge [sflag:s22], $0x320  }
0xb1: {  	[sflag:s22] =	ssyncset.done $0x0  }
0xb2: {  	[sflag:s22] =	ssyncadd.s32 $0xFFFFFCE0  }
0xb3: {  	_ =	swait.ge [sflag:s22], $0x320  }
0xb4: {  	[sflag:s22] =	ssyncset.done $0x0  }
0xb5: {  	[sflag:s22] =	ssyncadd.s32 $0xFFFFFCE0  }
0xb6: {  	_ =	swait.ge [sflag:s22], $0x320  }
0xb7: {  	[sflag:s22] =	ssyncset.done $0x0  }
0xb8: {  	s17 =	simm.s32 $0x300;
	[sflag:s22] =	ssyncadd.s32 $0xFFFFFCE0  }
0xb9: {  	[spmem:s15] =	stream.linear.scatter [tilespmem:s17], [sflag:$0x4], $0x6400, $0x38;
	[tilespmem:$0x1F700] =	vst v63  }
0xba: {  	s17 =	smul.u32 $0x380, s7  }
0xbb: {  	s4 =	simm.s32 $0x6;
	s7 =	smul.u32 $0x1C00, s7  }
0xbc: {  	_ =	swait.ge [sflag:s4], $0x6400  }
0xbd: {  	[sflag:s4] =	ssyncset.done $0x0;
	s7 =	sshrl.u32 s7, $0x3  }
0xbe: {  	s19 =	sadd.s32 s26, s17;
	[sflag:s4] =	ssyncadd.s32 $0xFFFF9C00;
	s7 =	sadd.s32 s26, s7  }
0xbf: {  	[hbm:s19], [sflag:s3] =	dma.local [spmem:s16], $0x320  }
0xc0: {  	s17 =	sadd.s32 s17, s0;
	s19 =	sadd.s32 $0x700, s7  }
0xc1: {  	[hbm:s17], [sflag:s3] =	dma.local [spmem:s12], $0x320  }
0xc2: {  	[hbm:s19], [sflag:s3] =	dma.local [spmem:s23], $0x320  }
0xc3: {  	s7 =	sadd.s32 $0xA80, s7;
	s17 =	rddreg [dreg:$0x1b]  }
0xc4: {  	[hbm:s7], [sflag:s3] =	dma.local [spmem:s17], $0x320  }
0xc5: {  	s7 =	rddreg [dreg:$0x9]  }
0xc6: {  	s7 =	sadd.s32 s18, s7  }
0xc7: {  	s7 =	smul.u32 $0x32, s7;
	_ =	sdelay $0x1  }
0xc8: {  	s19 =	rddreg [dreg:$0x1];
	s7 =	sshrl.u32 s7, $0x3  }
0xc9: {  	s4 =	simm.s32 $0x0;
	s23 =	simm.s32 $0x200;
	s7 =	sadd.s32 s19, s7  }
0xca: {  	[tilespmem:s23], [sflag:$0x9] =	stream.linear.gather [hbm4b:s7+s4], $0xC8, $0x38;
	[tilespmem:$0x1F700] =	vst v63  }
0xcb: {  	_ =	swait.ge [sflag:s24], $0xC8  }
0xcc: {  	[sflag:s24] =	ssyncset.done $0x0  }
0xcd: {  	s28 =	simm.s32 $0xCB00;
	s4 =	simm.s32 $0xC8;
	[sflag:s24] =	ssyncadd.s32 $0xFFFFFF38  }
0xce: {  	[tilespmem:s28], [sflag:$0x3] =	stream.indirect.gather [hbm4b:s2+s4], $0x80, s23, s4, $0xb8;
	[tilespmem:$0x1F700] =	vst v63  }
0xcf: {  	_ =	swait.ge [sflag:s1], $0x6400  }
0xd0: {  	[sflag:s1] =	ssyncset.done $0x0  }
0xd1: {  	[sflag:s1] =	ssyncadd.s32 $0xFFFF9C00  }
0xd2: {  	_ =	swait.ge [sflag:s11], $0x320  }
0xd3: {  	[sflag:s11] =	ssyncset.done $0x0  }
0xd4: {  	[sflag:s11] =	ssyncadd.s32 $0xFFFFFCE0  }
0xd5: {  	_ =	swait.ge [sflag:s11], $0x320  }
0xd6: {  	[sflag:s11] =	ssyncset.done $0x0  }
0xd7: {  	[sflag:s11] =	ssyncadd.s32 $0xFFFFFCE0  }
0xd8: {  	_ =	swait.ge [sflag:s11], $0x320  }
0xd9: {  	[sflag:s11] =	ssyncset.done $0x0  }
0xda: {  	[sflag:s11] =	ssyncadd.s32 $0xFFFFFCE0  }
0xdb: {  	_ =	swait.ge [sflag:s11], $0x320  }
0xdc: {  	s7 =	smul.u32 $0x1C00, s13;
	[sflag:s11] =	ssyncset.done $0x0  }
0xdd: {  	s13 =	smul.u32 $0x380, s13;
	s23 =	simm.s32 $0x6700;
	[sflag:s11] =	ssyncadd.s32 $0xFFFFFCE0  }
0xde: {  	[spmem:s9] =	stream.linear.scatter [tilespmem:s23], [sflag:$0x5], $0x6400, $0x38;
	[tilespmem:$0x1F700] =	vst v63  }
0xdf: {  	_ =	swait.ge [sflag:s25], $0x6400  }
0xe0: {  	s7 =	sshrl.u32 s7, $0x3;
	s13 =	sadd.s32 s26, s13;
	[sflag:s25] =	ssyncset.done $0x0  }
0xe1: {  	s7 =	sadd.s32 s26, s7;
	[dreg:$0x12] =	wrdreg s8;
	[sflag:s25] =	ssyncadd.s32 $0xFFFF9C00  }
0xe2: {  	[hbm:s13], [sflag:s6] =	dma.local [spmem:s8], $0x320  }
0xe3: {  	s8 =	sadd.s32 $0x380, s7;
	[dreg:$0x14] =	wrdreg s31  }
0xe4: {  	[hbm:s8], [sflag:s6] =	dma.local [spmem:s31], $0x320  }
0xe5: {  	s9 =	sadd.s32 $0xA80, s7;
	s7 =	sadd.s32 $0x700, s7;
	[dreg:$0x15] =	wrdreg s5  }
0xe6: {  	[hbm:s7], [sflag:s6] =	dma.local [spmem:s5], $0x320  }
0xe7: {  	[dreg:$0x13] =	wrdreg s30  }
0xe8: {  	[dreg:$0x16] =	wrdreg s6  }
0xe9: {  	[hbm:s9], [sflag:s6] =	dma.local [spmem:s30], $0x320  }
0xea: {  	s11 =	rddreg [dreg:$0xa]  }
0xeb: {  	s7 =	sadd.s32 s18, s11  }
0xec: {  	s7 =	smul.u32 $0x32, s7;
	_ =	sdelay $0x1  }
0xed: {  	s7 =	sshrl.u32 s7, $0x3  }
0xee: {  	s13 =	simm.s32 $0x0;
	s7 =	sadd.s32 s19, s7  }
0xef: {  	[tilespmem:s13], [sflag:$0x9] =	stream.linear.gather [hbm4b:s7+s13], $0xC8, $0x38;
	[tilespmem:$0x1F700] =	vst v63  }
0xf0: {  	_ =	swait.ge [sflag:s24], $0xC8  }
0xf1: {  	[sflag:s24] =	ssyncset.done $0x0  }
0xf2: {  	s19 =	simm.s32 $0x300;
	[sflag:s24] =	ssyncadd.s32 $0xFFFFFF38  }
0xf3: {  	[tilespmem:s19], [sflag:$0x1] =	stream.indirect.gather [hbm4b:s2+s4], $0x80, s13, s4, $0xb8;
	[tilespmem:$0x1F700] =	vst v63  }
0xf4: {  	_ =	swait.ge [sflag:s29], $0x6400  }
0xf5: {  	[sflag:s29] =	ssyncset.done $0x0  }
0xf6: {  	[sflag:s29] =	ssyncadd.s32 $0xFFFF9C00  }
0xf7: {  	_ =	swait.ge [sflag:s22], $0x320  }
0xf8: {  	[sflag:s22] =	ssyncset.done $0x0  }
0xf9: {  	[sflag:s22] =	ssyncadd.s32 $0xFFFFFCE0  }
0xfa: {  	_ =	swait.ge [sflag:s22], $0x320  }
0xfb: {  	[sflag:s22] =	ssyncset.done $0x0  }
0xfc: {  	[sflag:s22] =	ssyncadd.s32 $0xFFFFFCE0  }
0xfd: {  	_ =	swait.ge [sflag:s22], $0x320  }
0xfe: {  	[sflag:s22] =	ssyncset.done $0x0  }
0xff: {  	[sflag:s22] =	ssyncadd.s32 $0xFFFFFCE0  }
0x100: {  	_ =	swait.ge [sflag:s22], $0x320  }
0x101: {  	s23 =	smul.u32 $0x1C00, s14;
	[sflag:s22] =	ssyncset.done $0x0  }
0x102: {  	[sflag:s22] =	ssyncadd.s32 $0xFFFFFCE0;
	s22 =	smul.u32 $0x380, s14  }
0x103: {  	[spmem:s15] =	stream.linear.scatter [tilespmem:s28], [sflag:$0x6], $0x6400, $0x38;
	[tilespmem:$0x1F700] =	vst v63  }
0x104: {  	s13 =	sshrl.u32 s23, $0x3;
	_ =	swait.ge [sflag:s20], $0x6400  }
0x105: {  	s13 =	sadd.s32 s26, s13;
	s24 =	sadd.s32 s26, s22;
	[sflag:s20] =	ssyncset.done $0x0  }
0x106: {  	[dreg:$0x11] =	wrdreg s16;
	s7 =	sadd.s32 s22, s0;
	[sflag:s20] =	ssyncadd.s32 $0xFFFF9C00  }
0x107: {  	[hbm:s24], [sflag:s3] =	dma.local [spmem:s16], $0x320  }
0x108: {  	[hbm:s7], [sflag:s3] =	dma.local [spmem:s12], $0x320  }
0x109: {  	s25 =	sadd.s32 $0x700, s13;
	s13 =	sadd.s32 $0xA80, s13;
	s29 =	rddreg [dreg:$0x1a]  }
0x10a: {  	[hbm:s25], [sflag:s3] =	dma.local [spmem:s29], $0x320  }
0x10b: {  	[hbm:s13], [sflag:s3] =	dma.local [spmem:s17], $0x320  }
0x10c: {  	s31 =	rddreg [dreg:$0xb]  }
0x10d: {  	s7 =	sadd.s32 s18, s31  }
0x10e: {  	s30 =	simm.s32 $0x2A000;
	s15 =	simm.s32 $0x0;
	s7 =	smul.u32 $0x32, s7  }
.LBB2_2:
0x10f: {  	s15 =	sadd.s32 $0x18, s15;
	s16 =	rddreg [dreg:$0x1]  }
0x110: {  	s0 =	simm.s32 $0x100;
	s1 =	simm.s32 $0x0;
	s13 =	sshrl.u32 s7, $0x3  }
0x111: {  	s5 =	simm.s32 $0x9;
	[dreg:$0x1d] =	wrdreg s15;
	s13 =	sadd.s32 s16, s13  }
0x112: {  	[tilespmem:s0], [sflag:$0x9] =	stream.linear.gather [hbm4b:s13+s1], $0xC8, $0x38;
	[tilespmem:$0x1F700] =	vst v63  }
0x113: {  	_ =	swait.ge [sflag:s5], $0xC8  }
0x114: {  	[sflag:s5] =	ssyncset.done $0x0  }
0x115: {  	s14 =	simm.s32 $0xC8;
	s2 =	simm.s32 $0x6700;
	[sflag:s5] =	ssyncadd.s32 $0xFFFFFF38  }
0x116: {  	s4 =	simm.s32 $0x1;
	s13 =	simm.s32 $0x100;
	s19 =	rddreg [dreg:$0x0]  }
0x117: {  	[tilespmem:s2], [sflag:$0x2] =	stream.indirect.gather [hbm4b:s19+s14], $0x80, s13, s14, $0xb8;
	[tilespmem:$0x1F700] =	vst v63  }
0x118: {  	s7 =	smov.u32 s30;
	_ =	swait.ge [sflag:s4], $0x6400  }
0x119: {  	p1 =	sne.s32 s7, $0x0;
	[sflag:s4] =	ssyncset.done $0x0  }
0x11a: {  	s13 =	simm.s32 @p1 $0x7;
	[sflag:s4] =	ssyncadd.s32 $0xFFFF9C00  }
0x11b: {  	_ =	swait.ge @p1 [sflag:s13], $0x320  }
0x11c: {  	[sflag:s13] =	ssyncset.done @p1 $0x0  }
0x11d: {  	[sflag:s13] =	ssyncadd.s32 @p1 $0xFFFFFCE0  }
0x11e: {  	_ =	swait.ge @p1 [sflag:s13], $0x320  }
0x11f: {  	[sflag:s13] =	ssyncset.done @p1 $0x0  }
0x120: {  	[sflag:s13] =	ssyncadd.s32 @p1 $0xFFFFFCE0  }
0x121: {  	_ =	swait.ge @p1 [sflag:s13], $0x320  }
0x122: {  	[sflag:s13] =	ssyncset.done @p1 $0x0  }
0x123: {  	[sflag:s13] =	ssyncadd.s32 @p1 $0xFFFFFCE0  }
0x124: {  	_ =	swait.ge @p1 [sflag:s13], $0x320  }
0x125: {  	s17 =	simm.s32 @p1 $0x6;
	[sflag:s13] =	ssyncset.done @p1 $0x0  }
0x126: {  	s24 =	rddreg [dreg:$0xe];
	[sflag:s13] =	ssyncadd.s32 @p1 $0xFFFFFCE0;
	s13 =	simm.s32 @p1 $0x300  }
0x127: {  	[spmem:s24] =	stream.linear.scatter @p1 [tilespmem:s13], [sflag:$0x4], $0x6400, $0x38;
	[tilespmem:$0x1F700] =	vst v63  }
0x128: {  	s18 =	sshrl.u32 @p1 s21, $0x3;
	_ =	swait.ge @p1 [sflag:s17], $0x6400  }
0x129: {  	s14 =	sshll.u32 @p1 s10, $0x6;
	[sflag:s17] =	ssyncset.done @p1 $0x0;
	s13 =	rddreg [dreg:$0xc]  }
0x12a: {  	s14 =	sor.u32 @p1 $0x1C08, s14;
	s1 =	rddreg [dreg:$0x17];
	[sflag:s17] =	ssyncadd.s32 @p1 $0xFFFF9C00  }
0x12b: {  	s17 =	sshrl.u32 @p1 s1, $0x3;
	s1 =	rddreg [dreg:$0x1c];
	s13 =	sadd.s32 @p1 s7, s13  }
0x12c: {  	s21 =	sshrl.u32 @p1 s1, $0x3;
	s1 =	rddreg [dreg:$0xf];
	s2 =	sadd.s32 @p1 $0xFFFFC800, s13  }
0x12d: {  	s22 =	sshrl.u32 @p1 s1, $0x3;
	s12 =	smov.u32 s1;
	s1 =	sadd.s32 @p1 $0xFFFF9000, s13  }
0x12e: {  	s10 =	sadd.s32 @p1 $0xFFFFE400, s13;
	s13 =	sadd.s32 @p1 $0xFFFFAC00, s13;
	s1 =	sshrl.u32 @p1 s1, $0x3  }
0x12f: {  	s2 =	sshrl.u32 @p1 s2, $0x3;
	s13 =	sshrl.u32 @p1 s13, $0x3;
	s1 =	sadd.s32 @p1 s26, s1  }
0x130: {  	[hbm:s1], [sflag:s14] =	dma.local @p1 [spmem:s22], $0x320  }
0x131: {  	s10 =	sshrl.u32 @p1 s10, $0x3;
	s2 =	sadd.s32 @p1 s26, s2;
	s1 =	sadd.s32 @p1 s26, s13  }
0x132: {  	[hbm:s1], [sflag:s14] =	dma.local @p1 [spmem:s17], $0x320  }
0x133: {  	[hbm:s2], [sflag:s14] =	dma.local @p1 [spmem:s18], $0x320  }
0x134: {  	s10 =	sadd.s32 @p1 s26, s10;
	s18 =	smov.u32 s15  }
0x135: {  	[hbm:s10], [sflag:s14] =	dma.local @p1 [spmem:s21], $0x320  }
0x136: {  	s18 =	simm.s32 @!p1 $0x0;
	s17 =	rddreg [dreg:$0x6]  }
0x137: {  	s1 =	sadd.s32 s18, s17  }
0x138: {  	s10 =	simm.s32 @!p1 $0x300;
	s21 =	smul.u32 $0x32, s1  }
0x139: {  	[spmem:s24] =	stream.linear.scatter @!p1 [tilespmem:s10], [sflag:$0x4], $0x6400, $0x38;
	[tilespmem:$0x1F700] =	vst v63  }
0x13a: {  	s6 =	simm.s32 $0x0;
	s22 =	sshrl.u32 s21, $0x3  }
0x13b: {  	s25 =	simm.s32 $0x200;
	s20 =	rddreg [dreg:$0x10];
	s10 =	sadd.s32 s16, s22  }
0x13c: {  	[tilespmem:s25], [sflag:$0x9] =	stream.linear.gather [hbm4b:s10+s6], $0xC8, $0x38;
	[tilespmem:$0x1F700] =	vst v63  }
0x13d: {  	s8 =	simm.s32 $0xC8;
	s2 =	sadd.s32 s20, s18;
	_ =	swait.ge [sflag:s5], $0xC8  }
0x13e: {  	s29 =	simm.s32 $0x200;
	s23 =	smul.u32 $0x380, s2;
	[sflag:s5] =	ssyncset.done $0x0  }
0x13f: {  	s2 =	smul.u32 $0x1C00, s2;
	s6 =	simm.s32 $0x2;
	[sflag:s5] =	ssyncadd.s32 $0xFFFFFF38  }
0x140: {  	[tilespmem:s28], [sflag:$0x3] =	stream.indirect.gather [hbm4b:s19+s8], $0x80, s29, s8, $0xb8;
	[tilespmem:$0x1F700] =	vst v63  }
0x141: {  	s31 =	sshrl.u32 s2, $0x3;
	s2 =	sadd.s32 $0x7000, s2;
	_ =	swait.ge [sflag:s6], $0x6400  }
0x142: {  	p1 =	seq.s32 s7, $0x0;
	s2 =	sshrl.u32 s2, $0x3;
	[sflag:s6] =	ssyncset.done $0x0  }
0x143: {  	s21 =	sadd.s32 s26, s2;
	s2 =	simm.s32 @!p1 $0x8;
	[sflag:s6] =	ssyncadd.s32 $0xFFFF9C00  }
0x144: {  	_ =	swait.ge @!p1 [sflag:s2], $0x320  }
0x145: {  	[sflag:s2] =	ssyncset.done @!p1 $0x0  }
0x146: {  	[sflag:s2] =	ssyncadd.s32 @!p1 $0xFFFFFCE0  }
0x147: {  	_ =	swait.ge @!p1 [sflag:s2], $0x320  }
0x148: {  	[sflag:s2] =	ssyncset.done @!p1 $0x0  }
0x149: {  	[sflag:s2] =	ssyncadd.s32 @!p1 $0xFFFFFCE0  }
0x14a: {  	_ =	swait.ge @!p1 [sflag:s2], $0x320  }
0x14b: {  	[sflag:s2] =	ssyncset.done @!p1 $0x0  }
0x14c: {  	[sflag:s2] =	ssyncadd.s32 @!p1 $0xFFFFFCE0  }
0x14d: {  	_ =	swait.ge @!p1 [sflag:s2], $0x320  }
0x14e: {  	s11 =	simm.s32 $0x6700;
	s13 =	smul.u32 $0x380, s1;
	[sflag:s2] =	ssyncset.done @!p1 $0x0  }
0x14f: {  	s1 =	smul.u32 $0x1C00, s1;
	s25 =	simm.s32 $0x4;
	[sflag:s2] =	ssyncadd.s32 @!p1 $0xFFFFFCE0  }
0x150: {  	[spmem:s12] =	stream.linear.scatter [tilespmem:s11], [sflag:$0x5], $0x6400, $0x38;
	[tilespmem:$0x1F700] =	vst v63  }
0x151: {  	_ =	swait.ge [sflag:s25], $0x6400  }
0x152: {  	s1 =	sshrl.u32 s1, $0x3;
	s7 =	rddreg [dreg:$0x18]  }
0x153: {  	s11 =	smov.u32 s12;
	[sflag:s25] =	ssyncset.done $0x0;
	s15 =	rddreg [dreg:$0x11]  }
0x154: {  	s12 =	sadd.s32 s23, s7;
	[sflag:s25] =	ssyncadd.s32 $0xFFFF9C00;
	s7 =	sadd.s32 s26, s23  }
0x155: {  	[hbm:s7], [sflag:s3] =	dma.local [spmem:s15], $0x320  }
0x156: {  	s9 =	sadd.s32 s26, s1;
	s10 =	sadd.s32 s26, s31;
	s0 =	rddreg [dreg:$0x19]  }
0x157: {  	[hbm:s12], [sflag:s3] =	dma.local [spmem:s0], $0x320  }
0x158: {  	s17 =	sadd.s32 $0xA80, s10;
	s10 =	sadd.s32 $0x700, s10;
	s1 =	rddreg [dreg:$0x1a]  }
0x159: {  	[hbm:s10], [sflag:s3] =	dma.local [spmem:s1], $0x320  }
0x15a: {  	s1 =	rddreg [dreg:$0x1b]  }
0x15b: {  	[hbm:s17], [sflag:s3] =	dma.local [spmem:s1], $0x320  }
0x15c: {  	s1 =	rddreg [dreg:$0x7]  }
0x15d: {  	s1 =	sadd.s32 s18, s1  }
0x15e: {  	s20 =	smul.u32 $0x32, s1  }
0x15f: {  	s22 =	smul.u32 $0x1C00, s1  }
0x160: {  	s1 =	smul.u32 $0x380, s1  }
0x161: {  	s2 =	sshrl.u32 s20, $0x3  }
0x162: {  	s31 =	simm.s32 $0x0;
	[dreg:$0x1e] =	wrdreg s1;
	s23 =	sadd.s32 s16, s2  }
0x163: {  	[tilespmem:s31], [sflag:$0x9] =	stream.linear.gather [hbm4b:s23+s31], $0xC8, $0x38;
	[tilespmem:$0x1F700] =	vst v63  }
0x164: {  	_ =	swait.ge [sflag:s5], $0xC8  }
0x165: {  	[sflag:s5] =	ssyncset.done $0x0  }
0x166: {  	s10 =	simm.s32 $0x300;
	s23 =	simm.s32 $0x3;
	[sflag:s5] =	ssyncadd.s32 $0xFFFFFF38  }
0x167: {  	[tilespmem:s10], [sflag:$0x1] =	stream.indirect.gather [hbm4b:s19+s8], $0x80, s31, s8, $0xb8;
	[tilespmem:$0x1F700] =	vst v63  }
0x168: {  	_ =	swait.ge [sflag:s23], $0x6400  }
0x169: {  	[sflag:s23] =	ssyncset.done $0x0  }
0x16a: {  	s28 =	simm.s32 $0x7;
	[sflag:s23] =	ssyncadd.s32 $0xFFFF9C00  }
0x16b: {  	_ =	swait.ge [sflag:s28], $0x320  }
0x16c: {  	[sflag:s28] =	ssyncset.done $0x0  }
0x16d: {  	[sflag:s28] =	ssyncadd.s32 $0xFFFFFCE0  }
0x16e: {  	_ =	swait.ge [sflag:s28], $0x320  }
0x16f: {  	[sflag:s28] =	ssyncset.done $0x0  }
0x170: {  	[sflag:s28] =	ssyncadd.s32 $0xFFFFFCE0  }
0x171: {  	_ =	swait.ge [sflag:s28], $0x320  }
0x172: {  	[sflag:s28] =	ssyncset.done $0x0  }
0x173: {  	[sflag:s28] =	ssyncadd.s32 $0xFFFFFCE0  }
0x174: {  	_ =	swait.ge [sflag:s28], $0x320  }
0x175: {  	s12 =	simm.s32 $0xCB00;
	[sflag:s28] =	ssyncset.done $0x0  }
0x176: {  	s29 =	sshrl.u32 s22, $0x3;
	s22 =	simm.s32 $0x5;
	[sflag:s28] =	ssyncadd.s32 $0xFFFFFCE0  }
0x177: {  	[spmem:s24] =	stream.linear.scatter [tilespmem:s12], [sflag:$0x6], $0x6400, $0x38;
	[tilespmem:$0x1F700] =	vst v63  }
0x178: {  	_ =	swait.ge [sflag:s22], $0x6400  }
0x179: {  	s7 =	sadd.s32 $0xE00, s7;
	[sflag:s22] =	ssyncset.done $0x0;
	s31 =	rddreg [dreg:$0x12]  }
0x17a: {  	s20 =	sadd.s32 $0x700, s21;
	s6 =	rddreg [dreg:$0x16];
	[sflag:s22] =	ssyncadd.s32 $0xFFFF9C00  }
0x17b: {  	[hbm:s7], [sflag:s6] =	dma.local [spmem:s31], $0x320  }
0x17c: {  	s2 =	sadd.s32 $0xA80, s21;
	s21 =	sadd.s32 $0x380, s21;
	s12 =	rddreg [dreg:$0x14]  }
0x17d: {  	[hbm:s21], [sflag:s6] =	dma.local [spmem:s12], $0x320  }
0x17e: {  	s8 =	rddreg [dreg:$0x15]  }
0x17f: {  	[hbm:s20], [sflag:s6] =	dma.local [spmem:s8], $0x320  }
0x180: {  	s20 =	rddreg [dreg:$0x13]  }
0x181: {  	[hbm:s2], [sflag:s6] =	dma.local [spmem:s20], $0x320  }
0x182: {  	s7 =	rddreg [dreg:$0x8]  }
0x183: {  	s1 =	sadd.s32 s18, s7  }
0x184: {  	s10 =	smul.u32 $0x32, s1;
	_ =	sdelay $0x1  }
0x185: {  	s2 =	sshrl.u32 s10, $0x3  }
0x186: {  	s17 =	simm.s32 $0x0;
	s10 =	simm.s32 $0x100;
	s2 =	sadd.s32 s16, s2  }
0x187: {  	[tilespmem:s10], [sflag:$0x9] =	stream.linear.gather [hbm4b:s2+s17], $0xC8, $0x38;
	[tilespmem:$0x1F700] =	vst v63  }
0x188: {  	_ =	swait.ge [sflag:s5], $0xC8  }
0x189: {  	[sflag:s5] =	ssyncset.done $0x0  }
0x18a: {  	s16 =	simm.s32 $0xC8;
	s2 =	simm.s32 $0x6700;
	[sflag:s5] =	ssyncadd.s32 $0xFFFFFF38  }
0x18b: {  	[tilespmem:s2], [sflag:$0x2] =	stream.indirect.gather [hbm4b:s19+s16], $0x80, s10, s16, $0xb8;
	[tilespmem:$0x1F700] =	vst v63  }
0x18c: {  	_ =	swait.ge [sflag:s4], $0x6400  }
0x18d: {  	[sflag:s4] =	ssyncset.done $0x0  }
0x18e: {  	s17 =	smov.u32 s19;
	s19 =	simm.s32 $0x8;
	[sflag:s4] =	ssyncadd.s32 $0xFFFF9C00  }
0x18f: {  	_ =	swait.ge [sflag:s19], $0x320  }
0x190: {  	[sflag:s19] =	ssyncset.done $0x0  }
0x191: {  	[sflag:s19] =	ssyncadd.s32 $0xFFFFFCE0  }
0x192: {  	_ =	swait.ge [sflag:s19], $0x320  }
0x193: {  	[sflag:s19] =	ssyncset.done $0x0  }
0x194: {  	[sflag:s19] =	ssyncadd.s32 $0xFFFFFCE0  }
0x195: {  	_ =	swait.ge [sflag:s19], $0x320  }
0x196: {  	[sflag:s19] =	ssyncset.done $0x0  }
0x197: {  	[sflag:s19] =	ssyncadd.s32 $0xFFFFFCE0  }
0x198: {  	_ =	swait.ge [sflag:s19], $0x320  }
0x199: {  	s14 =	sadd.s32 s26, s29;
	[sflag:s19] =	ssyncset.done $0x0  }
0x19a: {  	s29 =	simm.s32 $0x300;
	s2 =	simm.s32 $0x6;
	[sflag:s19] =	ssyncadd.s32 $0xFFFFFCE0  }
0x19b: {  	[spmem:s11] =	stream.linear.scatter [tilespmem:s29], [sflag:$0x4], $0x6400, $0x38;
	[tilespmem:$0x1F700] =	vst v63  }
0x19c: {  	s21 =	smul.u32 $0x380, s1;
	_ =	swait.ge [sflag:s2], $0x6400  }
0x19d: {  	s10 =	sadd.s32 s26, s13;
	[sflag:s2] =	ssyncset.done $0x0;
	s11 =	rddreg [dreg:$0x18]  }
0x19e: {  	s4 =	sadd.s32 $0xA80, s9;
	s13 =	sadd.s32 s13, s11;
	[sflag:s2] =	ssyncadd.s32 $0xFFFF9C00  }
0x19f: {  	[hbm:s10], [sflag:s3] =	dma.local [spmem:s15], $0x320  }
0x1a0: {  	[hbm:s13], [sflag:s3] =	dma.local [spmem:s0], $0x320  }
0x1a1: {  	s29 =	sadd.s32 $0x700, s9;
	s9 =	smov.u32 s0;
	s0 =	rddreg [dreg:$0x1a]  }
0x1a2: {  	[hbm:s29], [sflag:s3] =	dma.local [spmem:s0], $0x320  }
0x1a3: {  	s1 =	smul.u32 $0x1C00, s1;
	s29 =	rddreg [dreg:$0x1b]  }
0x1a4: {  	[hbm:s4], [sflag:s3] =	dma.local [spmem:s29], $0x320  }
0x1a5: {  	s1 =	sshrl.u32 s1, $0x3;
	s10 =	rddreg [dreg:$0x9]  }
0x1a6: {  	s7 =	sadd.s32 s26, s1;
	s1 =	sadd.s32 s18, s10  }
0x1a7: {  	s1 =	smul.u32 $0x32, s1;
	_ =	sdelay $0x1  }
0x1a8: {  	s4 =	rddreg [dreg:$0x1];
	s1 =	sshrl.u32 s1, $0x3  }
0x1a9: {  	s2 =	simm.s32 $0x200;
	s13 =	simm.s32 $0x0;
	s1 =	sadd.s32 s4, s1  }
0x1aa: {  	[tilespmem:s2], [sflag:$0x9] =	stream.linear.gather [hbm4b:s1+s13], $0xC8, $0x38;
	[tilespmem:$0x1F700] =	vst v63  }
0x1ab: {  	_ =	swait.ge [sflag:s5], $0xC8  }
0x1ac: {  	[sflag:s5] =	ssyncset.done $0x0  }
0x1ad: {  	s10 =	simm.s32 $0xCB00;
	s13 =	simm.s32 $0x2;
	[sflag:s5] =	ssyncadd.s32 $0xFFFFFF38  }
0x1ae: {  	[tilespmem:s10], [sflag:$0x3] =	stream.indirect.gather [hbm4b:s17+s16], $0x80, s2, s16, $0xb8;
	[tilespmem:$0x1F700] =	vst v63  }
0x1af: {  	_ =	swait.ge [sflag:s13], $0x6400  }
0x1b0: {  	s2 =	simm.s32 $0x2;
	[sflag:s13] =	ssyncset.done $0x0  }
0x1b1: {  	[sflag:s2] =	ssyncadd.s32 $0xFFFF9C00  }
0x1b2: {  	_ =	swait.ge [sflag:s28], $0x320  }
0x1b3: {  	[sflag:s28] =	ssyncset.done $0x0  }
0x1b4: {  	[sflag:s28] =	ssyncadd.s32 $0xFFFFFCE0  }
0x1b5: {  	_ =	swait.ge [sflag:s28], $0x320  }
0x1b6: {  	[sflag:s28] =	ssyncset.done $0x0  }
0x1b7: {  	[sflag:s28] =	ssyncadd.s32 $0xFFFFFCE0  }
0x1b8: {  	_ =	swait.ge [sflag:s28], $0x320  }
0x1b9: {  	[sflag:s28] =	ssyncset.done $0x0  }
0x1ba: {  	[sflag:s28] =	ssyncadd.s32 $0xFFFFFCE0  }
0x1bb: {  	_ =	swait.ge [sflag:s28], $0x320  }
0x1bc: {  	[sflag:s28] =	ssyncset.done $0x0  }
0x1bd: {  	s10 =	simm.s32 $0x6700;
	[sflag:s28] =	ssyncadd.s32 $0xFFFFFCE0  }
0x1be: {  	[spmem:s24] =	stream.linear.scatter [tilespmem:s10], [sflag:$0x5], $0x6400, $0x38;
	[tilespmem:$0x1F700] =	vst v63  }
0x1bf: {  	s2 =	sadd.s32 $0xA80, s14;
	_ =	swait.ge [sflag:s25], $0x6400  }
0x1c0: {  	s24 =	sadd.s32 $0x380, s14;
	[sflag:s25] =	ssyncset.done $0x0;
	s13 =	rddreg [dreg:$0x1e]  }
0x1c1: {  	s1 =	sadd.s32 s26, s13;
	[sflag:s25] =	ssyncadd.s32 $0xFFFF9C00;
	s25 =	sadd.s32 $0x700, s14  }
0x1c2: {  	[hbm:s1], [sflag:s6] =	dma.local [spmem:s31], $0x320  }
0x1c3: {  	[hbm:s24], [sflag:s6] =	dma.local [spmem:s12], $0x320  }
0x1c4: {  	[hbm:s25], [sflag:s6] =	dma.local [spmem:s8], $0x320  }
0x1c5: {  	[hbm:s2], [sflag:s6] =	dma.local [spmem:s20], $0x320  }
0x1c6: {  	s8 =	rddreg [dreg:$0xa]  }
0x1c7: {  	s1 =	sadd.s32 s18, s8  }
0x1c8: {  	s1 =	smul.u32 $0x32, s1;
	_ =	sdelay $0x1  }
0x1c9: {  	s1 =	sshrl.u32 s1, $0x3  }
0x1ca: {  	s10 =	simm.s32 $0x0;
	s1 =	sadd.s32 s4, s1  }
0x1cb: {  	[tilespmem:s10], [sflag:$0x9] =	stream.linear.gather [hbm4b:s1+s10], $0xC8, $0x38;
	[tilespmem:$0x1F700] =	vst v63  }
0x1cc: {  	_ =	swait.ge [sflag:s5], $0xC8  }
0x1cd: {  	[sflag:s5] =	ssyncset.done $0x0  }
0x1ce: {  	s16 =	simm.s32 $0xC8;
	s12 =	simm.s32 $0x300;
	[sflag:s5] =	ssyncadd.s32 $0xFFFFFF38  }
0x1cf: {  	[tilespmem:s12], [sflag:$0x1] =	stream.indirect.gather [hbm4b:s17+s16], $0x80, s10, s16, $0xb8;
	[tilespmem:$0x1F700] =	vst v63  }
0x1d0: {  	_ =	swait.ge [sflag:s23], $0x6400  }
0x1d1: {  	[sflag:s23] =	ssyncset.done $0x0  }
0x1d2: {  	[sflag:s23] =	ssyncadd.s32 $0xFFFF9C00  }
0x1d3: {  	_ =	swait.ge [sflag:s19], $0x320  }
0x1d4: {  	[sflag:s19] =	ssyncset.done $0x0  }
0x1d5: {  	[sflag:s19] =	ssyncadd.s32 $0xFFFFFCE0  }
0x1d6: {  	_ =	swait.ge [sflag:s19], $0x320  }
0x1d7: {  	[sflag:s19] =	ssyncset.done $0x0  }
0x1d8: {  	[sflag:s19] =	ssyncadd.s32 $0xFFFFFCE0  }
0x1d9: {  	_ =	swait.ge [sflag:s19], $0x320  }
0x1da: {  	[sflag:s19] =	ssyncset.done $0x0  }
0x1db: {  	[sflag:s19] =	ssyncadd.s32 $0xFFFFFCE0  }
0x1dc: {  	_ =	swait.ge [sflag:s19], $0x320  }
0x1dd: {  	[sflag:s19] =	ssyncset.done $0x0  }
0x1de: {  	s28 =	simm.s32 $0xCB00;
	s20 =	rddreg [dreg:$0xf];
	[sflag:s19] =	ssyncadd.s32 $0xFFFFFCE0  }
0x1df: {  	[spmem:s20] =	stream.linear.scatter [tilespmem:s28], [sflag:$0x6], $0x6400, $0x38;
	[tilespmem:$0x1F700] =	vst v63  }
0x1e0: {  	_ =	swait.ge [sflag:s22], $0x6400  }
0x1e1: {  	s30 =	sadd.s32 $0x2A000, s30;
	s25 =	sadd.s32 s26, s21;
	[sflag:s22] =	ssyncset.done $0x0  }
0x1e2: {  	s23 =	sadd.s32 s21, s11;
	s21 =	rddreg [dreg:$0xd];
	[sflag:s22] =	ssyncadd.s32 $0xFFFF9C00  }
0x1e3: {  	[hbm:s25], [sflag:s3] =	dma.local [spmem:s15], $0x320  }
0x1e4: {  	p0 =	sne.s32 s30, $0xD2000;
	s24 =	sadd.s32 $0x700, s7;
	s15 =	rddreg [dreg:$0x1d]  }
0x1e5: {  	[hbm:s23], [sflag:s3] =	dma.local [spmem:s9], $0x320  }
0x1e6: {  	[hbm:s24], [sflag:s3] =	dma.local [spmem:s0], $0x320  }
.Ltmp0:
0x1e7: {  	s7 =	sadd.s32 $0xA80, s7;
	(pc) =	sbr.rel @p0 .LBB2_2-.Ltmp0, $4  }
0x1e8: {  	[hbm:s7], [sflag:s3] =	dma.local [spmem:s29], $0x320  }
0x1e9: {  	s31 =	rddreg [dreg:$0xb]  }
0x1ea: {  	s13 =	simm.s32 $0xC8;
	s14 =	simm.s32 $0x300;
	s1 =	sadd.s32 s18, s31  }
0x1eb: {  	s4 =	simm.s32 $0x0;
	s10 =	stileid.u32;
	s7 =	smul.u32 $0x32, s1  }
0x1ec: {  	_ = 	snop  }
0x1ed: {  	s2 =	rddreg [dreg:$0x1];
	s1 =	sshrl.u32 s7, $0x3  }
0x1ee: {  	s0 =	simm.s32 $0x100;
	s9 =	simm.s32 $0x9;
	s1 =	sadd.s32 s2, s1  }
0x1ef: {  	[tilespmem:s0], [sflag:$0x9] =	stream.linear.gather [hbm4b:s1+s4], $0xC8, $0x38;
	[tilespmem:$0x1F700] =	vst v63  }
0x1f0: {  	_ =	swait.ge [sflag:s9], $0xC8  }
0x1f1: {  	[sflag:s9] =	ssyncset.done $0x0  }
0x1f2: {  	[sflag:s9] =	ssyncadd.s32 $0xFFFFFF38  }
0x1f3: {  	s5 =	simm.s32 $0x6700;
	s11 =	simm.s32 $0x1;
	s1 =	rddreg [dreg:$0x0]  }
0x1f4: {  	[tilespmem:s5], [sflag:$0x2] =	stream.indirect.gather [hbm4b:s1+s13], $0x80, s0, s13, $0xb8;
	[tilespmem:$0x1F700] =	vst v63  }
0x1f5: {  	_ =	swait.ge [sflag:s11], $0x6400  }
0x1f6: {  	[sflag:s11] =	ssyncset.done $0x0  }
0x1f7: {  	s8 =	simm.s32 $0x7;
	[sflag:s11] =	ssyncadd.s32 $0xFFFF9C00  }
0x1f8: {  	_ =	swait.ge [sflag:s8], $0x320  }
0x1f9: {  	[sflag:s8] =	ssyncset.done $0x0  }
0x1fa: {  	[sflag:s8] =	ssyncadd.s32 $0xFFFFFCE0  }
0x1fb: {  	_ =	swait.ge [sflag:s8], $0x320  }
0x1fc: {  	[sflag:s8] =	ssyncset.done $0x0  }
0x1fd: {  	[sflag:s8] =	ssyncadd.s32 $0xFFFFFCE0  }
0x1fe: {  	_ =	swait.ge [sflag:s8], $0x320  }
0x1ff: {  	[sflag:s8] =	ssyncset.done $0x0  }
0x200: {  	[sflag:s8] =	ssyncadd.s32 $0xFFFFFCE0  }
0x201: {  	_ =	swait.ge [sflag:s8], $0x320  }
0x202: {  	[sflag:s8] =	ssyncset.done $0x0  }
0x203: {  	s13 =	simm.s32 $0x6;
	s12 =	rddreg [dreg:$0xe];
	[sflag:s8] =	ssyncadd.s32 $0xFFFFFCE0  }
0x204: {  	[spmem:s12] =	stream.linear.scatter [tilespmem:s14], [sflag:$0x4], $0x6400, $0x38;
	[tilespmem:$0x1F700] =	vst v63  }
0x205: {  	_ =	swait.ge [sflag:s13], $0x6400  }
0x206: {  	s14 =	sld [smem:$0x7EA]  }
0x207: {  	[sflag:s13] =	ssyncset.done $0x0;
	s15 =	rddreg [dreg:$0x12]  }
0x208: {  	s6 =	rddreg [dreg:$0x16];
	[sflag:s13] =	ssyncadd.s32 $0xFFFF9C00  }
0x209: {  	[hbm:s14], [sflag:s6] =	dma.local [spmem:s15], $0x320  }
0x20a: {  	s1 =	sld [smem:$0x7EB]  }
0x20b: {  	s16 =	sld [smem:$0x7F7];
	_ =	sdelay $0x2  }
0x20c: {  	[hbm:s1], [sflag:s6] =	dma.local [spmem:s16], $0x320  }
0x20d: {  	s1 =	sld [smem:$0x7EC]  }
0x20e: {  	s17 =	sld [smem:$0x7F8];
	_ =	sdelay $0x2  }
0x20f: {  	[hbm:s1], [sflag:s6] =	dma.local [spmem:s17], $0x320  }
0x210: {  	s1 =	sld [smem:$0x7ED]  }
0x211: {  	s18 =	sld [smem:$0x7F9];
	_ =	sdelay $0x1  }
0x212: {  	s19 =	simm.s32 $0x2  }
0x213: {  	[hbm:s1], [sflag:s6] =	dma.local [spmem:s18], $0x320  }
0x214: {  	_ =	swait.ge [sflag:s19], $0x6400  }
0x215: {  	[sflag:s19] =	ssyncset.done $0x0  }
0x216: {  	s9 =	simm.s32 $0x8;
	[sflag:s19] =	ssyncadd.s32 $0xFFFF9C00  }
0x217: {  	_ =	swait.ge [sflag:s9], $0x320  }
0x218: {  	[sflag:s9] =	ssyncset.done $0x0  }
0x219: {  	[sflag:s9] =	ssyncadd.s32 $0xFFFFFCE0  }
0x21a: {  	_ =	swait.ge [sflag:s9], $0x320  }
0x21b: {  	[sflag:s9] =	ssyncset.done $0x0  }
0x21c: {  	[sflag:s9] =	ssyncadd.s32 $0xFFFFFCE0  }
0x21d: {  	_ =	swait.ge [sflag:s9], $0x320  }
0x21e: {  	[sflag:s9] =	ssyncset.done $0x0  }
0x21f: {  	[sflag:s9] =	ssyncadd.s32 $0xFFFFFCE0  }
0x220: {  	_ =	swait.ge [sflag:s9], $0x320  }
0x221: {  	[sflag:s9] =	ssyncset.done $0x0  }
0x222: {  	s22 =	simm.s32 $0x4;
	s20 =	rddreg [dreg:$0xf];
	[sflag:s9] =	ssyncadd.s32 $0xFFFFFCE0  }
0x223: {  	[spmem:s20] =	stream.linear.scatter [tilespmem:s5], [sflag:$0x5], $0x6400, $0x38;
	[tilespmem:$0x1F700] =	vst v63  }
0x224: {  	_ =	swait.ge [sflag:s22], $0x6400  }
0x225: {  	s23 =	sld [smem:$0x7EE]  }
0x226: {  	[sflag:s22] =	ssyncset.done $0x0  }
0x227: {  	s24 =	rddreg [dreg:$0x11];
	[sflag:s22] =	ssyncadd.s32 $0xFFFF9C00  }
0x228: {  	[hbm:s23], [sflag:s3] =	dma.local [spmem:s24], $0x320  }
0x229: {  	s1 =	sld [smem:$0x7EF]  }
0x22a: {  	s25 =	sld [smem:$0x7FA];
	_ =	sdelay $0x2  }
0x22b: {  	[hbm:s1], [sflag:s3] =	dma.local [spmem:s25], $0x320  }
0x22c: {  	s1 =	sld [smem:$0x7F0]  }
0x22d: {  	s14 =	sld [smem:$0x7FB];
	_ =	sdelay $0x2  }
0x22e: {  	[hbm:s1], [sflag:s3] =	dma.local [spmem:s14], $0x320  }
0x22f: {  	s1 =	sld [smem:$0x7F1]  }
0x230: {  	s14 =	sld [smem:$0x7FC];
	_ =	sdelay $0x1  }
0x231: {  	s28 =	simm.s32 $0x5  }
0x232: {  	[hbm:s1], [sflag:s3] =	dma.local [spmem:s14], $0x320  }
0x233: {  	_ =	swait.ge [sflag:s28], $0x6400  }
0x234: {  	s29 =	sld [smem:$0x7F2]  }
0x235: {  	[sflag:s28] =	ssyncset.done $0x0  }
0x236: {  	[sflag:s28] =	ssyncadd.s32 $0xFFFF9C00  }
0x237: {  	[hbm:s29], [sflag:s6] =	dma.local [spmem:s15], $0x320  }
0x238: {  	s1 =	sld [smem:$0x7F3];
	_ =	sdelay $0x2  }
0x239: {  	[hbm:s1], [sflag:s6] =	dma.local [spmem:s16], $0x320  }
0x23a: {  	s1 =	sld [smem:$0x7F4];
	_ =	sdelay $0x2  }
0x23b: {  	[hbm:s1], [sflag:s6] =	dma.local [spmem:s17], $0x320  }
0x23c: {  	s1 =	sld [smem:$0x7F5];
	_ =	sdelay $0x2  }
0x23d: {  	[hbm:s1], [sflag:s6] =	dma.local [spmem:s18], $0x320  }
0x23e: {  	_ =	swait.ge [sflag:s8], $0x320  }
0x23f: {  	[sflag:s8] =	ssyncset.done $0x0  }
0x240: {  	[sflag:s8] =	ssyncadd.s32 $0xFFFFFCE0  }
0x241: {  	_ =	swait.ge [sflag:s8], $0x320  }
0x242: {  	[sflag:s8] =	ssyncset.done $0x0  }
0x243: {  	[sflag:s8] =	ssyncadd.s32 $0xFFFFFCE0  }
0x244: {  	_ =	swait.ge [sflag:s8], $0x320  }
0x245: {  	[sflag:s8] =	ssyncset.done $0x0  }
0x246: {  	[sflag:s8] =	ssyncadd.s32 $0xFFFFFCE0  }
0x247: {  	_ =	swait.ge [sflag:s8], $0x320  }
0x248: {  	[sflag:s8] =	ssyncset.done $0x0  }
0x249: {  	[sflag:s8] =	ssyncadd.s32 $0xFFFFFCE0  }
0x24a: {  	_ =	swait.ge [sflag:s9], $0x320  }
0x24b: {  	[sflag:s9] =	ssyncset.done $0x0  }
0x24c: {  	[sflag:s9] =	ssyncadd.s32 $0xFFFFFCE0  }
0x24d: {  	_ =	swait.ge [sflag:s9], $0x320  }
0x24e: {  	[sflag:s9] =	ssyncset.done $0x0  }
0x24f: {  	[sflag:s9] =	ssyncadd.s32 $0xFFFFFCE0  }
0x250: {  	_ =	swait.ge [sflag:s9], $0x320  }
0x251: {  	[sflag:s9] =	ssyncset.done $0x0  }
0x252: {  	[sflag:s9] =	ssyncadd.s32 $0xFFFFFCE0  }
0x253: {  	_ =	swait.ge [sflag:s9], $0x320  }
0x254: {  	s30 =	sld [smem:$0x7E9]  }
0x255: {  	s31 =	sld [smem:$0x7F6];
	_ =	sdelay $0x1  }
0x256: {  	s22 =	rddreg [dreg:$0x10];
	s0 =	sadd.s32 $0x1, s30  }
0x257: {  	s12 =	rddreg [dreg:$0x19];
	p0 =	sne.s32 s0, s31  }
.Ltmp1:
0x258: {  	s11 =	rddreg [dreg:$0x1a];
	(pc) =	sbr.rel @p0 .LBB2_1-.Ltmp1, $4  }
0x259: {  	s4 =	rddreg [dreg:$0x1b]  }
0x25a: {  	s20 =	rddreg [dreg:$0x17]  }
0x25b: {  	[sflag:s9] =	ssyncset.done $0x0;
	s6 =	rddreg [dreg:$0x1c]  }
0x25c: {  	[sflag:s9] =	ssyncadd.s32 $0xFFFFFCE0;
	s9 =	rddreg [dreg:$0x18]  }
0x25d: {  	_ =	sfence.sel $0x180000  }
0x25e: {  	[bflag:$0x0] =	sbarrier.arrive $0xFFFF  }
0x25f: {  	_ =	strace $0x90000047  }
0x260: {  	[bflag:$0x2] =	sbarrier.arrive $0xFFFF  }
0x261: {  	p0 =	sne.s32 s10, $0x0;
	s0 =	rddreg [dreg:$0x5]  }
0x262: {  	s0 =	sadd.s32 @!p0 $0x100000, s0  }
0x263: {  	[sflag:s0] =	ssyncadd.tile.s32 @!p0 $0x1;
	_ =	shalt  }
.Lfunc_end2:
_tile_overlayer_lowered:
.L_overlay_start_2:
0x264: {  	(tag) =	ssettag $0x2  }
0x265: {  	s0 =	rddreg [dreg:$0x0];
	s2 =	stileid.u32  }
0x266: {  	s1 =	rddreg [dreg:$0x1];
	p0 =	sne.s32 s2, $0x0  }
0x267: {  	s3 =	rddreg [dreg:$0x2];
	[bflag:$0x3] =	sbarrier.arrive $0xFFFF;
	s2 =	simm.s32 @!p0 $0x1C09  }
0x268: {  	[timem:s3], [sflag:s2] =	dma.local @!p0 [hbm:s0], s1  }
0x269: {  	s0 =	simm.s32 @!p0 $0x9  }
0x26a: {  	_ =	swait.ge @!p0 [sflag:s0], s1  }
0x26b: {  	s1 =	ssub.s32 @!p0 $0x0, s1;
	[sflag:s0] =	ssyncset.done @!p0 $0x0  }
0x26c: {  	[sflag:s0] =	ssyncadd.s32 @!p0 s1  }
0x26d: {  	[bflag:$0x3] =	sbarrier.arrive $0xFFFF  }
0x26e: {  	_ =	shalt  }

</sc_bundles>
